<compile_context>
chip_gen: v7x
topology: tpu7x:2x2x1
jax: 0.10.2.dev20260603
libtpu: 0.0.44.dev20260713+nightly
codegen_flags: <defaults>
</compile_context>

<pallas_src>
import functools

import jax
import jax.numpy as jnp
from jax import lax
from jax.experimental import pallas as pl
from jax.experimental.pallas import tpu as pltpu
from jax.experimental.pallas import tpu_sc as plsc

_T, _D, _F, _E = 2048, 768, 768, 16
_BT = 128
_NB = _T // _BT + _E
_P = _NB * _BT

_NC, _NS = 2, 16
_NW = _NC * _NS
_CHUNK = _T // _NW


def _excl_cumsum_rows(x):
    c = x
    k = 1
    while k < x.shape[0]:
        c = c + jnp.concatenate([jnp.zeros((k, x.shape[1]), x.dtype), c[:-k, :]], axis=0)
        k *= 2
    return c - x


def _plan_body(h_ref, rw_ref, scaled_ref, pos_ref, bmap_ref, xmap_ref):
    h = h_ref[...]
    logits = jnp.dot(h, rw_ref[...], preferred_element_type=jnp.float32)
    m = jnp.max(logits, axis=1, keepdims=True)
    e_iota = lax.broadcasted_iota(jnp.int32, (_T, _E), 1)
    idx = jnp.min(jnp.where(logits == m, e_iota, _E), axis=1, keepdims=True)
    scaled_ref[...] = h * jax.nn.sigmoid(m)
    oh = (e_iota == idx).astype(jnp.int32)
    rank = jnp.sum(oh * _excl_cumsum_rows(oh), axis=1, keepdims=True)
    counts = jnp.sum(oh, axis=0, keepdims=True)
    nb = (counts + _BT - 1) // _BT
    s = nb
    k = 1
    while k < _E:
        s = s + jnp.concatenate([jnp.zeros((1, k), jnp.int32), s[:, :-k]], axis=1)
        k *= 2
    blk_start = s - nb
    used = jnp.sum(nb)
    pos_ref[...] = jnp.sum(oh * (blk_start * _BT), axis=1, keepdims=True) + rank
    b_iota = lax.broadcasted_iota(jnp.int32, (_NB, _E), 0)
    bb = jnp.minimum(b_iota, used - 1)
    bmap_ref[...] = jnp.sum((s <= bb).astype(jnp.int32), axis=1, keepdims=True)
    xmap_ref[...] = bb[:, :1]


_plan = pl.pallas_call(
    _plan_body,
    out_shape=(
        jax.ShapeDtypeStruct((_T, _D), jnp.float32),
        jax.ShapeDtypeStruct((_T, 1), jnp.int32),
        jax.ShapeDtypeStruct((_NB, 1), jnp.int32),
        jax.ShapeDtypeStruct((_NB, 1), jnp.int32),
    ),
)


def _mm_body(bmap_ref, xmap_ref, x_ref, wg_ref, wu_ref, wd_ref, y_ref):
    del bmap_ref, xmap_ref
    x = x_ref[...]
    g = jnp.dot(x, wg_ref[0], preferred_element_type=jnp.float32)
    u = jnp.dot(x, wu_ref[0], preferred_element_type=jnp.float32)
    a = g * jax.nn.sigmoid(g) * u
    y_ref[...] = jnp.dot(a, wd_ref[0], preferred_element_type=jnp.float32)


_grouped_mm = pl.pallas_call(
    _mm_body,
    grid_spec=pltpu.PrefetchScalarGridSpec(
        num_scalar_prefetch=2,
        grid=(_NB,),
        in_specs=[
            pl.BlockSpec((_BT, _D), lambda b, bmap, xmap: (xmap[b], 0)),
            pl.BlockSpec((1, _D, _F), lambda b, bmap, xmap: (bmap[b], 0, 0)),
            pl.BlockSpec((1, _D, _F), lambda b, bmap, xmap: (bmap[b], 0, 0)),
            pl.BlockSpec((1, _F, _D), lambda b, bmap, xmap: (bmap[b], 0, 0)),
        ],
        out_specs=pl.BlockSpec((_BT, _D), lambda b, bmap, xmap: (xmap[b], 0)),
    ),
    out_shape=jax.ShapeDtypeStruct((_P, _D), jnp.float32),
)

_BC = 256


def _shared_body(h_ref, wsg_ref, wsu_ref, wsd_ref, o_ref):
    h = h_ref[...]
    g = jnp.dot(h, wsg_ref[...], preferred_element_type=jnp.float32)
    u = jnp.dot(h, wsu_ref[...], preferred_element_type=jnp.float32)
    a = g * jax.nn.sigmoid(g) * u
    o_ref[...] = jnp.dot(a, wsd_ref[...], preferred_element_type=jnp.float32)


_shared_mlp = pl.pallas_call(
    _shared_body,
    grid=(_T // _BC,),
    in_specs=[
        pl.BlockSpec((_BC, _D), lambda i: (i, 0)),
        pl.BlockSpec((_D, _F), lambda i: (0, 0)),
        pl.BlockSpec((_D, _F), lambda i: (0, 0)),
        pl.BlockSpec((_F, _D), lambda i: (0, 0)),
    ],
    out_specs=pl.BlockSpec((_BC, _D), lambda i: (i, 0)),
    out_shape=jax.ShapeDtypeStruct((_T, _D), jnp.float32),
)

@functools.cache
def _sc_kernels():
    mesh = plsc.VectorSubcoreMesh(
        core_axis_name="c", subcore_axis_name="s", num_cores=_NC, num_subcores=_NS
    )
    _H = _CHUNK // 2

    @functools.partial(
        pl.kernel,
        mesh=mesh,
        out_type=jax.ShapeDtypeStruct((_P, _D), jnp.float32),
        scratch_types=[
            pltpu.VMEM((2, _H), jnp.int32),
            pltpu.VMEM((_CHUNK, _D), jnp.float32),
            pltpu.SemaphoreType.DMA,
            pltpu.SemaphoreType.DMA,
            pltpu.SemaphoreType.DMA,
            pltpu.SemaphoreType.DMA,
        ],
    )
    def sc_dispatch(scaled_hbm, pos3_hbm, xs_hbm, pos_v, rows_v, semp, sA, sB, sC):
        wid = lax.axis_index("s") * _NC + lax.axis_index("c")
        base = wid * _CHUNK
        cpp = pltpu.async_copy(pos3_hbm.at[wid], pos_v, semp)
        cpA = pltpu.async_copy(scaled_hbm.at[pl.ds(base, _H)], rows_v.at[pl.ds(0, _H)], sA)
        cpB = pltpu.async_copy(scaled_hbm.at[pl.ds(base + _H, _H)], rows_v.at[pl.ds(_H, _H)], sB)
        cpp.wait()
        cpA.wait()
        scA = pltpu.async_copy(rows_v.at[pl.ds(0, _H)], xs_hbm.at[pos_v.at[0]], sC)
        cpB.wait()
        scB = pltpu.async_copy(rows_v.at[pl.ds(_H, _H)], xs_hbm.at[pos_v.at[1]], sA)
        scA.wait()
        scB.wait()

    @functools.partial(
        pl.kernel,
        mesh=mesh,
        out_type=jax.ShapeDtypeStruct((_T, _D), jnp.float32),
        scratch_types=[
            pltpu.VMEM((2, _H), jnp.int32),
            pltpu.VMEM((_CHUNK, _D), jnp.float32),
            pltpu.VMEM((_CHUNK, _D), jnp.float32),
            pltpu.SemaphoreType.DMA,
            pltpu.SemaphoreType.DMA,
            pltpu.SemaphoreType.DMA,
            pltpu.SemaphoreType.DMA,
        ],
    )
    def sc_gather_add(ys_hbm, pos3_hbm, sh_hbm, out_hbm, pos_v, rows_v, sh_v, semp, sA, sB, sC):
        wid = lax.axis_index("s") * _NC + lax.axis_index("c")
        base = wid * _CHUNK
        cpp = pltpu.async_copy(pos3_hbm.at[wid], pos_v, semp)
        cp_sh = pltpu.async_copy(sh_hbm.at[pl.ds(base, _CHUNK)], sh_v, sC)
        cpp.wait()
        g1 = pltpu.async_copy(ys_hbm.at[pos_v.at[0]], rows_v.at[pl.ds(0, _H)], sA)
        g2 = pltpu.async_copy(ys_hbm.at[pos_v.at[1]], rows_v.at[pl.ds(_H, _H)], sB)

        def _add_row(i, carry):
            for j in range(_D // 16):
                sl = pl.ds(j * 16, 16)
                rows_v[i, sl] = rows_v[i, sl] + sh_v[i, sl]
            return carry

        g1.wait()
        cp_sh.wait()
        lax.fori_loop(0, _H, _add_row, 0)
        o1 = pltpu.async_copy(rows_v.at[pl.ds(0, _H)], out_hbm.at[pl.ds(base, _H)], sA)
        g2.wait()
        lax.fori_loop(_H, _CHUNK, _add_row, 0)
        o2 = pltpu.async_copy(rows_v.at[pl.ds(_H, _H)], out_hbm.at[pl.ds(base + _H, _H)], sB)
        o1.wait()
        o2.wait()

    return sc_dispatch, sc_gather_add


def kernel(hidden_states, router_w, w_gate, w_up, w_down, ws_gate, ws_up, ws_down):
    sc_dispatch, sc_gather_add = _sc_kernels()
    scaled, pos2, bmap2, xmap2 = _plan(hidden_states, router_w)
    pos3 = pos2.reshape(_NW, 2, _CHUNK // 2)
    bmap = bmap2.reshape(_NB)
    xmap = xmap2.reshape(_NB)
    xs = sc_dispatch(scaled, pos3)
    shared = _shared_mlp(hidden_states, ws_gate, ws_up, ws_down)
    ys = _grouped_mm(bmap, xmap, xs, w_gate, w_up, w_down)
    return sc_gather_add(ys, pos3, shared)

# --- scband reference (transcript-rebuilt; emitter-appended) ---
"""Pipeline reference for scband-llama4-mo-e-17506286698804 (READ-ONLY COPY).

The authoritative reference and input builder live on the scoring server;
editing this copy changes nothing except your own understanding.
"""

import jax, jax.numpy as jnp
import numpy as np

T = 2048
D = 768
F = 768
E = 16
TOPK = 1

def setup_inputs(seed: int = 0) -> dict:
    key = jax.random.key(seed)
    ks = jax.random.split(key, 8)
    hidden_states = jax.random.normal(ks[0], (T, D), dtype=jnp.float32)
    router_w = jax.random.normal(ks[1], (D, E), dtype=jnp.float32) * (1.0 / np.sqrt(D))
    w_gate = jax.random.normal(ks[2], (E, D, F), dtype=jnp.float32) * 0.02
    w_up = jax.random.normal(ks[3], (E, D, F), dtype=jnp.float32) * 0.02
    w_down = jax.random.normal(ks[4], (E, F, D), dtype=jnp.float32) * 0.02
    ws_gate = jax.random.normal(ks[5], (D, F), dtype=jnp.float32) * 0.02
    ws_up = jax.random.normal(ks[6], (D, F), dtype=jnp.float32) * 0.02
    ws_down = jax.random.normal(ks[7], (F, D), dtype=jnp.float32) * 0.02
    return {"hidden_states": hidden_states, "router_w": router_w,
            "w_gate": w_gate, "w_up": w_up, "w_down": w_down,
            "ws_gate": ws_gate, "ws_up": ws_up, "ws_down": ws_down}

def reference(hidden_states, router_w, w_gate, w_up, w_down, ws_gate, ws_up, ws_down):
    # Router (ReplicatedLinear, no bias)
    router_logits = hidden_states @ router_w  # [T, E]
    # custom_routing_function: top-k on raw logits, then sigmoid of selected scores
    scores, idx = jax.lax.top_k(router_logits, TOPK)  # [T, K]
    scores = jax.nn.sigmoid(scores.astype(jnp.float32))  # renormalize=False
    # apply_router_weight_on_input=True: scale token copy by its router score before expert MLP
    x_k = hidden_states[:, None, :] * scores[..., None]  # [T, K, D]
    dispatch = jax.nn.one_hot(idx, E, dtype=hidden_states.dtype)  # [T, K, E]
    x_e = jnp.einsum('tke,tkd->etd', dispatch, x_k)  # [E, T, D]
    g = jax.nn.silu(jnp.einsum('etd,edf->etf', x_e, w_gate))
    u = jnp.einsum('etd,edf->etf', x_e, w_up)
    y_e = jnp.einsum('etf,efd->etd', g * u, w_down)  # [E, T, D]
    routed_out = jnp.sum(y_e, axis=0)  # combine (zero rows contribute zero since silu(0)*0=0)
    # Shared expert: LlamaMLP with SiLU gating
    shared_out = (jax.nn.silu(hidden_states @ ws_gate) * (hidden_states @ ws_up)) @ ws_down
    return routed_out + shared_out

if __name__ == "__main__":
    import jax
    _d = setup_inputs()
    print(jax.jit(kernel)(*tuple(_d.values())))

</pallas_src>

<mosaic_0001>
#map = affine_map<(d0, d1) -> (0, 0)>
#map1 = affine_map<(d0, d1) -> (0, 0, 0)>
module attributes {stable_mosaic.version = 14 : i64} {
  func.func @sc_gather_add(%arg0: i32, %arg1: i32, %arg2: memref<4096x768xf32, #tpu.memory_space<hbm>>, %arg3: memref<32x2x32xi32, #tpu.memory_space<hbm>>, %arg4: memref<2048x768xf32, #tpu.memory_space<hbm>>, %arg5: memref<2048x768xf32, #tpu.memory_space<hbm>>, %arg6: memref<2x32xi32, #tpu.memory_space<vmem>>, %arg7: memref<64x768xf32, #tpu.memory_space<vmem>>, %arg8: memref<64x768xf32, #tpu.memory_space<vmem>>, %arg9: memref<!tpu.dma_semaphore, #tpu.memory_space<semaphore_mem>>, %arg10: memref<!tpu.dma_semaphore, #tpu.memory_space<semaphore_mem>>, %arg11: memref<!tpu.dma_semaphore, #tpu.memory_space<semaphore_mem>>, %arg12: memref<!tpu.dma_semaphore, #tpu.memory_space<semaphore_mem>>) attributes {dimension_semantics = [#tpu.dimension_semantics<core_parallel>, #tpu.dimension_semantics<subcore_parallel>], iteration_bounds = array<i64: 2, 16>, scalar_prefetch = 0 : i64, scratch_operands = 7 : i64, tpu.core_type = #tpu.core_type<sc_vector_subcore>, window_params = [{transform_indices = #map}, {transform_indices = #map1}, {transform_indices = #map}, {transform_indices = #map}]} {
    %mul3A = arith.constant 2 : i32
    %mul3A_0 = arith.muli %arg1, %mul3A : i32
    %add3A = arith.addi %mul3A_0, %arg0 : i32
    %mul3A_1 = arith.constant 64 : i32
    %mul3A_2 = arith.muli %add3A, %mul3A_1 : i32
    %dma_start3A = arith.constant 0 : i32
    %dma_start3A_3 = arith.constant 0 : i32
    %dma_start3A_4 = tpu.memref_slice %arg3[%add3A, %dma_start3A, %dma_start3A_3] : memref<32x2x32xi32, #tpu.memory_space<hbm>> -> memref<1x2x32xi32, #tpu.memory_space<hbm>>
    %dma_start3A_5 = tpu.memref_squeeze %dma_start3A_4 : memref<1x2x32xi32, #tpu.memory_space<hbm>> -> memref<2x32xi32, #tpu.memory_space<hbm>>
    %dma_start3A_6 = arith.constant 0 : i32
    %dma_start3A_7 = arith.constant 0 : i32
    %dma_start3A_8 = tpu.memref_slice %arg3[%add3A, %dma_start3A_6, %dma_start3A_7] : memref<32x2x32xi32, #tpu.memory_space<hbm>> -> memref<1x2x32xi32, #tpu.memory_space<hbm>>
    %dma_start3A_9 = tpu.memref_squeeze %dma_start3A_8 : memref<1x2x32xi32, #tpu.memory_space<hbm>> -> memref<2x32xi32, #tpu.memory_space<hbm>>
    tpu.enqueue_dma source(%dma_start3A_9 : memref<2x32xi32, #tpu.memory_space<hbm>>) target(%arg6 : memref<2x32xi32, #tpu.memory_space<vmem>>) target_semaphore(%arg9 : memref<!tpu.dma_semaphore, #tpu.memory_space<semaphore_mem>>)
    %dma_start3A_10 = arith.constant 0 : i32
    %dma_start3A_11 = tpu.memref_slice %arg4[%mul3A_2, %dma_start3A_10] : memref<2048x768xf32, #tpu.memory_space<hbm>> -> memref<64x768xf32, #tpu.memory_space<hbm>>
    %dma_start3A_12 = arith.constant 0 : i32
    %dma_start3A_13 = tpu.memref_slice %arg4[%mul3A_2, %dma_start3A_12] : memref<2048x768xf32, #tpu.memory_space<hbm>> -> memref<64x768xf32, #tpu.memory_space<hbm>>
    tpu.enqueue_dma source(%dma_start3A_13 : memref<64x768xf32, #tpu.memory_space<hbm>>) target(%arg8 : memref<64x768xf32, #tpu.memory_space<vmem>>) target_semaphore(%arg12 : memref<!tpu.dma_semaphore, #tpu.memory_space<semaphore_mem>>)
    %dma_wait3A = arith.constant 0 : i32
    %dma_wait3A_14 = arith.constant 0 : i32
    %dma_wait3A_15 = tpu.memref_slice %arg3[%add3A, %dma_wait3A, %dma_wait3A_14] : memref<32x2x32xi32, #tpu.memory_space<hbm>> -> memref<1x2x32xi32, #tpu.memory_space<hbm>>
    %dma_wait3A_16 = tpu.memref_squeeze %dma_wait3A_15 : memref<1x2x32xi32, #tpu.memory_space<hbm>> -> memref<2x32xi32, #tpu.memory_space<hbm>>
    %dma_wait3A_17 = arith.constant 0 : i32
    %dma_wait3A_18 = arith.constant 0 : i32
    %dma_wait3A_19 = tpu.memref_slice %arg3[%add3A, %dma_wait3A_17, %dma_wait3A_18] : memref<32x2x32xi32, #tpu.memory_space<hbm>> -> memref<1x2x32xi32, #tpu.memory_space<hbm>>
    %dma_wait3A_20 = tpu.memref_squeeze %dma_wait3A_19 : memref<1x2x32xi32, #tpu.memory_space<hbm>> -> memref<2x32xi32, #tpu.memory_space<hbm>>
    tpu.wait_dma2 semaphore(%arg9 : memref<!tpu.dma_semaphore, #tpu.memory_space<semaphore_mem>>) src(%dma_wait3A_20 : memref<2x32xi32, #tpu.memory_space<hbm>>) dst(%arg6 : memref<2x32xi32, #tpu.memory_space<vmem>>)
    %dma_start3A_21 = arith.constant 0 : i32
    %dma_start3A_22 = arith.constant 0 : i32
    %dma_start3A_23 = arith.constant 0 : i32
    %dma_start3A_24 = tpu.memref_slice %arg7[%dma_start3A_22, %dma_start3A_23] : memref<64x768xf32, #tpu.memory_space<vmem>> -> memref<32x768xf32, #tpu.memory_space<vmem>>
    %dma_start3A_25 = arith.constant 0 : i32
    %dma_start3A_26 = tpu.memref_slice %arg6[%dma_start3A_21, %dma_start3A_25] : memref<2x32xi32, #tpu.memory_space<vmem>> -> memref<1x32xi32, #tpu.memory_space<vmem>>
    %dma_start3A_27 = tpu.memref_squeeze %dma_start3A_26 : memref<1x32xi32, #tpu.memory_space<vmem>> -> memref<32xi32, #tpu.memory_space<vmem>>
    %dma_start3A_28 = arith.constant 0 : i32
    %dma_start3A_29 = arith.constant 0 : i32
    %dma_start3A_30 = tpu.memref_slice %arg2[%dma_start3A_28, %dma_start3A_29] : memref<4096x768xf32, #tpu.memory_space<hbm>> -> memref<4096x768xf32, #tpu.memory_space<hbm>>
    tpu.enqueue_indirect_dma source(%dma_start3A_30 : memref<4096x768xf32, #tpu.memory_space<hbm>>) target(%dma_start3A_24 : memref<32x768xf32, #tpu.memory_space<vmem>>) offsets(%dma_start3A_27 : memref<32xi32, #tpu.memory_space<vmem>>) semaphore(%arg10 : memref<!tpu.dma_semaphore, #tpu.memory_space<semaphore_mem>>)
    %dma_start3A_31 = arith.constant 1 : i32
    %dma_start3A_32 = arith.constant 32 : i32
    %dma_start3A_33 = arith.constant 0 : i32
    %dma_start3A_34 = tpu.memref_slice %arg7[%dma_start3A_32, %dma_start3A_33] : memref<64x768xf32, #tpu.memory_space<vmem>> -> memref<32x768xf32, #tpu.memory_space<vmem>>
    %dma_start3A_35 = arith.constant 0 : i32
    %dma_start3A_36 = tpu.memref_slice %arg6[%dma_start3A_31, %dma_start3A_35] : memref<2x32xi32, #tpu.memory_space<vmem>> -> memref<1x32xi32, #tpu.memory_space<vmem>>
    %dma_start3A_37 = tpu.memref_squeeze %dma_start3A_36 : memref<1x32xi32, #tpu.memory_space<vmem>> -> memref<32xi32, #tpu.memory_space<vmem>>
    %dma_start3A_38 = arith.constant 0 : i32
    %dma_start3A_39 = arith.constant 0 : i32
    %dma_start3A_40 = tpu.memref_slice %arg2[%dma_start3A_38, %dma_start3A_39] : memref<4096x768xf32, #tpu.memory_space<hbm>> -> memref<4096x768xf32, #tpu.memory_space<hbm>>
    tpu.enqueue_indirect_dma source(%dma_start3A_40 : memref<4096x768xf32, #tpu.memory_space<hbm>>) target(%dma_start3A_34 : memref<32x768xf32, #tpu.memory_space<vmem>>) offsets(%dma_start3A_37 : memref<32xi32, #tpu.memory_space<vmem>>) semaphore(%arg11 : memref<!tpu.dma_semaphore, #tpu.memory_space<semaphore_mem>>)
    %dma_wait3A_41 = arith.constant 0 : i32
    %dma_wait3A_42 = arith.constant 0 : i32
    %dma_wait3A_43 = arith.constant 0 : i32
    %dma_wait3A_44 = tpu.memref_slice %arg7[%dma_wait3A_42, %dma_wait3A_43] : memref<64x768xf32, #tpu.memory_space<vmem>> -> memref<32x768xf32, #tpu.memory_space<vmem>>
    %dma_wait3A_45 = arith.constant 0 : i32
    %dma_wait3A_46 = tpu.memref_slice %arg6[%dma_wait3A_41, %dma_wait3A_45] : memref<2x32xi32, #tpu.memory_space<vmem>> -> memref<1x32xi32, #tpu.memory_space<vmem>>
    %dma_wait3A_47 = tpu.memref_squeeze %dma_wait3A_46 : memref<1x32xi32, #tpu.memory_space<vmem>> -> memref<32xi32, #tpu.memory_space<vmem>>
    %dma_wait3A_48 = arith.constant 0 : i32
    %dma_wait3A_49 = arith.constant 0 : i32
    %dma_wait3A_50 = tpu.memref_slice %arg2[%dma_wait3A_48, %dma_wait3A_49] : memref<4096x768xf32, #tpu.memory_space<hbm>> -> memref<4096x768xf32, #tpu.memory_space<hbm>>
    tpu.wait_indirect_dma semaphore(%arg10 : memref<!tpu.dma_semaphore, #tpu.memory_space<semaphore_mem>>) src(%dma_wait3A_50 : memref<4096x768xf32, #tpu.memory_space<hbm>>) dst(%dma_wait3A_44 : memref<32x768xf32, #tpu.memory_space<vmem>>)
    %dma_wait3A_51 = arith.constant 0 : i32
    %dma_wait3A_52 = tpu.memref_slice %arg4[%mul3A_2, %dma_wait3A_51] : memref<2048x768xf32, #tpu.memory_space<hbm>> -> memref<64x768xf32, #tpu.memory_space<hbm>>
    %dma_wait3A_53 = arith.constant 0 : i32
    %dma_wait3A_54 = tpu.memref_slice %arg4[%mul3A_2, %dma_wait3A_53] : memref<2048x768xf32, #tpu.memory_space<hbm>> -> memref<64x768xf32, #tpu.memory_space<hbm>>
    tpu.wait_dma2 semaphore(%arg12 : memref<!tpu.dma_semaphore, #tpu.memory_space<semaphore_mem>>) src(%dma_wait3A_54 : memref<64x768xf32, #tpu.memory_space<hbm>>) dst(%arg8 : memref<64x768xf32, #tpu.memory_space<vmem>>)
    %scan3A = arith.constant 0 : i32
    %scan3A_55 = arith.constant 0 : i32
    %scan3A_56 = arith.constant 32 : i32
    %scan3A_57 = arith.addi %scan3A_55, %scan3A_56 : i32
    %scan3A_58 = arith.constant 1 : i32
    scf.for %scan3A_118 = %scan3A_55 to %scan3A_57 step %scan3A_58  : i32 {
      %get3A = arith.index_cast %scan3A_118 : i32 to index
      %get3A_119 = arith.constant 0 : index
      %get3A_120 = tpu.vector_load %arg7[%get3A, %get3A_119] {strides = array<i32>} : memref<64x768xf32, #tpu.memory_space<vmem>>, vector<1x16xf32>,
      %get3A_121 = vector.shape_cast %get3A_120 : vector<1x16xf32> to vector<16xf32>
      %get3A_122 = arith.index_cast %scan3A_118 : i32 to index
      %get3A_123 = arith.constant 0 : index
      %get3A_124 = tpu.vector_load %arg8[%get3A_122, %get3A_123] {strides = array<i32>} : memref<64x768xf32, #tpu.memory_space<vmem>>, vector<1x16xf32>,
      %get3A_125 = vector.shape_cast %get3A_124 : vector<1x16xf32> to vector<16xf32>
      %add3A_126 = arith.addf %get3A_121, %get3A_125 : vector<16xf32>
      %swap3A = arith.index_cast %scan3A_118 : i32 to index
      %swap3A_127 = arith.constant 0 : index
      %swap3A_128 = tpu.vector_load %arg7[%swap3A, %swap3A_127] {strides = array<i32>} : memref<64x768xf32, #tpu.memory_space<vmem>>, vector<1x16xf32>,
      %swap3A_129 = vector.shape_cast %swap3A_128 : vector<1x16xf32> to vector<16xf32>
      %swap3A_130 = vector.shape_cast %add3A_126 : vector<16xf32> to vector<1x16xf32>
      tpu.vector_store %arg7[%swap3A, %swap3A_127], %swap3A_130 {strides = array<i32>} : memref<64x768xf32, #tpu.memory_space<vmem>>, vector<1x16xf32>,
      %get3A_131 = arith.index_cast %scan3A_118 : i32 to index
      %get3A_132 = arith.constant 16 : index
      %get3A_133 = tpu.vector_load %arg7[%get3A_131, %get3A_132] {strides = array<i32>} : memref<64x768xf32, #tpu.memory_space<vmem>>, vector<1x16xf32>,
      %get3A_134 = vector.shape_cast %get3A_133 : vector<1x16xf32> to vector<16xf32>
      %get3A_135 = arith.index_cast %scan3A_118 : i32 to index
      %get3A_136 = arith.constant 16 : index
      %get3A_137 = tpu.vector_load %arg8[%get3A_135, %get3A_136] {strides = array<i32>} : memref<64x768xf32, #tpu.memory_space<vmem>>, vector<1x16xf32>,
      %get3A_138 = vector.shape_cast %get3A_137 : vector<1x16xf32> to vector<16xf32>
      %add3A_139 = arith.addf %get3A_134, %get3A_138 : vector<16xf32>
      %swap3A_140 = arith.index_cast %scan3A_118 : i32 to index
      %swap3A_141 = arith.constant 16 : index
      %swap3A_142 = tpu.vector_load %arg7[%swap3A_140, %swap3A_141] {strides = array<i32>} : memref<64x768xf32, #tpu.memory_space<vmem>>, vector<1x16xf32>,
      %swap3A_143 = vector.shape_cast %swap3A_142 : vector<1x16xf32> to vector<16xf32>
      %swap3A_144 = vector.shape_cast %add3A_139 : vector<16xf32> to vector<1x16xf32>
      tpu.vector_store %arg7[%swap3A_140, %swap3A_141], %swap3A_144 {strides = array<i32>} : memref<64x768xf32, #tpu.memory_space<vmem>>, vector<1x16xf32>,
      %get3A_145 = arith.index_cast %scan3A_118 : i32 to index
      %get3A_146 = arith.constant 32 : index
      %get3A_147 = tpu.vector_load %arg7[%get3A_145, %get3A_146] {strides = array<i32>} : memref<64x768xf32, #tpu.memory_space<vmem>>, vector<1x16xf32>,
      %get3A_148 = vector.shape_cast %get3A_147 : vector<1x16xf32> to vector<16xf32>
      %get3A_149 = arith.index_cast %scan3A_118 : i32 to index
      %get3A_150 = arith.constant 32 : index
      %get3A_151 = tpu.vector_load %arg8[%get3A_149, %get3A_150] {strides = array<i32>} : memref<64x768xf32, #tpu.memory_space<vmem>>, vector<1x16xf32>,
      %get3A_152 = vector.shape_cast %get3A_151 : vector<1x16xf32> to vector<16xf32>
      %add3A_153 = arith.addf %get3A_148, %get3A_152 : vector<16xf32>
      %swap3A_154 = arith.index_cast %scan3A_118 : i32 to index
      %swap3A_155 = arith.constant 32 : index
      %swap3A_156 = tpu.vector_load %arg7[%swap3A_154, %swap3A_155] {strides = array<i32>} : memref<64x768xf32, #tpu.memory_space<vmem>>, vector<1x16xf32>,
      %swap3A_157 = vector.shape_cast %swap3A_156 : vector<1x16xf32> to vector<16xf32>
      %swap3A_158 = vector.shape_cast %add3A_153 : vector<16xf32> to vector<1x16xf32>
      tpu.vector_store %arg7[%swap3A_154, %swap3A_155], %swap3A_158 {strides = array<i32>} : memref<64x768xf32, #tpu.memory_space<vmem>>, vector<1x16xf32>,
      %get3A_159 = arith.index_cast %scan3A_118 : i32 to index
      %get3A_160 = arith.constant 48 : index
      %get3A_161 = tpu.vector_load %arg7[%get3A_159, %get3A_160] {strides = array<i32>} : memref<64x768xf32, #tpu.memory_space<vmem>>, vector<1x16xf32>,
      %get3A_162 = vector.shape_cast %get3A_161 : vector<1x16xf32> to vector<16xf32>
      %get3A_163 = arith.index_cast %scan3A_118 : i32 to index
      %get3A_164 = arith.constant 48 : index
      %get3A_165 = tpu.vector_load %arg8[%get3A_163, %get3A_164] {strides = array<i32>} : memref<64x768xf32, #tpu.memory_space<vmem>>, vector<1x16xf32>,
      %get3A_166 = vector.shape_cast %get3A_165 : vector<1x16xf32> to vector<16xf32>
      %add3A_167 = arith.addf %get3A_162, %get3A_166 : vector<16xf32>
      %swap3A_168 = arith.index_cast %scan3A_118 : i32 to index
      %swap3A_169 = arith.constant 48 : index
      %swap3A_170 = tpu.vector_load %arg7[%swap3A_168, %swap3A_169] {strides = array<i32>} : memref<64x768xf32, #tpu.memory_space<vmem>>, vector<1x16xf32>,
      %swap3A_171 = vector.shape_cast %swap3A_170 : vector<1x16xf32> to vector<16xf32>
      %swap3A_172 = vector.shape_cast %add3A_167 : vector<16xf32> to vector<1x16xf32>
      tpu.vector_store %arg7[%swap3A_168, %swap3A_169], %swap3A_172 {strides = array<i32>} : memref<64x768xf32, #tpu.memory_space<vmem>>, vector<1x16xf32>,
      %get3A_173 = arith.index_cast %scan3A_118 : i32 to index
      %get3A_174 = arith.constant 64 : index
      %get3A_175 = tpu.vector_load %arg7[%get3A_173, %get3A_174] {strides = array<i32>} : memref<64x768xf32, #tpu.memory_space<vmem>>, vector<1x16xf32>,
      %get3A_176 = vector.shape_cast %get3A_175 : vector<1x16xf32> to vector<16xf32>
      %get3A_177 = arith.index_cast %scan3A_118 : i32 to index
      %get3A_178 = arith.constant 64 : index
      %get3A_179 = tpu.vector_load %arg8[%get3A_177, %get3A_178] {strides = array<i32>} : memref<64x768xf32, #tpu.memory_space<vmem>>, vector<1x16xf32>,
      %get3A_180 = vector.shape_cast %get3A_179 : vector<1x16xf32> to vector<16xf32>
      %add3A_181 = arith.addf %get3A_176, %get3A_180 : vector<16xf32>
      %swap3A_182 = arith.index_cast %scan3A_118 : i32 to index
      %swap3A_183 = arith.constant 64 : index
      %swap3A_184 = tpu.vector_load %arg7[%swap3A_182, %swap3A_183] {strides = array<i32>} : memref<64x768xf32, #tpu.memory_space<vmem>>, vector<1x16xf32>,
      %swap3A_185 = vector.shape_cast %swap3A_184 : vector<1x16xf32> to vector<16xf32>
      %swap3A_186 = vector.shape_cast %add3A_181 : vector<16xf32> to vector<1x16xf32>
      tpu.vector_store %arg7[%swap3A_182, %swap3A_183], %swap3A_186 {strides = array<i32>} : memref<64x768xf32, #tpu.memory_space<vmem>>, vector<1x16xf32>,
      %get3A_187 = arith.index_cast %scan3A_118 : i32 to index
      %get3A_188 = arith.constant 80 : index
      %get3A_189 = tpu.vector_load %arg7[%get3A_187, %get3A_188] {strides = array<i32>} : memref<64x768xf32, #tpu.memory_space<vmem>>, vector<1x16xf32>,
      %get3A_190 = vector.shape_cast %get3A_189 : vector<1x16xf32> to vector<16xf32>
      %get3A_191 = arith.index_cast %scan3A_118 : i32 to index
      %get3A_192 = arith.constant 80 : index
      %get3A_193 = tpu.vector_load %arg8[%get3A_191, %get3A_192] {strides = array<i32>} : memref<64x768xf32, #tpu.memory_space<vmem>>, vector<1x16xf32>,
      %get3A_194 = vector.shape_cast %get3A_193 : vector<1x16xf32> to vector<16xf32>
      %add3A_195 = arith.addf %get3A_190, %get3A_194 : vector<16xf32>
      %swap3A_196 = arith.index_cast %scan3A_118 : i32 to index
      %swap3A_197 = arith.constant 80 : index
      %swap3A_198 = tpu.vector_load %arg7[%swap3A_196, %swap3A_197] {strides = array<i32>} : memref<64x768xf32, #tpu.memory_space<vmem>>, vector<1x16xf32>,
      %swap3A_199 = vector.shape_cast %swap3A_198 : vector<1x16xf32> to vector<16xf32>
      %swap3A_200 = vector.shape_cast %add3A_195 : vector<16xf32> to vector<1x16xf32>
      tpu.vector_store %arg7[%swap3A_196, %swap3A_197], %swap3A_200 {strides = array<i32>} : memref<64x768xf32, #tpu.memory_space<vmem>>, vector<1x16xf32>,
      %get3A_201 = arith.index_cast %scan3A_118 : i32 to index
      %get3A_202 = arith.constant 96 : index
      %get3A_203 = tpu.vector_load %arg7[%get3A_201, %get3A_202] {strides = array<i32>} : memref<64x768xf32, #tpu.memory_space<vmem>>, vector<1x16xf32>,
      %get3A_204 = vector.shape_cast %get3A_203 : vector<1x16xf32> to vector<16xf32>
      %get3A_205 = arith.index_cast %scan3A_118 : i32 to index
      %get3A_206 = arith.constant 96 : index
      %get3A_207 = tpu.vector_load %arg8[%get3A_205, %get3A_206] {strides = array<i32>} : memref<64x768xf32, #tpu.memory_space<vmem>>, vector<1x16xf32>,
      %get3A_208 = vector.shape_cast %get3A_207 : vector<1x16xf32> to vector<16xf32>
      %add3A_209 = arith.addf %get3A_204, %get3A_208 : vector<16xf32>
      %swap3A_210 = arith.index_cast %scan3A_118 : i32 to index
      %swap3A_211 = arith.constant 96 : index
      %swap3A_212 = tpu.vector_load %arg7[%swap3A_210, %swap3A_211] {strides = array<i32>} : memref<64x768xf32, #tpu.memory_space<vmem>>, vector<1x16xf32>,
      %swap3A_213 = vector.shape_cast %swap3A_212 : vector<1x16xf32> to vector<16xf32>
      %swap3A_214 = vector.shape_cast %add3A_209 : vector<16xf32> to vector<1x16xf32>
      tpu.vector_store %arg7[%swap3A_210, %swap3A_211], %swap3A_214 {strides = array<i32>} : memref<64x768xf32, #tpu.memory_space<vmem>>, vector<1x16xf32>,
      %get3A_215 = arith.index_cast %scan3A_118 : i32 to index
      %get3A_216 = arith.constant 112 : index
      %get3A_217 = tpu.vector_load %arg7[%get3A_215, %get3A_216] {strides = array<i32>} : memref<64x768xf32, #tpu.memory_space<vmem>>, vector<1x16xf32>,
      %get3A_218 = vector.shape_cast %get3A_217 : vector<1x16xf32> to vector<16xf32>
      %get3A_219 = arith.index_cast %scan3A_118 : i32 to index
      %get3A_220 = arith.constant 112 : index
      %get3A_221 = tpu.vector_load %arg8[%get3A_219, %get3A_220] {strides = array<i32>} : memref<64x768xf32, #tpu.memory_space<vmem>>, vector<1x16xf32>,
      %get3A_222 = vector.shape_cast %get3A_221 : vector<1x16xf32> to vector<16xf32>
      %add3A_223 = arith.addf %get3A_218, %get3A_222 : vector<16xf32>
      %swap3A_224 = arith.index_cast %scan3A_118 : i32 to index
      %swap3A_225 = arith.constant 112 : index
      %swap3A_226 = tpu.vector_load %arg7[%swap3A_224, %swap3A_225] {strides = array<i32>} : memref<64x768xf32, #tpu.memory_space<vmem>>, vector<1x16xf32>,
      %swap3A_227 = vector.shape_cast %swap3A_226 : vector<1x16xf32> to vector<16xf32>
      %swap3A_228 = vector.shape_cast %add3A_223 : vector<16xf32> to vector<1x16xf32>
      tpu.vector_store %arg7[%swap3A_224, %swap3A_225], %swap3A_228 {strides = array<i32>} : memref<64x768xf32, #tpu.memory_space<vmem>>, vector<1x16xf32>,
      %get3A_229 = arith.index_cast %scan3A_118 : i32 to index
      %get3A_230 = arith.constant 128 : index
      %get3A_231 = tpu.vector_load %arg7[%get3A_229, %get3A_230] {strides = array<i32>} : memref<64x768xf32, #tpu.memory_space<vmem>>, vector<1x16xf32>,
      %get3A_232 = vector.shape_cast %get3A_231 : vector<1x16xf32> to vector<16xf32>
      %get3A_233 = arith.index_cast %scan3A_118 : i32 to index
      %get3A_234 = arith.constant 128 : index
      %get3A_235 = tpu.vector_load %arg8[%get3A_233, %get3A_234] {strides = array<i32>} : memref<64x768xf32, #tpu.memory_space<vmem>>, vector<1x16xf32>,
      %get3A_236 = vector.shape_cast %get3A_235 : vector<1x16xf32> to vector<16xf32>
      %add3A_237 = arith.addf %get3A_232, %get3A_236 : vector<16xf32>
      %swap3A_238 = arith.index_cast %scan3A_118 : i32 to index
      %swap3A_239 = arith.constant 128 : index
      %swap3A_240 = tpu.vector_load %arg7[%swap3A_238, %swap3A_239] {strides = array<i32>} : memref<64x768xf32, #tpu.memory_space<vmem>>, vector<1x16xf32>,
      %swap3A_241 = vector.shape_cast %swap3A_240 : vector<1x16xf32> to vector<16xf32>
      %swap3A_242 = vector.shape_cast %add3A_237 : vector<16xf32> to vector<1x16xf32>
      tpu.vector_store %arg7[%swap3A_238, %swap3A_239], %swap3A_242 {strides = array<i32>} : memref<64x768xf32, #tpu.memory_space<vmem>>, vector<1x16xf32>,
      %get3A_243 = arith.index_cast %scan3A_118 : i32 to index
      %get3A_244 = arith.constant 144 : index
      %get3A_245 = tpu.vector_load %arg7[%get3A_243, %get3A_244] {strides = array<i32>} : memref<64x768xf32, #tpu.memory_space<vmem>>, vector<1x16xf32>,
      %get3A_246 = vector.shape_cast %get3A_245 : vector<1x16xf32> to vector<16xf32>
      %get3A_247 = arith.index_cast %scan3A_118 : i32 to index
      %get3A_248 = arith.constant 144 : index
      %get3A_249 = tpu.vector_load %arg8[%get3A_247, %get3A_248] {strides = array<i32>} : memref<64x768xf32, #tpu.memory_space<vmem>>, vector<1x16xf32>,
      %get3A_250 = vector.shape_cast %get3A_249 : vector<1x16xf32> to vector<16xf32>
      %add3A_251 = arith.addf %get3A_246, %get3A_250 : vector<16xf32>
      %swap3A_252 = arith.index_cast %scan3A_118 : i32 to index
      %swap3A_253 = arith.constant 144 : index
      %swap3A_254 = tpu.vector_load %arg7[%swap3A_252, %swap3A_253] {strides = array<i32>} : memref<64x768xf32, #tpu.memory_space<vmem>>, vector<1x16xf32>,
      %swap3A_255 = vector.shape_cast %swap3A_254 : vector<1x16xf32> to vector<16xf32>
      %swap3A_256 = vector.shape_cast %add3A_251 : vector<16xf32> to vector<1x16xf32>
      tpu.vector_store %arg7[%swap3A_252, %swap3A_253], %swap3A_256 {strides = array<i32>} : memref<64x768xf32, #tpu.memory_space<vmem>>, vector<1x16xf32>,
      %get3A_257 = arith.index_cast %scan3A_118 : i32 to index
      %get3A_258 = arith.constant 160 : index
      %get3A_259 = tpu.vector_load %arg7[%get3A_257, %get3A_258] {strides = array<i32>} : memref<64x768xf32, #tpu.memory_space<vmem>>, vector<1x16xf32>,
      %get3A_260 = vector.shape_cast %get3A_259 : vector<1x16xf32> to vector<16xf32>
      %get3A_261 = arith.index_cast %scan3A_118 : i32 to index
      %get3A_262 = arith.constant 160 : index
      %get3A_263 = tpu.vector_load %arg8[%get3A_261, %get3A_262] {strides = array<i32>} : memref<64x768xf32, #tpu.memory_space<vmem>>, vector<1x16xf32>,
      %get3A_264 = vector.shape_cast %get3A_263 : vector<1x16xf32> to vector<16xf32>
      %add3A_265 = arith.addf %get3A_260, %get3A_264 : vector<16xf32>
      %swap3A_266 = arith.index_cast %scan3A_118 : i32 to index
      %swap3A_267 = arith.constant 160 : index
      %swap3A_268 = tpu.vector_load %arg7[%swap3A_266, %swap3A_267] {strides = array<i32>} : memref<64x768xf32, #tpu.memory_space<vmem>>, vector<1x16xf32>,
      %swap3A_269 = vector.shape_cast %swap3A_268 : vector<1x16xf32> to vector<16xf32>
      %swap3A_270 = vector.shape_cast %add3A_265 : vector<16xf32> to vector<1x16xf32>
      tpu.vector_store %arg7[%swap3A_266, %swap3A_267], %swap3A_270 {strides = array<i32>} : memref<64x768xf32, #tpu.memory_space<vmem>>, vector<1x16xf32>,
      %get3A_271 = arith.index_cast %scan3A_118 : i32 to index
      %get3A_272 = arith.constant 176 : index
      %get3A_273 = tpu.vector_load %arg7[%get3A_271, %get3A_272] {strides = array<i32>} : memref<64x768xf32, #tpu.memory_space<vmem>>, vector<1x16xf32>,
      %get3A_274 = vector.shape_cast %get3A_273 : vector<1x16xf32> to vector<16xf32>
      %get3A_275 = arith.index_cast %scan3A_118 : i32 to index
      %get3A_276 = arith.constant 176 : index
      %get3A_277 = tpu.vector_load %arg8[%get3A_275, %get3A_276] {strides = array<i32>} : memref<64x768xf32, #tpu.memory_space<vmem>>, vector<1x16xf32>,
      %get3A_278 = vector.shape_cast %get3A_277 : vector<1x16xf32> to vector<16xf32>
      %add3A_279 = arith.addf %get3A_274, %get3A_278 : vector<16xf32>
      %swap3A_280 = arith.index_cast %scan3A_118 : i32 to index
      %swap3A_281 = arith.constant 176 : index
      %swap3A_282 = tpu.vector_load %arg7[%swap3A_280, %swap3A_281] {strides = array<i32>} : memref<64x768xf32, #tpu.memory_space<vmem>>, vector<1x16xf32>,
      %swap3A_283 = vector.shape_cast %swap3A_282 : vector<1x16xf32> to vector<16xf32>
      %swap3A_284 = vector.shape_cast %add3A_279 : vector<16xf32> to vector<1x16xf32>
      tpu.vector_store %arg7[%swap3A_280, %swap3A_281], %swap3A_284 {strides = array<i32>} : memref<64x768xf32, #tpu.memory_space<vmem>>, vector<1x16xf32>,
      %get3A_285 = arith.index_cast %scan3A_118 : i32 to index
      %get3A_286 = arith.constant 192 : index
      %get3A_287 = tpu.vector_load %arg7[%get3A_285, %get3A_286] {strides = array<i32>} : memref<64x768xf32, #tpu.memory_space<vmem>>, vector<1x16xf32>,
      %get3A_288 = vector.shape_cast %get3A_287 : vector<1x16xf32> to vector<16xf32>
      %get3A_289 = arith.index_cast %scan3A_118 : i32 to index
      %get3A_290 = arith.constant 192 : index
      %get3A_291 = tpu.vector_load %arg8[%get3A_289, %get3A_290] {strides = array<i32>} : memref<64x768xf32, #tpu.memory_space<vmem>>, vector<1x16xf32>,
      %get3A_292 = vector.shape_cast %get3A_291 : vector<1x16xf32> to vector<16xf32>
      %add3A_293 = arith.addf %get3A_288, %get3A_292 : vector<16xf32>
      %swap3A_294 = arith.index_cast %scan3A_118 : i32 to index
      %swap3A_295 = arith.constant 192 : index
      %swap3A_296 = tpu.vector_load %arg7[%swap3A_294, %swap3A_295] {strides = array<i32>} : memref<64x768xf32, #tpu.memory_space<vmem>>, vector<1x16xf32>,
      %swap3A_297 = vector.shape_cast %swap3A_296 : vector<1x16xf32> to vector<16xf32>
      %swap3A_298 = vector.shape_cast %add3A_293 : vector<16xf32> to vector<1x16xf32>
      tpu.vector_store %arg7[%swap3A_294, %swap3A_295], %swap3A_298 {strides = array<i32>} : memref<64x768xf32, #tpu.memory_space<vmem>>, vector<1x16xf32>,
      %get3A_299 = arith.index_cast %scan3A_118 : i32 to index
      %get3A_300 = arith.constant 208 : index
      %get3A_301 = tpu.vector_load %arg7[%get3A_299, %get3A_300] {strides = array<i32>} : memref<64x768xf32, #tpu.memory_space<vmem>>, vector<1x16xf32>,
      %get3A_302 = vector.shape_cast %get3A_301 : vector<1x16xf32> to vector<16xf32>
      %get3A_303 = arith.index_cast %scan3A_118 : i32 to index
      %get3A_304 = arith.constant 208 : index
      %get3A_305 = tpu.vector_load %arg8[%get3A_303, %get3A_304] {strides = array<i32>} : memref<64x768xf32, #tpu.memory_space<vmem>>, vector<1x16xf32>,
      %get3A_306 = vector.shape_cast %get3A_305 : vector<1x16xf32> to vector<16xf32>
      %add3A_307 = arith.addf %get3A_302, %get3A_306 : vector<16xf32>
      %swap3A_308 = arith.index_cast %scan3A_118 : i32 to index
      %swap3A_309 = arith.constant 208 : index
      %swap3A_310 = tpu.vector_load %arg7[%swap3A_308, %swap3A_309] {strides = array<i32>} : memref<64x768xf32, #tpu.memory_space<vmem>>, vector<1x16xf32>,
      %swap3A_311 = vector.shape_cast %swap3A_310 : vector<1x16xf32> to vector<16xf32>
      %swap3A_312 = vector.shape_cast %add3A_307 : vector<16xf32> to vector<1x16xf32>
      tpu.vector_store %arg7[%swap3A_308, %swap3A_309], %swap3A_312 {strides = array<i32>} : memref<64x768xf32, #tpu.memory_space<vmem>>, vector<1x16xf32>,
      %get3A_313 = arith.index_cast %scan3A_118 : i32 to index
      %get3A_314 = arith.constant 224 : index
      %get3A_315 = tpu.vector_load %arg7[%get3A_313, %get3A_314] {strides = array<i32>} : memref<64x768xf32, #tpu.memory_space<vmem>>, vector<1x16xf32>,
      %get3A_316 = vector.shape_cast %get3A_315 : vector<1x16xf32> to vector<16xf32>
      %get3A_317 = arith.index_cast %scan3A_118 : i32 to index
      %get3A_318 = arith.constant 224 : index
      %get3A_319 = tpu.vector_load %arg8[%get3A_317, %get3A_318] {strides = array<i32>} : memref<64x768xf32, #tpu.memory_space<vmem>>, vector<1x16xf32>,
      %get3A_320 = vector.shape_cast %get3A_319 : vector<1x16xf32> to vector<16xf32>
      %add3A_321 = arith.addf %get3A_316, %get3A_320 : vector<16xf32>
      %swap3A_322 = arith.index_cast %scan3A_118 : i32 to index
      %swap3A_323 = arith.constant 224 : index
      %swap3A_324 = tpu.vector_load %arg7[%swap3A_322, %swap3A_323] {strides = array<i32>} : memref<64x768xf32, #tpu.memory_space<vmem>>, vector<1x16xf32>,
      %swap3A_325 = vector.shape_cast %swap3A_324 : vector<1x16xf32> to vector<16xf32>
      %swap3A_326 = vector.shape_cast %add3A_321 : vector<16xf32> to vector<1x16xf32>
      tpu.vector_store %arg7[%swap3A_322, %swap3A_323], %swap3A_326 {strides = array<i32>} : memref<64x768xf32, #tpu.memory_space<vmem>>, vector<1x16xf32>,
      %get3A_327 = arith.index_cast %scan3A_118 : i32 to index
      %get3A_328 = arith.constant 240 : index
      %get3A_329 = tpu.vector_load %arg7[%get3A_327, %get3A_328] {strides = array<i32>} : memref<64x768xf32, #tpu.memory_space<vmem>>, vector<1x16xf32>,
      %get3A_330 = vector.shape_cast %get3A_329 : vector<1x16xf32> to vector<16xf32>
      %get3A_331 = arith.index_cast %scan3A_118 : i32 to index
      %get3A_332 = arith.constant 240 : index
      %get3A_333 = tpu.vector_load %arg8[%get3A_331, %get3A_332] {strides = array<i32>} : memref<64x768xf32, #tpu.memory_space<vmem>>, vector<1x16xf32>,
      %get3A_334 = vector.shape_cast %get3A_333 : vector<1x16xf32> to vector<16xf32>
      %add3A_335 = arith.addf %get3A_330, %get3A_334 : vector<16xf32>
      %swap3A_336 = arith.index_cast %scan3A_118 : i32 to index
      %swap3A_337 = arith.constant 240 : index
      %swap3A_338 = tpu.vector_load %arg7[%swap3A_336, %swap3A_337] {strides = array<i32>} : memref<64x768xf32, #tpu.memory_space<vmem>>, vector<1x16xf32>,
      %swap3A_339 = vector.shape_cast %swap3A_338 : vector<1x16xf32> to vector<16xf32>
      %swap3A_340 = vector.shape_cast %add3A_335 : vector<16xf32> to vector<1x16xf32>
      tpu.vector_store %arg7[%swap3A_336, %swap3A_337], %swap3A_340 {strides = array<i32>} : memref<64x768xf32, #tpu.memory_space<vmem>>, vector<1x16xf32>,
      %get3A_341 = arith.index_cast %scan3A_118 : i32 to index
      %get3A_342 = arith.constant 256 : index
      %get3A_343 = tpu.vector_load %arg7[%get3A_341, %get3A_342] {strides = array<i32>} : memref<64x768xf32, #tpu.memory_space<vmem>>, vector<1x16xf32>,
      %get3A_344 = vector.shape_cast %get3A_343 : vector<1x16xf32> to vector<16xf32>
      %get3A_345 = arith.index_cast %scan3A_118 : i32 to index
      %get3A_346 = arith.constant 256 : index
      %get3A_347 = tpu.vector_load %arg8[%get3A_345, %get3A_346] {strides = array<i32>} : memref<64x768xf32, #tpu.memory_space<vmem>>, vector<1x16xf32>,
      %get3A_348 = vector.shape_cast %get3A_347 : vector<1x16xf32> to vector<16xf32>
      %add3A_349 = arith.addf %get3A_344, %get3A_348 : vector<16xf32>
      %swap3A_350 = arith.index_cast %scan3A_118 : i32 to index
      %swap3A_351 = arith.constant 256 : index
      %swap3A_352 = tpu.vector_load %arg7[%swap3A_350, %swap3A_351] {strides = array<i32>} : memref<64x768xf32, #tpu.memory_space<vmem>>, vector<1x16xf32>,
      %swap3A_353 = vector.shape_cast %swap3A_352 : vector<1x16xf32> to vector<16xf32>
      %swap3A_354 = vector.shape_cast %add3A_349 : vector<16xf32> to vector<1x16xf32>
      tpu.vector_store %arg7[%swap3A_350, %swap3A_351], %swap3A_354 {strides = array<i32>} : memref<64x768xf32, #tpu.memory_space<vmem>>, vector<1x16xf32>,
      %get3A_355 = arith.index_cast %scan3A_118 : i32 to index
      %get3A_356 = arith.constant 272 : index
      %get3A_357 = tpu.vector_load %arg7[%get3A_355, %get3A_356] {strides = array<i32>} : memref<64x768xf32, #tpu.memory_space<vmem>>, vector<1x16xf32>,
      %get3A_358 = vector.shape_cast %get3A_357 : vector<1x16xf32> to vector<16xf32>
      %get3A_359 = arith.index_cast %scan3A_118 : i32 to index
      %get3A_360 = arith.constant 272 : index
      %get3A_361 = tpu.vector_load %arg8[%get3A_359, %get3A_360] {strides = array<i32>} : memref<64x768xf32, #tpu.memory_space<vmem>>, vector<1x16xf32>,
      %get3A_362 = vector.shape_cast %get3A_361 : vector<1x16xf32> to vector<16xf32>
      %add3A_363 = arith.addf %get3A_358, %get3A_362 : vector<16xf32>
      %swap3A_364 = arith.index_cast %scan3A_118 : i32 to index
      %swap3A_365 = arith.constant 272 : index
      %swap3A_366 = tpu.vector_load %arg7[%swap3A_364, %swap3A_365] {strides = array<i32>} : memref<64x768xf32, #tpu.memory_space<vmem>>, vector<1x16xf32>,
      %swap3A_367 = vector.shape_cast %swap3A_366 : vector<1x16xf32> to vector<16xf32>
      %swap3A_368 = vector.shape_cast %add3A_363 : vector<16xf32> to vector<1x16xf32>
      tpu.vector_store %arg7[%swap3A_364, %swap3A_365], %swap3A_368 {strides = array<i32>} : memref<64x768xf32, #tpu.memory_space<vmem>>, vector<1x16xf32>,
      %get3A_369 = arith.index_cast %scan3A_118 : i32 to index
      %get3A_370 = arith.constant 288 : index
      %get3A_371 = tpu.vector_load %arg7[%get3A_369, %get3A_370] {strides = array<i32>} : memref<64x768xf32, #tpu.memory_space<vmem>>, vector<1x16xf32>,
      %get3A_372 = vector.shape_cast %get3A_371 : vector<1x16xf32> to vector<16xf32>
      %get3A_373 = arith.index_cast %scan3A_118 : i32 to index
      %get3A_374 = arith.constant 288 : index
      %get3A_375 = tpu.vector_load %arg8[%get3A_373, %get3A_374] {strides = array<i32>} : memref<64x768xf32, #tpu.memory_space<vmem>>, vector<1x16xf32>,
      %get3A_376 = vector.shape_cast %get3A_375 : vector<1x16xf32> to vector<16xf32>
      %add3A_377 = arith.addf %get3A_372, %get3A_376 : vector<16xf32>
      %swap3A_378 = arith.index_cast %scan3A_118 : i32 to index
      %swap3A_379 = arith.constant 288 : index
      %swap3A_380 = tpu.vector_load %arg7[%swap3A_378, %swap3A_379] {strides = array<i32>} : memref<64x768xf32, #tpu.memory_space<vmem>>, vector<1x16xf32>,
      %swap3A_381 = vector.shape_cast %swap3A_380 : vector<1x16xf32> to vector<16xf32>
      %swap3A_382 = vector.shape_cast %add3A_377 : vector<16xf32> to vector<1x16xf32>
      tpu.vector_store %arg7[%swap3A_378, %swap3A_379], %swap3A_382 {strides = array<i32>} : memref<64x768xf32, #tpu.memory_space<vmem>>, vector<1x16xf32>,
      %get3A_383 = arith.index_cast %scan3A_118 : i32 to index
      %get3A_384 = arith.constant 304 : index
      %get3A_385 = tpu.vector_load %arg7[%get3A_383, %get3A_384] {strides = array<i32>} : memref<64x768xf32, #tpu.memory_space<vmem>>, vector<1x16xf32>,
      %get3A_386 = vector.shape_cast %get3A_385 : vector<1x16xf32> to vector<16xf32>
      %get3A_387 = arith.index_cast %scan3A_118 : i32 to index
      %get3A_388 = arith.constant 304 : index
      %get3A_389 = tpu.vector_load %arg8[%get3A_387, %get3A_388] {strides = array<i32>} : memref<64x768xf32, #tpu.memory_space<vmem>>, vector<1x16xf32>,
      %get3A_390 = vector.shape_cast %get3A_389 : vector<1x16xf32> to vector<16xf32>
      %add3A_391 = arith.addf %get3A_386, %get3A_390 : vector<16xf32>
      %swap3A_392 = arith.index_cast %scan3A_118 : i32 to index
      %swap3A_393 = arith.constant 304 : index
      %swap3A_394 = tpu.vector_load %arg7[%swap3A_392, %swap3A_393] {strides = array<i32>} : memref<64x768xf32, #tpu.memory_space<vmem>>, vector<1x16xf32>,
      %swap3A_395 = vector.shape_cast %swap3A_394 : vector<1x16xf32> to vector<16xf32>
      %swap3A_396 = vector.shape_cast %add3A_391 : vector<16xf32> to vector<1x16xf32>
      tpu.vector_store %arg7[%swap3A_392, %swap3A_393], %swap3A_396 {strides = array<i32>} : memref<64x768xf32, #tpu.memory_space<vmem>>, vector<1x16xf32>,
      %get3A_397 = arith.index_cast %scan3A_118 : i32 to index
      %get3A_398 = arith.constant 320 : index
      %get3A_399 = tpu.vector_load %arg7[%get3A_397, %get3A_398] {strides = array<i32>} : memref<64x768xf32, #tpu.memory_space<vmem>>, vector<1x16xf32>,
      %get3A_400 = vector.shape_cast %get3A_399 : vector<1x16xf32> to vector<16xf32>
      %get3A_401 = arith.index_cast %scan3A_118 : i32 to index
      %get3A_402 = arith.constant 320 : index
      %get3A_403 = tpu.vector_load %arg8[%get3A_401, %get3A_402] {strides = array<i32>} : memref<64x768xf32, #tpu.memory_space<vmem>>, vector<1x16xf32>,
      %get3A_404 = vector.shape_cast %get3A_403 : vector<1x16xf32> to vector<16xf32>
      %add3A_405 = arith.addf %get3A_400, %get3A_404 : vector<16xf32>
      %swap3A_406 = arith.index_cast %scan3A_118 : i32 to index
      %swap3A_407 = arith.constant 320 : index
      %swap3A_408 = tpu.vector_load %arg7[%swap3A_406, %swap3A_407] {strides = array<i32>} : memref<64x768xf32, #tpu.memory_space<vmem>>, vector<1x16xf32>,
      %swap3A_409 = vector.shape_cast %swap3A_408 : vector<1x16xf32> to vector<16xf32>
      %swap3A_410 = vector.shape_cast %add3A_405 : vector<16xf32> to vector<1x16xf32>
      tpu.vector_store %arg7[%swap3A_406, %swap3A_407], %swap3A_410 {strides = array<i32>} : memref<64x768xf32, #tpu.memory_space<vmem>>, vector<1x16xf32>,
      %get3A_411 = arith.index_cast %scan3A_118 : i32 to index
      %get3A_412 = arith.constant 336 : index
      %get3A_413 = tpu.vector_load %arg7[%get3A_411, %get3A_412] {strides = array<i32>} : memref<64x768xf32, #tpu.memory_space<vmem>>, vector<1x16xf32>,
      %get3A_414 = vector.shape_cast %get3A_413 : vector<1x16xf32> to vector<16xf32>
      %get3A_415 = arith.index_cast %scan3A_118 : i32 to index
      %get3A_416 = arith.constant 336 : index
      %get3A_417 = tpu.vector_load %arg8[%get3A_415, %get3A_416] {strides = array<i32>} : memref<64x768xf32, #tpu.memory_space<vmem>>, vector<1x16xf32>,
      %get3A_418 = vector.shape_cast %get3A_417 : vector<1x16xf32> to vector<16xf32>
      %add3A_419 = arith.addf %get3A_414, %get3A_418 : vector<16xf32>
      %swap3A_420 = arith.index_cast %scan3A_118 : i32 to index
      %swap3A_421 = arith.constant 336 : index
      %swap3A_422 = tpu.vector_load %arg7[%swap3A_420, %swap3A_421] {strides = array<i32>} : memref<64x768xf32, #tpu.memory_space<vmem>>, vector<1x16xf32>,
      %swap3A_423 = vector.shape_cast %swap3A_422 : vector<1x16xf32> to vector<16xf32>
      %swap3A_424 = vector.shape_cast %add3A_419 : vector<16xf32> to vector<1x16xf32>
      tpu.vector_store %arg7[%swap3A_420, %swap3A_421], %swap3A_424 {strides = array<i32>} : memref<64x768xf32, #tpu.memory_space<vmem>>, vector<1x16xf32>,
      %get3A_425 = arith.index_cast %scan3A_118 : i32 to index
      %get3A_426 = arith.constant 352 : index
      %get3A_427 = tpu.vector_load %arg7[%get3A_425, %get3A_426] {strides = array<i32>} : memref<64x768xf32, #tpu.memory_space<vmem>>, vector<1x16xf32>,
      %get3A_428 = vector.shape_cast %get3A_427 : vector<1x16xf32> to vector<16xf32>
      %get3A_429 = arith.index_cast %scan3A_118 : i32 to index
      %get3A_430 = arith.constant 352 : index
      %get3A_431 = tpu.vector_load %arg8[%get3A_429, %get3A_430] {strides = array<i32>} : memref<64x768xf32, #tpu.memory_space<vmem>>, vector<1x16xf32>,
      %get3A_432 = vector.shape_cast %get3A_431 : vector<1x16xf32> to vector<16xf32>
      %add3A_433 = arith.addf %get3A_428, %get3A_432 : vector<16xf32>
      %swap3A_434 = arith.index_cast %scan3A_118 : i32 to index
      %swap3A_435 = arith.constant 352 : index
      %swap3A_436 = tpu.vector_load %arg7[%swap3A_434, %swap3A_435] {strides = array<i32>} : memref<64x768xf32, #tpu.memory_space<vmem>>, vector<1x16xf32>,
      %swap3A_437 = vector.shape_cast %swap3A_436 : vector<1x16xf32> to vector<16xf32>
      %swap3A_438 = vector.shape_cast %add3A_433 : vector<16xf32> to vector<1x16xf32>
      tpu.vector_store %arg7[%swap3A_434, %swap3A_435], %swap3A_438 {strides = array<i32>} : memref<64x768xf32, #tpu.memory_space<vmem>>, vector<1x16xf32>,
      %get3A_439 = arith.index_cast %scan3A_118 : i32 to index
      %get3A_440 = arith.constant 368 : index
      %get3A_441 = tpu.vector_load %arg7[%get3A_439, %get3A_440] {strides = array<i32>} : memref<64x768xf32, #tpu.memory_space<vmem>>, vector<1x16xf32>,
      %get3A_442 = vector.shape_cast %get3A_441 : vector<1x16xf32> to vector<16xf32>
      %get3A_443 = arith.index_cast %scan3A_118 : i32 to index
      %get3A_444 = arith.constant 368 : index
      %get3A_445 = tpu.vector_load %arg8[%get3A_443, %get3A_444] {strides = array<i32>} : memref<64x768xf32, #tpu.memory_space<vmem>>, vector<1x16xf32>,
      %get3A_446 = vector.shape_cast %get3A_445 : vector<1x16xf32> to vector<16xf32>
      %add3A_447 = arith.addf %get3A_442, %get3A_446 : vector<16xf32>
      %swap3A_448 = arith.index_cast %scan3A_118 : i32 to index
      %swap3A_449 = arith.constant 368 : index
      %swap3A_450 = tpu.vector_load %arg7[%swap3A_448, %swap3A_449] {strides = array<i32>} : memref<64x768xf32, #tpu.memory_space<vmem>>, vector<1x16xf32>,
      %swap3A_451 = vector.shape_cast %swap3A_450 : vector<1x16xf32> to vector<16xf32>
      %swap3A_452 = vector.shape_cast %add3A_447 : vector<16xf32> to vector<1x16xf32>
      tpu.vector_store %arg7[%swap3A_448, %swap3A_449], %swap3A_452 {strides = array<i32>} : memref<64x768xf32, #tpu.memory_space<vmem>>, vector<1x16xf32>,
      %get3A_453 = arith.index_cast %scan3A_118 : i32 to index
      %get3A_454 = arith.constant 384 : index
      %get3A_455 = tpu.vector_load %arg7[%get3A_453, %get3A_454] {strides = array<i32>} : memref<64x768xf32, #tpu.memory_space<vmem>>, vector<1x16xf32>,
      %get3A_456 = vector.shape_cast %get3A_455 : vector<1x16xf32> to vector<16xf32>
      %get3A_457 = arith.index_cast %scan3A_118 : i32 to index
      %get3A_458 = arith.constant 384 : index
      %get3A_459 = tpu.vector_load %arg8[%get3A_457, %get3A_458] {strides = array<i32>} : memref<64x768xf32, #tpu.memory_space<vmem>>, vector<1x16xf32>,
      %get3A_460 = vector.shape_cast %get3A_459 : vector<1x16xf32> to vector<16xf32>
      %add3A_461 = arith.addf %get3A_456, %get3A_460 : vector<16xf32>
      %swap3A_462 = arith.index_cast %scan3A_118 : i32 to index
      %swap3A_463 = arith.constant 384 : index
      %swap3A_464 = tpu.vector_load %arg7[%swap3A_462, %swap3A_463] {strides = array<i32>} : memref<64x768xf32, #tpu.memory_space<vmem>>, vector<1x16xf32>,
      %swap3A_465 = vector.shape_cast %swap3A_464 : vector<1x16xf32> to vector<16xf32>
      %swap3A_466 = vector.shape_cast %add3A_461 : vector<16xf32> to vector<1x16xf32>
      tpu.vector_store %arg7[%swap3A_462, %swap3A_463], %swap3A_466 {strides = array<i32>} : memref<64x768xf32, #tpu.memory_space<vmem>>, vector<1x16xf32>,
      %get3A_467 = arith.index_cast %scan3A_118 : i32 to index
      %get3A_468 = arith.constant 400 : index
      %get3A_469 = tpu.vector_load %arg7[%get3A_467, %get3A_468] {strides = array<i32>} : memref<64x768xf32, #tpu.memory_space<vmem>>, vector<1x16xf32>,
      %get3A_470 = vector.shape_cast %get3A_469 : vector<1x16xf32> to vector<16xf32>
      %get3A_471 = arith.index_cast %scan3A_118 : i32 to index
      %get3A_472 = arith.constant 400 : index
      %get3A_473 = tpu.vector_load %arg8[%get3A_471, %get3A_472] {strides = array<i32>} : memref<64x768xf32, #tpu.memory_space<vmem>>, vector<1x16xf32>,
      %get3A_474 = vector.shape_cast %get3A_473 : vector<1x16xf32> to vector<16xf32>
      %add3A_475 = arith.addf %get3A_470, %get3A_474 : vector<16xf32>
      %swap3A_476 = arith.index_cast %scan3A_118 : i32 to index
      %swap3A_477 = arith.constant 400 : index
      %swap3A_478 = tpu.vector_load %arg7[%swap3A_476, %swap3A_477] {strides = array<i32>} : memref<64x768xf32, #tpu.memory_space<vmem>>, vector<1x16xf32>,
      %swap3A_479 = vector.shape_cast %swap3A_478 : vector<1x16xf32> to vector<16xf32>
      %swap3A_480 = vector.shape_cast %add3A_475 : vector<16xf32> to vector<1x16xf32>
      tpu.vector_store %arg7[%swap3A_476, %swap3A_477], %swap3A_480 {strides = array<i32>} : memref<64x768xf32, #tpu.memory_space<vmem>>, vector<1x16xf32>,
      %get3A_481 = arith.index_cast %scan3A_118 : i32 to index
      %get3A_482 = arith.constant 416 : index
      %get3A_483 = tpu.vector_load %arg7[%get3A_481, %get3A_482] {strides = array<i32>} : memref<64x768xf32, #tpu.memory_space<vmem>>, vector<1x16xf32>,
      %get3A_484 = vector.shape_cast %get3A_483 : vector<1x16xf32> to vector<16xf32>
      %get3A_485 = arith.index_cast %scan3A_118 : i32 to index
      %get3A_486 = arith.constant 416 : index
      %get3A_487 = tpu.vector_load %arg8[%get3A_485, %get3A_486] {strides = array<i32>} : memref<64x768xf32, #tpu.memory_space<vmem>>, vector<1x16xf32>,
      %get3A_488 = vector.shape_cast %get3A_487 : vector<1x16xf32> to vector<16xf32>
      %add3A_489 = arith.addf %get3A_484, %get3A_488 : vector<16xf32>
      %swap3A_490 = arith.index_cast %scan3A_118 : i32 to index
      %swap3A_491 = arith.constant 416 : index
      %swap3A_492 = tpu.vector_load %arg7[%swap3A_490, %swap3A_491] {strides = array<i32>} : memref<64x768xf32, #tpu.memory_space<vmem>>, vector<1x16xf32>,
      %swap3A_493 = vector.shape_cast %swap3A_492 : vector<1x16xf32> to vector<16xf32>
      %swap3A_494 = vector.shape_cast %add3A_489 : vector<16xf32> to vector<1x16xf32>
      tpu.vector_store %arg7[%swap3A_490, %swap3A_491], %swap3A_494 {strides = array<i32>} : memref<64x768xf32, #tpu.memory_space<vmem>>, vector<1x16xf32>,
      %get3A_495 = arith.index_cast %scan3A_118 : i32 to index
      %get3A_496 = arith.constant 432 : index
      %get3A_497 = tpu.vector_load %arg7[%get3A_495, %get3A_496] {strides = array<i32>} : memref<64x768xf32, #tpu.memory_space<vmem>>, vector<1x16xf32>,
      %get3A_498 = vector.shape_cast %get3A_497 : vector<1x16xf32> to vector<16xf32>
      %get3A_499 = arith.index_cast %scan3A_118 : i32 to index
      %get3A_500 = arith.constant 432 : index
      %get3A_501 = tpu.vector_load %arg8[%get3A_499, %get3A_500] {strides = array<i32>} : memref<64x768xf32, #tpu.memory_space<vmem>>, vector<1x16xf32>,
      %get3A_502 = vector.shape_cast %get3A_501 : vector<1x16xf32> to vector<16xf32>
      %add3A_503 = arith.addf %get3A_498, %get3A_502 : vector<16xf32>
      %swap3A_504 = arith.index_cast %scan3A_118 : i32 to index
      %swap3A_505 = arith.constant 432 : index
      %swap3A_506 = tpu.vector_load %arg7[%swap3A_504, %swap3A_505] {strides = array<i32>} : memref<64x768xf32, #tpu.memory_space<vmem>>, vector<1x16xf32>,
      %swap3A_507 = vector.shape_cast %swap3A_506 : vector<1x16xf32> to vector<16xf32>
      %swap3A_508 = vector.shape_cast %add3A_503 : vector<16xf32> to vector<1x16xf32>
      tpu.vector_store %arg7[%swap3A_504, %swap3A_505], %swap3A_508 {strides = array<i32>} : memref<64x768xf32, #tpu.memory_space<vmem>>, vector<1x16xf32>,
      %get3A_509 = arith.index_cast %scan3A_118 : i32 to index
      %get3A_510 = arith.constant 448 : index
      %get3A_511 = tpu.vector_load %arg7[%get3A_509, %get3A_510] {strides = array<i32>} : memref<64x768xf32, #tpu.memory_space<vmem>>, vector<1x16xf32>,
      %get3A_512 = vector.shape_cast %get3A_511 : vector<1x16xf32> to vector<16xf32>
      %get3A_513 = arith.index_cast %scan3A_118 : i32 to index
      %get3A_514 = arith.constant 448 : index
      %get3A_515 = tpu.vector_load %arg8[%get3A_513, %get3A_514] {strides = array<i32>} : memref<64x768xf32, #tpu.memory_space<vmem>>, vector<1x16xf32>,
      %get3A_516 = vector.shape_cast %get3A_515 : vector<1x16xf32> to vector<16xf32>
      %add3A_517 = arith.addf %get3A_512, %get3A_516 : vector<16xf32>
      %swap3A_518 = arith.index_cast %scan3A_118 : i32 to index
      %swap3A_519 = arith.constant 448 : index
      %swap3A_520 = tpu.vector_load %arg7[%swap3A_518, %swap3A_519] {strides = array<i32>} : memref<64x768xf32, #tpu.memory_space<vmem>>, vector<1x16xf32>,
      %swap3A_521 = vector.shape_cast %swap3A_520 : vector<1x16xf32> to vector<16xf32>
      %swap3A_522 = vector.shape_cast %add3A_517 : vector<16xf32> to vector<1x16xf32>
      tpu.vector_store %arg7[%swap3A_518, %swap3A_519], %swap3A_522 {strides = array<i32>} : memref<64x768xf32, #tpu.memory_space<vmem>>, vector<1x16xf32>,
      %get3A_523 = arith.index_cast %scan3A_118 : i32 to index
      %get3A_524 = arith.constant 464 : index
      %get3A_525 = tpu.vector_load %arg7[%get3A_523, %get3A_524] {strides = array<i32>} : memref<64x768xf32, #tpu.memory_space<vmem>>, vector<1x16xf32>,
      %get3A_526 = vector.shape_cast %get3A_525 : vector<1x16xf32> to vector<16xf32>
      %get3A_527 = arith.index_cast %scan3A_118 : i32 to index
      %get3A_528 = arith.constant 464 : index
      %get3A_529 = tpu.vector_load %arg8[%get3A_527, %get3A_528] {strides = array<i32>} : memref<64x768xf32, #tpu.memory_space<vmem>>, vector<1x16xf32>,
      %get3A_530 = vector.shape_cast %get3A_529 : vector<1x16xf32> to vector<16xf32>
      %add3A_531 = arith.addf %get3A_526, %get3A_530 : vector<16xf32>
      %swap3A_532 = arith.index_cast %scan3A_118 : i32 to index
      %swap3A_533 = arith.constant 464 : index
      %swap3A_534 = tpu.vector_load %arg7[%swap3A_532, %swap3A_533] {strides = array<i32>} : memref<64x768xf32, #tpu.memory_space<vmem>>, vector<1x16xf32>,
      %swap3A_535 = vector.shape_cast %swap3A_534 : vector<1x16xf32> to vector<16xf32>
      %swap3A_536 = vector.shape_cast %add3A_531 : vector<16xf32> to vector<1x16xf32>
      tpu.vector_store %arg7[%swap3A_532, %swap3A_533], %swap3A_536 {strides = array<i32>} : memref<64x768xf32, #tpu.memory_space<vmem>>, vector<1x16xf32>,
      %get3A_537 = arith.index_cast %scan3A_118 : i32 to index
      %get3A_538 = arith.constant 480 : index
      %get3A_539 = tpu.vector_load %arg7[%get3A_537, %get3A_538] {strides = array<i32>} : memref<64x768xf32, #tpu.memory_space<vmem>>, vector<1x16xf32>,
      %get3A_540 = vector.shape_cast %get3A_539 : vector<1x16xf32> to vector<16xf32>
      %get3A_541 = arith.index_cast %scan3A_118 : i32 to index
      %get3A_542 = arith.constant 480 : index
      %get3A_543 = tpu.vector_load %arg8[%get3A_541, %get3A_542] {strides = array<i32>} : memref<64x768xf32, #tpu.memory_space<vmem>>, vector<1x16xf32>,
      %get3A_544 = vector.shape_cast %get3A_543 : vector<1x16xf32> to vector<16xf32>
      %add3A_545 = arith.addf %get3A_540, %get3A_544 : vector<16xf32>
      %swap3A_546 = arith.index_cast %scan3A_118 : i32 to index
      %swap3A_547 = arith.constant 480 : index
      %swap3A_548 = tpu.vector_load %arg7[%swap3A_546, %swap3A_547] {strides = array<i32>} : memref<64x768xf32, #tpu.memory_space<vmem>>, vector<1x16xf32>,
      %swap3A_549 = vector.shape_cast %swap3A_548 : vector<1x16xf32> to vector<16xf32>
      %swap3A_550 = vector.shape_cast %add3A_545 : vector<16xf32> to vector<1x16xf32>
      tpu.vector_store %arg7[%swap3A_546, %swap3A_547], %swap3A_550 {strides = array<i32>} : memref<64x768xf32, #tpu.memory_space<vmem>>, vector<1x16xf32>,
      %get3A_551 = arith.index_cast %scan3A_118 : i32 to index
      %get3A_552 = arith.constant 496 : index
      %get3A_553 = tpu.vector_load %arg7[%get3A_551, %get3A_552] {strides = array<i32>} : memref<64x768xf32, #tpu.memory_space<vmem>>, vector<1x16xf32>,
      %get3A_554 = vector.shape_cast %get3A_553 : vector<1x16xf32> to vector<16xf32>
      %get3A_555 = arith.index_cast %scan3A_118 : i32 to index
      %get3A_556 = arith.constant 496 : index
      %get3A_557 = tpu.vector_load %arg8[%get3A_555, %get3A_556] {strides = array<i32>} : memref<64x768xf32, #tpu.memory_space<vmem>>, vector<1x16xf32>,
      %get3A_558 = vector.shape_cast %get3A_557 : vector<1x16xf32> to vector<16xf32>
      %add3A_559 = arith.addf %get3A_554, %get3A_558 : vector<16xf32>
      %swap3A_560 = arith.index_cast %scan3A_118 : i32 to index
      %swap3A_561 = arith.constant 496 : index
      %swap3A_562 = tpu.vector_load %arg7[%swap3A_560, %swap3A_561] {strides = array<i32>} : memref<64x768xf32, #tpu.memory_space<vmem>>, vector<1x16xf32>,
      %swap3A_563 = vector.shape_cast %swap3A_562 : vector<1x16xf32> to vector<16xf32>
      %swap3A_564 = vector.shape_cast %add3A_559 : vector<16xf32> to vector<1x16xf32>
      tpu.vector_store %arg7[%swap3A_560, %swap3A_561], %swap3A_564 {strides = array<i32>} : memref<64x768xf32, #tpu.memory_space<vmem>>, vector<1x16xf32>,
      %get3A_565 = arith.index_cast %scan3A_118 : i32 to index
      %get3A_566 = arith.constant 512 : index
      %get3A_567 = tpu.vector_load %arg7[%get3A_565, %get3A_566] {strides = array<i32>} : memref<64x768xf32, #tpu.memory_space<vmem>>, vector<1x16xf32>,
      %get3A_568 = vector.shape_cast %get3A_567 : vector<1x16xf32> to vector<16xf32>
      %get3A_569 = arith.index_cast %scan3A_118 : i32 to index
      %get3A_570 = arith.constant 512 : index
      %get3A_571 = tpu.vector_load %arg8[%get3A_569, %get3A_570] {strides = array<i32>} : memref<64x768xf32, #tpu.memory_space<vmem>>, vector<1x16xf32>,
      %get3A_572 = vector.shape_cast %get3A_571 : vector<1x16xf32> to vector<16xf32>
      %add3A_573 = arith.addf %get3A_568, %get3A_572 : vector<16xf32>
      %swap3A_574 = arith.index_cast %scan3A_118 : i32 to index
      %swap3A_575 = arith.constant 512 : index
      %swap3A_576 = tpu.vector_load %arg7[%swap3A_574, %swap3A_575] {strides = array<i32>} : memref<64x768xf32, #tpu.memory_space<vmem>>, vector<1x16xf32>,
      %swap3A_577 = vector.shape_cast %swap3A_576 : vector<1x16xf32> to vector<16xf32>
      %swap3A_578 = vector.shape_cast %add3A_573 : vector<16xf32> to vector<1x16xf32>
      tpu.vector_store %arg7[%swap3A_574, %swap3A_575], %swap3A_578 {strides = array<i32>} : memref<64x768xf32, #tpu.memory_space<vmem>>, vector<1x16xf32>,
      %get3A_579 = arith.index_cast %scan3A_118 : i32 to index
      %get3A_580 = arith.constant 528 : index
      %get3A_581 = tpu.vector_load %arg7[%get3A_579, %get3A_580] {strides = array<i32>} : memref<64x768xf32, #tpu.memory_space<vmem>>, vector<1x16xf32>,
      %get3A_582 = vector.shape_cast %get3A_581 : vector<1x16xf32> to vector<16xf32>
      %get3A_583 = arith.index_cast %scan3A_118 : i32 to index
      %get3A_584 = arith.constant 528 : index
      %get3A_585 = tpu.vector_load %arg8[%get3A_583, %get3A_584] {strides = array<i32>} : memref<64x768xf32, #tpu.memory_space<vmem>>, vector<1x16xf32>,
      %get3A_586 = vector.shape_cast %get3A_585 : vector<1x16xf32> to vector<16xf32>
      %add3A_587 = arith.addf %get3A_582, %get3A_586 : vector<16xf32>
      %swap3A_588 = arith.index_cast %scan3A_118 : i32 to index
      %swap3A_589 = arith.constant 528 : index
      %swap3A_590 = tpu.vector_load %arg7[%swap3A_588, %swap3A_589] {strides = array<i32>} : memref<64x768xf32, #tpu.memory_space<vmem>>, vector<1x16xf32>,
      %swap3A_591 = vector.shape_cast %swap3A_590 : vector<1x16xf32> to vector<16xf32>
      %swap3A_592 = vector.shape_cast %add3A_587 : vector<16xf32> to vector<1x16xf32>
      tpu.vector_store %arg7[%swap3A_588, %swap3A_589], %swap3A_592 {strides = array<i32>} : memref<64x768xf32, #tpu.memory_space<vmem>>, vector<1x16xf32>,
      %get3A_593 = arith.index_cast %scan3A_118 : i32 to index
      %get3A_594 = arith.constant 544 : index
      %get3A_595 = tpu.vector_load %arg7[%get3A_593, %get3A_594] {strides = array<i32>} : memref<64x768xf32, #tpu.memory_space<vmem>>, vector<1x16xf32>,
      %get3A_596 = vector.shape_cast %get3A_595 : vector<1x16xf32> to vector<16xf32>
      %get3A_597 = arith.index_cast %scan3A_118 : i32 to index
      %get3A_598 = arith.constant 544 : index
      %get3A_599 = tpu.vector_load %arg8[%get3A_597, %get3A_598] {strides = array<i32>} : memref<64x768xf32, #tpu.memory_space<vmem>>, vector<1x16xf32>,
      %get3A_600 = vector.shape_cast %get3A_599 : vector<1x16xf32> to vector<16xf32>
      %add3A_601 = arith.addf %get3A_596, %get3A_600 : vector<16xf32>
      %swap3A_602 = arith.index_cast %scan3A_118 : i32 to index
      %swap3A_603 = arith.constant 544 : index
      %swap3A_604 = tpu.vector_load %arg7[%swap3A_602, %swap3A_603] {strides = array<i32>} : memref<64x768xf32, #tpu.memory_space<vmem>>, vector<1x16xf32>,
      %swap3A_605 = vector.shape_cast %swap3A_604 : vector<1x16xf32> to vector<16xf32>
      %swap3A_606 = vector.shape_cast %add3A_601 : vector<16xf32> to vector<1x16xf32>
      tpu.vector_store %arg7[%swap3A_602, %swap3A_603], %swap3A_606 {strides = array<i32>} : memref<64x768xf32, #tpu.memory_space<vmem>>, vector<1x16xf32>,
      %get3A_607 = arith.index_cast %scan3A_118 : i32 to index
      %get3A_608 = arith.constant 560 : index
      %get3A_609 = tpu.vector_load %arg7[%get3A_607, %get3A_608] {strides = array<i32>} : memref<64x768xf32, #tpu.memory_space<vmem>>, vector<1x16xf32>,
      %get3A_610 = vector.shape_cast %get3A_609 : vector<1x16xf32> to vector<16xf32>
      %get3A_611 = arith.index_cast %scan3A_118 : i32 to index
      %get3A_612 = arith.constant 560 : index
      %get3A_613 = tpu.vector_load %arg8[%get3A_611, %get3A_612] {strides = array<i32>} : memref<64x768xf32, #tpu.memory_space<vmem>>, vector<1x16xf32>,
      %get3A_614 = vector.shape_cast %get3A_613 : vector<1x16xf32> to vector<16xf32>
      %add3A_615 = arith.addf %get3A_610, %get3A_614 : vector<16xf32>
      %swap3A_616 = arith.index_cast %scan3A_118 : i32 to index
      %swap3A_617 = arith.constant 560 : index
      %swap3A_618 = tpu.vector_load %arg7[%swap3A_616, %swap3A_617] {strides = array<i32>} : memref<64x768xf32, #tpu.memory_space<vmem>>, vector<1x16xf32>,
      %swap3A_619 = vector.shape_cast %swap3A_618 : vector<1x16xf32> to vector<16xf32>
      %swap3A_620 = vector.shape_cast %add3A_615 : vector<16xf32> to vector<1x16xf32>
      tpu.vector_store %arg7[%swap3A_616, %swap3A_617], %swap3A_620 {strides = array<i32>} : memref<64x768xf32, #tpu.memory_space<vmem>>, vector<1x16xf32>,
      %get3A_621 = arith.index_cast %scan3A_118 : i32 to index
      %get3A_622 = arith.constant 576 : index
      %get3A_623 = tpu.vector_load %arg7[%get3A_621, %get3A_622] {strides = array<i32>} : memref<64x768xf32, #tpu.memory_space<vmem>>, vector<1x16xf32>,
      %get3A_624 = vector.shape_cast %get3A_623 : vector<1x16xf32> to vector<16xf32>
      %get3A_625 = arith.index_cast %scan3A_118 : i32 to index
      %get3A_626 = arith.constant 576 : index
      %get3A_627 = tpu.vector_load %arg8[%get3A_625, %get3A_626] {strides = array<i32>} : memref<64x768xf32, #tpu.memory_space<vmem>>, vector<1x16xf32>,
      %get3A_628 = vector.shape_cast %get3A_627 : vector<1x16xf32> to vector<16xf32>
      %add3A_629 = arith.addf %get3A_624, %get3A_628 : vector<16xf32>
      %swap3A_630 = arith.index_cast %scan3A_118 : i32 to index
      %swap3A_631 = arith.constant 576 : index
      %swap3A_632 = tpu.vector_load %arg7[%swap3A_630, %swap3A_631] {strides = array<i32>} : memref<64x768xf32, #tpu.memory_space<vmem>>, vector<1x16xf32>,
      %swap3A_633 = vector.shape_cast %swap3A_632 : vector<1x16xf32> to vector<16xf32>
      %swap3A_634 = vector.shape_cast %add3A_629 : vector<16xf32> to vector<1x16xf32>
      tpu.vector_store %arg7[%swap3A_630, %swap3A_631], %swap3A_634 {strides = array<i32>} : memref<64x768xf32, #tpu.memory_space<vmem>>, vector<1x16xf32>,
      %get3A_635 = arith.index_cast %scan3A_118 : i32 to index
      %get3A_636 = arith.constant 592 : index
      %get3A_637 = tpu.vector_load %arg7[%get3A_635, %get3A_636] {strides = array<i32>} : memref<64x768xf32, #tpu.memory_space<vmem>>, vector<1x16xf32>,
      %get3A_638 = vector.shape_cast %get3A_637 : vector<1x16xf32> to vector<16xf32>
      %get3A_639 = arith.index_cast %scan3A_118 : i32 to index
      %get3A_640 = arith.constant 592 : index
      %get3A_641 = tpu.vector_load %arg8[%get3A_639, %get3A_640] {strides = array<i32>} : memref<64x768xf32, #tpu.memory_space<vmem>>, vector<1x16xf32>,
      %get3A_642 = vector.shape_cast %get3A_641 : vector<1x16xf32> to vector<16xf32>
      %add3A_643 = arith.addf %get3A_638, %get3A_642 : vector<16xf32>
      %swap3A_644 = arith.index_cast %scan3A_118 : i32 to index
      %swap3A_645 = arith.constant 592 : index
      %swap3A_646 = tpu.vector_load %arg7[%swap3A_644, %swap3A_645] {strides = array<i32>} : memref<64x768xf32, #tpu.memory_space<vmem>>, vector<1x16xf32>,
      %swap3A_647 = vector.shape_cast %swap3A_646 : vector<1x16xf32> to vector<16xf32>
      %swap3A_648 = vector.shape_cast %add3A_643 : vector<16xf32> to vector<1x16xf32>
      tpu.vector_store %arg7[%swap3A_644, %swap3A_645], %swap3A_648 {strides = array<i32>} : memref<64x768xf32, #tpu.memory_space<vmem>>, vector<1x16xf32>,
      %get3A_649 = arith.index_cast %scan3A_118 : i32 to index
      %get3A_650 = arith.constant 608 : index
      %get3A_651 = tpu.vector_load %arg7[%get3A_649, %get3A_650] {strides = array<i32>} : memref<64x768xf32, #tpu.memory_space<vmem>>, vector<1x16xf32>,
      %get3A_652 = vector.shape_cast %get3A_651 : vector<1x16xf32> to vector<16xf32>
      %get3A_653 = arith.index_cast %scan3A_118 : i32 to index
      %get3A_654 = arith.constant 608 : index
      %get3A_655 = tpu.vector_load %arg8[%get3A_653, %get3A_654] {strides = array<i32>} : memref<64x768xf32, #tpu.memory_space<vmem>>, vector<1x16xf32>,
      %get3A_656 = vector.shape_cast %get3A_655 : vector<1x16xf32> to vector<16xf32>
      %add3A_657 = arith.addf %get3A_652, %get3A_656 : vector<16xf32>
      %swap3A_658 = arith.index_cast %scan3A_118 : i32 to index
      %swap3A_659 = arith.constant 608 : index
      %swap3A_660 = tpu.vector_load %arg7[%swap3A_658, %swap3A_659] {strides = array<i32>} : memref<64x768xf32, #tpu.memory_space<vmem>>, vector<1x16xf32>,
      %swap3A_661 = vector.shape_cast %swap3A_660 : vector<1x16xf32> to vector<16xf32>
      %swap3A_662 = vector.shape_cast %add3A_657 : vector<16xf32> to vector<1x16xf32>
      tpu.vector_store %arg7[%swap3A_658, %swap3A_659], %swap3A_662 {strides = array<i32>} : memref<64x768xf32, #tpu.memory_space<vmem>>, vector<1x16xf32>,
      %get3A_663 = arith.index_cast %scan3A_118 : i32 to index
      %get3A_664 = arith.constant 624 : index
      %get3A_665 = tpu.vector_load %arg7[%get3A_663, %get3A_664] {strides = array<i32>} : memref<64x768xf32, #tpu.memory_space<vmem>>, vector<1x16xf32>,
      %get3A_666 = vector.shape_cast %get3A_665 : vector<1x16xf32> to vector<16xf32>
      %get3A_667 = arith.index_cast %scan3A_118 : i32 to index
      %get3A_668 = arith.constant 624 : index
      %get3A_669 = tpu.vector_load %arg8[%get3A_667, %get3A_668] {strides = array<i32>} : memref<64x768xf32, #tpu.memory_space<vmem>>, vector<1x16xf32>,
      %get3A_670 = vector.shape_cast %get3A_669 : vector<1x16xf32> to vector<16xf32>
      %add3A_671 = arith.addf %get3A_666, %get3A_670 : vector<16xf32>
      %swap3A_672 = arith.index_cast %scan3A_118 : i32 to index
      %swap3A_673 = arith.constant 624 : index
      %swap3A_674 = tpu.vector_load %arg7[%swap3A_672, %swap3A_673] {strides = array<i32>} : memref<64x768xf32, #tpu.memory_space<vmem>>, vector<1x16xf32>,
      %swap3A_675 = vector.shape_cast %swap3A_674 : vector<1x16xf32> to vector<16xf32>
      %swap3A_676 = vector.shape_cast %add3A_671 : vector<16xf32> to vector<1x16xf32>
      tpu.vector_store %arg7[%swap3A_672, %swap3A_673], %swap3A_676 {strides = array<i32>} : memref<64x768xf32, #tpu.memory_space<vmem>>, vector<1x16xf32>,
      %get3A_677 = arith.index_cast %scan3A_118 : i32 to index
      %get3A_678 = arith.constant 640 : index
      %get3A_679 = tpu.vector_load %arg7[%get3A_677, %get3A_678] {strides = array<i32>} : memref<64x768xf32, #tpu.memory_space<vmem>>, vector<1x16xf32>,
      %get3A_680 = vector.shape_cast %get3A_679 : vector<1x16xf32> to vector<16xf32>
      %get3A_681 = arith.index_cast %scan3A_118 : i32 to index
      %get3A_682 = arith.constant 640 : index
      %get3A_683 = tpu.vector_load %arg8[%get3A_681, %get3A_682] {strides = array<i32>} : memref<64x768xf32, #tpu.memory_space<vmem>>, vector<1x16xf32>,
      %get3A_684 = vector.shape_cast %get3A_683 : vector<1x16xf32> to vector<16xf32>
      %add3A_685 = arith.addf %get3A_680, %get3A_684 : vector<16xf32>
      %swap3A_686 = arith.index_cast %scan3A_118 : i32 to index
      %swap3A_687 = arith.constant 640 : index
      %swap3A_688 = tpu.vector_load %arg7[%swap3A_686, %swap3A_687] {strides = array<i32>} : memref<64x768xf32, #tpu.memory_space<vmem>>, vector<1x16xf32>,
      %swap3A_689 = vector.shape_cast %swap3A_688 : vector<1x16xf32> to vector<16xf32>
      %swap3A_690 = vector.shape_cast %add3A_685 : vector<16xf32> to vector<1x16xf32>
      tpu.vector_store %arg7[%swap3A_686, %swap3A_687], %swap3A_690 {strides = array<i32>} : memref<64x768xf32, #tpu.memory_space<vmem>>, vector<1x16xf32>,
      %get3A_691 = arith.index_cast %scan3A_118 : i32 to index
      %get3A_692 = arith.constant 656 : index
      %get3A_693 = tpu.vector_load %arg7[%get3A_691, %get3A_692] {strides = array<i32>} : memref<64x768xf32, #tpu.memory_space<vmem>>, vector<1x16xf32>,
      %get3A_694 = vector.shape_cast %get3A_693 : vector<1x16xf32> to vector<16xf32>
      %get3A_695 = arith.index_cast %scan3A_118 : i32 to index
      %get3A_696 = arith.constant 656 : index
      %get3A_697 = tpu.vector_load %arg8[%get3A_695, %get3A_696] {strides = array<i32>} : memref<64x768xf32, #tpu.memory_space<vmem>>, vector<1x16xf32>,
      %get3A_698 = vector.shape_cast %get3A_697 : vector<1x16xf32> to vector<16xf32>
      %add3A_699 = arith.addf %get3A_694, %get3A_698 : vector<16xf32>
      %swap3A_700 = arith.index_cast %scan3A_118 : i32 to index
      %swap3A_701 = arith.constant 656 : index
      %swap3A_702 = tpu.vector_load %arg7[%swap3A_700, %swap3A_701] {strides = array<i32>} : memref<64x768xf32, #tpu.memory_space<vmem>>, vector<1x16xf32>,
      %swap3A_703 = vector.shape_cast %swap3A_702 : vector<1x16xf32> to vector<16xf32>
      %swap3A_704 = vector.shape_cast %add3A_699 : vector<16xf32> to vector<1x16xf32>
      tpu.vector_store %arg7[%swap3A_700, %swap3A_701], %swap3A_704 {strides = array<i32>} : memref<64x768xf32, #tpu.memory_space<vmem>>, vector<1x16xf32>,
      %get3A_705 = arith.index_cast %scan3A_118 : i32 to index
      %get3A_706 = arith.constant 672 : index
      %get3A_707 = tpu.vector_load %arg7[%get3A_705, %get3A_706] {strides = array<i32>} : memref<64x768xf32, #tpu.memory_space<vmem>>, vector<1x16xf32>,
      %get3A_708 = vector.shape_cast %get3A_707 : vector<1x16xf32> to vector<16xf32>
      %get3A_709 = arith.index_cast %scan3A_118 : i32 to index
      %get3A_710 = arith.constant 672 : index
      %get3A_711 = tpu.vector_load %arg8[%get3A_709, %get3A_710] {strides = array<i32>} : memref<64x768xf32, #tpu.memory_space<vmem>>, vector<1x16xf32>,
      %get3A_712 = vector.shape_cast %get3A_711 : vector<1x16xf32> to vector<16xf32>
      %add3A_713 = arith.addf %get3A_708, %get3A_712 : vector<16xf32>
      %swap3A_714 = arith.index_cast %scan3A_118 : i32 to index
      %swap3A_715 = arith.constant 672 : index
      %swap3A_716 = tpu.vector_load %arg7[%swap3A_714, %swap3A_715] {strides = array<i32>} : memref<64x768xf32, #tpu.memory_space<vmem>>, vector<1x16xf32>,
      %swap3A_717 = vector.shape_cast %swap3A_716 : vector<1x16xf32> to vector<16xf32>
      %swap3A_718 = vector.shape_cast %add3A_713 : vector<16xf32> to vector<1x16xf32>
      tpu.vector_store %arg7[%swap3A_714, %swap3A_715], %swap3A_718 {strides = array<i32>} : memref<64x768xf32, #tpu.memory_space<vmem>>, vector<1x16xf32>,
      %get3A_719 = arith.index_cast %scan3A_118 : i32 to index
      %get3A_720 = arith.constant 688 : index
      %get3A_721 = tpu.vector_load %arg7[%get3A_719, %get3A_720] {strides = array<i32>} : memref<64x768xf32, #tpu.memory_space<vmem>>, vector<1x16xf32>,
      %get3A_722 = vector.shape_cast %get3A_721 : vector<1x16xf32> to vector<16xf32>
      %get3A_723 = arith.index_cast %scan3A_118 : i32 to index
      %get3A_724 = arith.constant 688 : index
      %get3A_725 = tpu.vector_load %arg8[%get3A_723, %get3A_724] {strides = array<i32>} : memref<64x768xf32, #tpu.memory_space<vmem>>, vector<1x16xf32>,
      %get3A_726 = vector.shape_cast %get3A_725 : vector<1x16xf32> to vector<16xf32>
      %add3A_727 = arith.addf %get3A_722, %get3A_726 : vector<16xf32>
      %swap3A_728 = arith.index_cast %scan3A_118 : i32 to index
      %swap3A_729 = arith.constant 688 : index
      %swap3A_730 = tpu.vector_load %arg7[%swap3A_728, %swap3A_729] {strides = array<i32>} : memref<64x768xf32, #tpu.memory_space<vmem>>, vector<1x16xf32>,
      %swap3A_731 = vector.shape_cast %swap3A_730 : vector<1x16xf32> to vector<16xf32>
      %swap3A_732 = vector.shape_cast %add3A_727 : vector<16xf32> to vector<1x16xf32>
      tpu.vector_store %arg7[%swap3A_728, %swap3A_729], %swap3A_732 {strides = array<i32>} : memref<64x768xf32, #tpu.memory_space<vmem>>, vector<1x16xf32>,
      %get3A_733 = arith.index_cast %scan3A_118 : i32 to index
      %get3A_734 = arith.constant 704 : index
      %get3A_735 = tpu.vector_load %arg7[%get3A_733, %get3A_734] {strides = array<i32>} : memref<64x768xf32, #tpu.memory_space<vmem>>, vector<1x16xf32>,
      %get3A_736 = vector.shape_cast %get3A_735 : vector<1x16xf32> to vector<16xf32>
      %get3A_737 = arith.index_cast %scan3A_118 : i32 to index
      %get3A_738 = arith.constant 704 : index
      %get3A_739 = tpu.vector_load %arg8[%get3A_737, %get3A_738] {strides = array<i32>} : memref<64x768xf32, #tpu.memory_space<vmem>>, vector<1x16xf32>,
      %get3A_740 = vector.shape_cast %get3A_739 : vector<1x16xf32> to vector<16xf32>
      %add3A_741 = arith.addf %get3A_736, %get3A_740 : vector<16xf32>
      %swap3A_742 = arith.index_cast %scan3A_118 : i32 to index
      %swap3A_743 = arith.constant 704 : index
      %swap3A_744 = tpu.vector_load %arg7[%swap3A_742, %swap3A_743] {strides = array<i32>} : memref<64x768xf32, #tpu.memory_space<vmem>>, vector<1x16xf32>,
      %swap3A_745 = vector.shape_cast %swap3A_744 : vector<1x16xf32> to vector<16xf32>
      %swap3A_746 = vector.shape_cast %add3A_741 : vector<16xf32> to vector<1x16xf32>
      tpu.vector_store %arg7[%swap3A_742, %swap3A_743], %swap3A_746 {strides = array<i32>} : memref<64x768xf32, #tpu.memory_space<vmem>>, vector<1x16xf32>,
      %get3A_747 = arith.index_cast %scan3A_118 : i32 to index
      %get3A_748 = arith.constant 720 : index
      %get3A_749 = tpu.vector_load %arg7[%get3A_747, %get3A_748] {strides = array<i32>} : memref<64x768xf32, #tpu.memory_space<vmem>>, vector<1x16xf32>,
      %get3A_750 = vector.shape_cast %get3A_749 : vector<1x16xf32> to vector<16xf32>
      %get3A_751 = arith.index_cast %scan3A_118 : i32 to index
      %get3A_752 = arith.constant 720 : index
      %get3A_753 = tpu.vector_load %arg8[%get3A_751, %get3A_752] {strides = array<i32>} : memref<64x768xf32, #tpu.memory_space<vmem>>, vector<1x16xf32>,
      %get3A_754 = vector.shape_cast %get3A_753 : vector<1x16xf32> to vector<16xf32>
      %add3A_755 = arith.addf %get3A_750, %get3A_754 : vector<16xf32>
      %swap3A_756 = arith.index_cast %scan3A_118 : i32 to index
      %swap3A_757 = arith.constant 720 : index
      %swap3A_758 = tpu.vector_load %arg7[%swap3A_756, %swap3A_757] {strides = array<i32>} : memref<64x768xf32, #tpu.memory_space<vmem>>, vector<1x16xf32>,
      %swap3A_759 = vector.shape_cast %swap3A_758 : vector<1x16xf32> to vector<16xf32>
      %swap3A_760 = vector.shape_cast %add3A_755 : vector<16xf32> to vector<1x16xf32>
      tpu.vector_store %arg7[%swap3A_756, %swap3A_757], %swap3A_760 {strides = array<i32>} : memref<64x768xf32, #tpu.memory_space<vmem>>, vector<1x16xf32>,
      %get3A_761 = arith.index_cast %scan3A_118 : i32 to index
      %get3A_762 = arith.constant 736 : index
      %get3A_763 = tpu.vector_load %arg7[%get3A_761, %get3A_762] {strides = array<i32>} : memref<64x768xf32, #tpu.memory_space<vmem>>, vector<1x16xf32>,
      %get3A_764 = vector.shape_cast %get3A_763 : vector<1x16xf32> to vector<16xf32>
      %get3A_765 = arith.index_cast %scan3A_118 : i32 to index
      %get3A_766 = arith.constant 736 : index
      %get3A_767 = tpu.vector_load %arg8[%get3A_765, %get3A_766] {strides = array<i32>} : memref<64x768xf32, #tpu.memory_space<vmem>>, vector<1x16xf32>,
      %get3A_768 = vector.shape_cast %get3A_767 : vector<1x16xf32> to vector<16xf32>
      %add3A_769 = arith.addf %get3A_764, %get3A_768 : vector<16xf32>
      %swap3A_770 = arith.index_cast %scan3A_118 : i32 to index
      %swap3A_771 = arith.constant 736 : index
      %swap3A_772 = tpu.vector_load %arg7[%swap3A_770, %swap3A_771] {strides = array<i32>} : memref<64x768xf32, #tpu.memory_space<vmem>>, vector<1x16xf32>,
      %swap3A_773 = vector.shape_cast %swap3A_772 : vector<1x16xf32> to vector<16xf32>
      %swap3A_774 = vector.shape_cast %add3A_769 : vector<16xf32> to vector<1x16xf32>
      tpu.vector_store %arg7[%swap3A_770, %swap3A_771], %swap3A_774 {strides = array<i32>} : memref<64x768xf32, #tpu.memory_space<vmem>>, vector<1x16xf32>,
      %get3A_775 = arith.index_cast %scan3A_118 : i32 to index
      %get3A_776 = arith.constant 752 : index
      %get3A_777 = tpu.vector_load %arg7[%get3A_775, %get3A_776] {strides = array<i32>} : memref<64x768xf32, #tpu.memory_space<vmem>>, vector<1x16xf32>,
      %get3A_778 = vector.shape_cast %get3A_777 : vector<1x16xf32> to vector<16xf32>
      %get3A_779 = arith.index_cast %scan3A_118 : i32 to index
      %get3A_780 = arith.constant 752 : index
      %get3A_781 = tpu.vector_load %arg8[%get3A_779, %get3A_780] {strides = array<i32>} : memref<64x768xf32, #tpu.memory_space<vmem>>, vector<1x16xf32>,
      %get3A_782 = vector.shape_cast %get3A_781 : vector<1x16xf32> to vector<16xf32>
      %add3A_783 = arith.addf %get3A_778, %get3A_782 : vector<16xf32>
      %swap3A_784 = arith.index_cast %scan3A_118 : i32 to index
      %swap3A_785 = arith.constant 752 : index
      %swap3A_786 = tpu.vector_load %arg7[%swap3A_784, %swap3A_785] {strides = array<i32>} : memref<64x768xf32, #tpu.memory_space<vmem>>, vector<1x16xf32>,
      %swap3A_787 = vector.shape_cast %swap3A_786 : vector<1x16xf32> to vector<16xf32>
      %swap3A_788 = vector.shape_cast %add3A_783 : vector<16xf32> to vector<1x16xf32>
      tpu.vector_store %arg7[%swap3A_784, %swap3A_785], %swap3A_788 {strides = array<i32>} : memref<64x768xf32, #tpu.memory_space<vmem>>, vector<1x16xf32>,
    }
    %scan3A_59 = arith.constant 32 : i32
    %dma_start3A_60 = arith.constant 0 : i32
    %dma_start3A_61 = arith.constant 0 : i32
    %dma_start3A_62 = tpu.memref_slice %arg7[%dma_start3A_60, %dma_start3A_61] : memref<64x768xf32, #tpu.memory_space<vmem>> -> memref<32x768xf32, #tpu.memory_space<vmem>>
    %dma_start3A_63 = arith.constant 0 : i32
    %dma_start3A_64 = tpu.memref_slice %arg5[%mul3A_2, %dma_start3A_63] : memref<2048x768xf32, #tpu.memory_space<hbm>> -> memref<32x768xf32, #tpu.memory_space<hbm>>
    %dma_start3A_65 = arith.constant 0 : i32
    %dma_start3A_66 = tpu.memref_slice %arg5[%mul3A_2, %dma_start3A_65] : memref<2048x768xf32, #tpu.memory_space<hbm>> -> memref<32x768xf32, #tpu.memory_space<hbm>>
    %dma_start3A_67 = arith.constant 0 : i32
    %dma_start3A_68 = arith.constant 0 : i32
    %dma_start3A_69 = tpu.memref_slice %arg7[%dma_start3A_67, %dma_start3A_68] : memref<64x768xf32, #tpu.memory_space<vmem>> -> memref<32x768xf32, #tpu.memory_space<vmem>>
    tpu.enqueue_dma source(%dma_start3A_69 : memref<32x768xf32, #tpu.memory_space<vmem>>) target(%dma_start3A_66 : memref<32x768xf32, #tpu.memory_space<hbm>>) target_semaphore(%arg10 : memref<!tpu.dma_semaphore, #tpu.memory_space<semaphore_mem>>)
    %dma_wait3A_70 = arith.constant 1 : i32
    %dma_wait3A_71 = arith.constant 32 : i32
    %dma_wait3A_72 = arith.constant 0 : i32
    %dma_wait3A_73 = tpu.memref_slice %arg7[%dma_wait3A_71, %dma_wait3A_72] : memref<64x768xf32, #tpu.memory_space<vmem>> -> memref<32x768xf32, #tpu.memory_space<vmem>>
    %dma_wait3A_74 = arith.constant 0 : i32
    %dma_wait3A_75 = tpu.memref_slice %arg6[%dma_wait3A_70, %dma_wait3A_74] : memref<2x32xi32, #tpu.memory_space<vmem>> -> memref<1x32xi32, #tpu.memory_space<vmem>>
    %dma_wait3A_76 = tpu.memref_squeeze %dma_wait3A_75 : memref<1x32xi32, #tpu.memory_space<vmem>> -> memref<32xi32, #tpu.memory_space<vmem>>
    %dma_wait3A_77 = arith.constant 0 : i32
    %dma_wait3A_78 = arith.constant 0 : i32
    %dma_wait3A_79 = tpu.memref_slice %arg2[%dma_wait3A_77, %dma_wait3A_78] : memref<4096x768xf32, #tpu.memory_space<hbm>> -> memref<4096x768xf32, #tpu.memory_space<hbm>>
    tpu.wait_indirect_dma semaphore(%arg11 : memref<!tpu.dma_semaphore, #tpu.memory_space<semaphore_mem>>) src(%dma_wait3A_79 : memref<4096x768xf32, #tpu.memory_space<hbm>>) dst(%dma_wait3A_73 : memref<32x768xf32, #tpu.memory_space<vmem>>)
    %scan3A_80 = arith.constant 0 : i32
    %scan3A_81 = arith.constant 32 : i32
    %scan3A_82 = arith.constant 32 : i32
    %scan3A_83 = arith.addi %scan3A_81, %scan3A_82 : i32
    %scan3A_84 = arith.constant 1 : i32
    scf.for %scan3A_118 = %scan3A_81 to %scan3A_83 step %scan3A_84  : i32 {
      %get3A = arith.index_cast %scan3A_118 : i32 to index
      %get3A_119 = arith.constant 0 : index
      %get3A_120 = tpu.vector_load %arg7[%get3A, %get3A_119] {strides = array<i32>} : memref<64x768xf32, #tpu.memory_space<vmem>>, vector<1x16xf32>,
      %get3A_121 = vector.shape_cast %get3A_120 : vector<1x16xf32> to vector<16xf32>
      %get3A_122 = arith.index_cast %scan3A_118 : i32 to index
      %get3A_123 = arith.constant 0 : index
      %get3A_124 = tpu.vector_load %arg8[%get3A_122, %get3A_123] {strides = array<i32>} : memref<64x768xf32, #tpu.memory_space<vmem>>, vector<1x16xf32>,
      %get3A_125 = vector.shape_cast %get3A_124 : vector<1x16xf32> to vector<16xf32>
      %add3A_126 = arith.addf %get3A_121, %get3A_125 : vector<16xf32>
      %swap3A = arith.index_cast %scan3A_118 : i32 to index
      %swap3A_127 = arith.constant 0 : index
      %swap3A_128 = tpu.vector_load %arg7[%swap3A, %swap3A_127] {strides = array<i32>} : memref<64x768xf32, #tpu.memory_space<vmem>>, vector<1x16xf32>,
      %swap3A_129 = vector.shape_cast %swap3A_128 : vector<1x16xf32> to vector<16xf32>
      %swap3A_130 = vector.shape_cast %add3A_126 : vector<16xf32> to vector<1x16xf32>
      tpu.vector_store %arg7[%swap3A, %swap3A_127], %swap3A_130 {strides = array<i32>} : memref<64x768xf32, #tpu.memory_space<vmem>>, vector<1x16xf32>,
      %get3A_131 = arith.index_cast %scan3A_118 : i32 to index
      %get3A_132 = arith.constant 16 : index
      %get3A_133 = tpu.vector_load %arg7[%get3A_131, %get3A_132] {strides = array<i32>} : memref<64x768xf32, #tpu.memory_space<vmem>>, vector<1x16xf32>,
      %get3A_134 = vector.shape_cast %get3A_133 : vector<1x16xf32> to vector<16xf32>
      %get3A_135 = arith.index_cast %scan3A_118 : i32 to index
      %get3A_136 = arith.constant 16 : index
      %get3A_137 = tpu.vector_load %arg8[%get3A_135, %get3A_136] {strides = array<i32>} : memref<64x768xf32, #tpu.memory_space<vmem>>, vector<1x16xf32>,
      %get3A_138 = vector.shape_cast %get3A_137 : vector<1x16xf32> to vector<16xf32>
      %add3A_139 = arith.addf %get3A_134, %get3A_138 : vector<16xf32>
      %swap3A_140 = arith.index_cast %scan3A_118 : i32 to index
      %swap3A_141 = arith.constant 16 : index
      %swap3A_142 = tpu.vector_load %arg7[%swap3A_140, %swap3A_141] {strides = array<i32>} : memref<64x768xf32, #tpu.memory_space<vmem>>, vector<1x16xf32>,
      %swap3A_143 = vector.shape_cast %swap3A_142 : vector<1x16xf32> to vector<16xf32>
      %swap3A_144 = vector.shape_cast %add3A_139 : vector<16xf32> to vector<1x16xf32>
      tpu.vector_store %arg7[%swap3A_140, %swap3A_141], %swap3A_144 {strides = array<i32>} : memref<64x768xf32, #tpu.memory_space<vmem>>, vector<1x16xf32>,
      %get3A_145 = arith.index_cast %scan3A_118 : i32 to index
      %get3A_146 = arith.constant 32 : index
      %get3A_147 = tpu.vector_load %arg7[%get3A_145, %get3A_146] {strides = array<i32>} : memref<64x768xf32, #tpu.memory_space<vmem>>, vector<1x16xf32>,
      %get3A_148 = vector.shape_cast %get3A_147 : vector<1x16xf32> to vector<16xf32>
      %get3A_149 = arith.index_cast %scan3A_118 : i32 to index
      %get3A_150 = arith.constant 32 : index
      %get3A_151 = tpu.vector_load %arg8[%get3A_149, %get3A_150] {strides = array<i32>} : memref<64x768xf32, #tpu.memory_space<vmem>>, vector<1x16xf32>,
      %get3A_152 = vector.shape_cast %get3A_151 : vector<1x16xf32> to vector<16xf32>
      %add3A_153 = arith.addf %get3A_148, %get3A_152 : vector<16xf32>
      %swap3A_154 = arith.index_cast %scan3A_118 : i32 to index
      %swap3A_155 = arith.constant 32 : index
      %swap3A_156 = tpu.vector_load %arg7[%swap3A_154, %swap3A_155] {strides = array<i32>} : memref<64x768xf32, #tpu.memory_space<vmem>>, vector<1x16xf32>,
      %swap3A_157 = vector.shape_cast %swap3A_156 : vector<1x16xf32> to vector<16xf32>
      %swap3A_158 = vector.shape_cast %add3A_153 : vector<16xf32> to vector<1x16xf32>
      tpu.vector_store %arg7[%swap3A_154, %swap3A_155], %swap3A_158 {strides = array<i32>} : memref<64x768xf32, #tpu.memory_space<vmem>>, vector<1x16xf32>,
      %get3A_159 = arith.index_cast %scan3A_118 : i32 to index
      %get3A_160 = arith.constant 48 : index
      %get3A_161 = tpu.vector_load %arg7[%get3A_159, %get3A_160] {strides = array<i32>} : memref<64x768xf32, #tpu.memory_space<vmem>>, vector<1x16xf32>,
      %get3A_162 = vector.shape_cast %get3A_161 : vector<1x16xf32> to vector<16xf32>
      %get3A_163 = arith.index_cast %scan3A_118 : i32 to index
      %get3A_164 = arith.constant 48 : index
      %get3A_165 = tpu.vector_load %arg8[%get3A_163, %get3A_164] {strides = array<i32>} : memref<64x768xf32, #tpu.memory_space<vmem>>, vector<1x16xf32>,
      %get3A_166 = vector.shape_cast %get3A_165 : vector<1x16xf32> to vector<16xf32>
      %add3A_167 = arith.addf %get3A_162, %get3A_166 : vector<16xf32>
      %swap3A_168 = arith.index_cast %scan3A_118 : i32 to index
      %swap3A_169 = arith.constant 48 : index
      %swap3A_170 = tpu.vector_load %arg7[%swap3A_168, %swap3A_169] {strides = array<i32>} : memref<64x768xf32, #tpu.memory_space<vmem>>, vector<1x16xf32>,
      %swap3A_171 = vector.shape_cast %swap3A_170 : vector<1x16xf32> to vector<16xf32>
      %swap3A_172 = vector.shape_cast %add3A_167 : vector<16xf32> to vector<1x16xf32>
      tpu.vector_store %arg7[%swap3A_168, %swap3A_169], %swap3A_172 {strides = array<i32>} : memref<64x768xf32, #tpu.memory_space<vmem>>, vector<1x16xf32>,
      %get3A_173 = arith.index_cast %scan3A_118 : i32 to index
      %get3A_174 = arith.constant 64 : index
      %get3A_175 = tpu.vector_load %arg7[%get3A_173, %get3A_174] {strides = array<i32>} : memref<64x768xf32, #tpu.memory_space<vmem>>, vector<1x16xf32>,
      %get3A_176 = vector.shape_cast %get3A_175 : vector<1x16xf32> to vector<16xf32>
      %get3A_177 = arith.index_cast %scan3A_118 : i32 to index
      %get3A_178 = arith.constant 64 : index
      %get3A_179 = tpu.vector_load %arg8[%get3A_177, %get3A_178] {strides = array<i32>} : memref<64x768xf32, #tpu.memory_space<vmem>>, vector<1x16xf32>,
      %get3A_180 = vector.shape_cast %get3A_179 : vector<1x16xf32> to vector<16xf32>
      %add3A_181 = arith.addf %get3A_176, %get3A_180 : vector<16xf32>
      %swap3A_182 = arith.index_cast %scan3A_118 : i32 to index
      %swap3A_183 = arith.constant 64 : index
      %swap3A_184 = tpu.vector_load %arg7[%swap3A_182, %swap3A_183] {strides = array<i32>} : memref<64x768xf32, #tpu.memory_space<vmem>>, vector<1x16xf32>,
      %swap3A_185 = vector.shape_cast %swap3A_184 : vector<1x16xf32> to vector<16xf32>
      %swap3A_186 = vector.shape_cast %add3A_181 : vector<16xf32> to vector<1x16xf32>
      tpu.vector_store %arg7[%swap3A_182, %swap3A_183], %swap3A_186 {strides = array<i32>} : memref<64x768xf32, #tpu.memory_space<vmem>>, vector<1x16xf32>,
      %get3A_187 = arith.index_cast %scan3A_118 : i32 to index
      %get3A_188 = arith.constant 80 : index
      %get3A_189 = tpu.vector_load %arg7[%get3A_187, %get3A_188] {strides = array<i32>} : memref<64x768xf32, #tpu.memory_space<vmem>>, vector<1x16xf32>,
      %get3A_190 = vector.shape_cast %get3A_189 : vector<1x16xf32> to vector<16xf32>
      %get3A_191 = arith.index_cast %scan3A_118 : i32 to index
      %get3A_192 = arith.constant 80 : index
      %get3A_193 = tpu.vector_load %arg8[%get3A_191, %get3A_192] {strides = array<i32>} : memref<64x768xf32, #tpu.memory_space<vmem>>, vector<1x16xf32>,
      %get3A_194 = vector.shape_cast %get3A_193 : vector<1x16xf32> to vector<16xf32>
      %add3A_195 = arith.addf %get3A_190, %get3A_194 : vector<16xf32>
      %swap3A_196 = arith.index_cast %scan3A_118 : i32 to index
      %swap3A_197 = arith.constant 80 : index
      %swap3A_198 = tpu.vector_load %arg7[%swap3A_196, %swap3A_197] {strides = array<i32>} : memref<64x768xf32, #tpu.memory_space<vmem>>, vector<1x16xf32>,
      %swap3A_199 = vector.shape_cast %swap3A_198 : vector<1x16xf32> to vector<16xf32>
      %swap3A_200 = vector.shape_cast %add3A_195 : vector<16xf32> to vector<1x16xf32>
      tpu.vector_store %arg7[%swap3A_196, %swap3A_197], %swap3A_200 {strides = array<i32>} : memref<64x768xf32, #tpu.memory_space<vmem>>, vector<1x16xf32>,
      %get3A_201 = arith.index_cast %scan3A_118 : i32 to index
      %get3A_202 = arith.constant 96 : index
      %get3A_203 = tpu.vector_load %arg7[%get3A_201, %get3A_202] {strides = array<i32>} : memref<64x768xf32, #tpu.memory_space<vmem>>, vector<1x16xf32>,
      %get3A_204 = vector.shape_cast %get3A_203 : vector<1x16xf32> to vector<16xf32>
      %get3A_205 = arith.index_cast %scan3A_118 : i32 to index
      %get3A_206 = arith.constant 96 : index
      %get3A_207 = tpu.vector_load %arg8[%get3A_205, %get3A_206] {strides = array<i32>} : memref<64x768xf32, #tpu.memory_space<vmem>>, vector<1x16xf32>,
      %get3A_208 = vector.shape_cast %get3A_207 : vector<1x16xf32> to vector<16xf32>
      %add3A_209 = arith.addf %get3A_204, %get3A_208 : vector<16xf32>
      %swap3A_210 = arith.index_cast %scan3A_118 : i32 to index
      %swap3A_211 = arith.constant 96 : index
      %swap3A_212 = tpu.vector_load %arg7[%swap3A_210, %swap3A_211] {strides = array<i32>} : memref<64x768xf32, #tpu.memory_space<vmem>>, vector<1x16xf32>,
      %swap3A_213 = vector.shape_cast %swap3A_212 : vector<1x16xf32> to vector<16xf32>
      %swap3A_214 = vector.shape_cast %add3A_209 : vector<16xf32> to vector<1x16xf32>
      tpu.vector_store %arg7[%swap3A_210, %swap3A_211], %swap3A_214 {strides = array<i32>} : memref<64x768xf32, #tpu.memory_space<vmem>>, vector<1x16xf32>,
      %get3A_215 = arith.index_cast %scan3A_118 : i32 to index
      %get3A_216 = arith.constant 112 : index
      %get3A_217 = tpu.vector_load %arg7[%get3A_215, %get3A_216] {strides = array<i32>} : memref<64x768xf32, #tpu.memory_space<vmem>>, vector<1x16xf32>,
      %get3A_218 = vector.shape_cast %get3A_217 : vector<1x16xf32> to vector<16xf32>
      %get3A_219 = arith.index_cast %scan3A_118 : i32 to index
      %get3A_220 = arith.constant 112 : index
      %get3A_221 = tpu.vector_load %arg8[%get3A_219, %get3A_220] {strides = array<i32>} : memref<64x768xf32, #tpu.memory_space<vmem>>, vector<1x16xf32>,
      %get3A_222 = vector.shape_cast %get3A_221 : vector<1x16xf32> to vector<16xf32>
      %add3A_223 = arith.addf %get3A_218, %get3A_222 : vector<16xf32>
      %swap3A_224 = arith.index_cast %scan3A_118 : i32 to index
      %swap3A_225 = arith.constant 112 : index
      %swap3A_226 = tpu.vector_load %arg7[%swap3A_224, %swap3A_225] {strides = array<i32>} : memref<64x768xf32, #tpu.memory_space<vmem>>, vector<1x16xf32>,
      %swap3A_227 = vector.shape_cast %swap3A_226 : vector<1x16xf32> to vector<16xf32>
      %swap3A_228 = vector.shape_cast %add3A_223 : vector<16xf32> to vector<1x16xf32>
      tpu.vector_store %arg7[%swap3A_224, %swap3A_225], %swap3A_228 {strides = array<i32>} : memref<64x768xf32, #tpu.memory_space<vmem>>, vector<1x16xf32>,
      %get3A_229 = arith.index_cast %scan3A_118 : i32 to index
      %get3A_230 = arith.constant 128 : index
      %get3A_231 = tpu.vector_load %arg7[%get3A_229, %get3A_230] {strides = array<i32>} : memref<64x768xf32, #tpu.memory_space<vmem>>, vector<1x16xf32>,
      %get3A_232 = vector.shape_cast %get3A_231 : vector<1x16xf32> to vector<16xf32>
      %get3A_233 = arith.index_cast %scan3A_118 : i32 to index
      %get3A_234 = arith.constant 128 : index
      %get3A_235 = tpu.vector_load %arg8[%get3A_233, %get3A_234] {strides = array<i32>} : memref<64x768xf32, #tpu.memory_space<vmem>>, vector<1x16xf32>,
      %get3A_236 = vector.shape_cast %get3A_235 : vector<1x16xf32> to vector<16xf32>
      %add3A_237 = arith.addf %get3A_232, %get3A_236 : vector<16xf32>
      %swap3A_238 = arith.index_cast %scan3A_118 : i32 to index
      %swap3A_239 = arith.constant 128 : index
      %swap3A_240 = tpu.vector_load %arg7[%swap3A_238, %swap3A_239] {strides = array<i32>} : memref<64x768xf32, #tpu.memory_space<vmem>>, vector<1x16xf32>,
      %swap3A_241 = vector.shape_cast %swap3A_240 : vector<1x16xf32> to vector<16xf32>
      %swap3A_242 = vector.shape_cast %add3A_237 : vector<16xf32> to vector<1x16xf32>
      tpu.vector_store %arg7[%swap3A_238, %swap3A_239], %swap3A_242 {strides = array<i32>} : memref<64x768xf32, #tpu.memory_space<vmem>>, vector<1x16xf32>,
      %get3A_243 = arith.index_cast %scan3A_118 : i32 to index
      %get3A_244 = arith.constant 144 : index
      %get3A_245 = tpu.vector_load %arg7[%get3A_243, %get3A_244] {strides = array<i32>} : memref<64x768xf32, #tpu.memory_space<vmem>>, vector<1x16xf32>,
      %get3A_246 = vector.shape_cast %get3A_245 : vector<1x16xf32> to vector<16xf32>
      %get3A_247 = arith.index_cast %scan3A_118 : i32 to index
      %get3A_248 = arith.constant 144 : index
      %get3A_249 = tpu.vector_load %arg8[%get3A_247, %get3A_248] {strides = array<i32>} : memref<64x768xf32, #tpu.memory_space<vmem>>, vector<1x16xf32>,
      %get3A_250 = vector.shape_cast %get3A_249 : vector<1x16xf32> to vector<16xf32>
      %add3A_251 = arith.addf %get3A_246, %get3A_250 : vector<16xf32>
      %swap3A_252 = arith.index_cast %scan3A_118 : i32 to index
      %swap3A_253 = arith.constant 144 : index
      %swap3A_254 = tpu.vector_load %arg7[%swap3A_252, %swap3A_253] {strides = array<i32>} : memref<64x768xf32, #tpu.memory_space<vmem>>, vector<1x16xf32>,
      %swap3A_255 = vector.shape_cast %swap3A_254 : vector<1x16xf32> to vector<16xf32>
      %swap3A_256 = vector.shape_cast %add3A_251 : vector<16xf32> to vector<1x16xf32>
      tpu.vector_store %arg7[%swap3A_252, %swap3A_253], %swap3A_256 {strides = array<i32>} : memref<64x768xf32, #tpu.memory_space<vmem>>, vector<1x16xf32>,
      %get3A_257 = arith.index_cast %scan3A_118 : i32 to index
      %get3A_258 = arith.constant 160 : index
      %get3A_259 = tpu.vector_load %arg7[%get3A_257, %get3A_258] {strides = array<i32>} : memref<64x768xf32, #tpu.memory_space<vmem>>, vector<1x16xf32>,
      %get3A_260 = vector.shape_cast %get3A_259 : vector<1x16xf32> to vector<16xf32>
      %get3A_261 = arith.index_cast %scan3A_118 : i32 to index
      %get3A_262 = arith.constant 160 : index
      %get3A_263 = tpu.vector_load %arg8[%get3A_261, %get3A_262] {strides = array<i32>} : memref<64x768xf32, #tpu.memory_space<vmem>>, vector<1x16xf32>,
      %get3A_264 = vector.shape_cast %get3A_263 : vector<1x16xf32> to vector<16xf32>
      %add3A_265 = arith.addf %get3A_260, %get3A_264 : vector<16xf32>
      %swap3A_266 = arith.index_cast %scan3A_118 : i32 to index
      %swap3A_267 = arith.constant 160 : index
      %swap3A_268 = tpu.vector_load %arg7[%swap3A_266, %swap3A_267] {strides = array<i32>} : memref<64x768xf32, #tpu.memory_space<vmem>>, vector<1x16xf32>,
      %swap3A_269 = vector.shape_cast %swap3A_268 : vector<1x16xf32> to vector<16xf32>
      %swap3A_270 = vector.shape_cast %add3A_265 : vector<16xf32> to vector<1x16xf32>
      tpu.vector_store %arg7[%swap3A_266, %swap3A_267], %swap3A_270 {strides = array<i32>} : memref<64x768xf32, #tpu.memory_space<vmem>>, vector<1x16xf32>,
      %get3A_271 = arith.index_cast %scan3A_118 : i32 to index
      %get3A_272 = arith.constant 176 : index
      %get3A_273 = tpu.vector_load %arg7[%get3A_271, %get3A_272] {strides = array<i32>} : memref<64x768xf32, #tpu.memory_space<vmem>>, vector<1x16xf32>,
      %get3A_274 = vector.shape_cast %get3A_273 : vector<1x16xf32> to vector<16xf32>
      %get3A_275 = arith.index_cast %scan3A_118 : i32 to index
      %get3A_276 = arith.constant 176 : index
      %get3A_277 = tpu.vector_load %arg8[%get3A_275, %get3A_276] {strides = array<i32>} : memref<64x768xf32, #tpu.memory_space<vmem>>, vector<1x16xf32>,
      %get3A_278 = vector.shape_cast %get3A_277 : vector<1x16xf32> to vector<16xf32>
      %add3A_279 = arith.addf %get3A_274, %get3A_278 : vector<16xf32>
      %swap3A_280 = arith.index_cast %scan3A_118 : i32 to index
      %swap3A_281 = arith.constant 176 : index
      %swap3A_282 = tpu.vector_load %arg7[%swap3A_280, %swap3A_281] {strides = array<i32>} : memref<64x768xf32, #tpu.memory_space<vmem>>, vector<1x16xf32>,
      %swap3A_283 = vector.shape_cast %swap3A_282 : vector<1x16xf32> to vector<16xf32>
      %swap3A_284 = vector.shape_cast %add3A_279 : vector<16xf32> to vector<1x16xf32>
      tpu.vector_store %arg7[%swap3A_280, %swap3A_281], %swap3A_284 {strides = array<i32>} : memref<64x768xf32, #tpu.memory_space<vmem>>, vector<1x16xf32>,
      %get3A_285 = arith.index_cast %scan3A_118 : i32 to index
      %get3A_286 = arith.constant 192 : index
      %get3A_287 = tpu.vector_load %arg7[%get3A_285, %get3A_286] {strides = array<i32>} : memref<64x768xf32, #tpu.memory_space<vmem>>, vector<1x16xf32>,
      %get3A_288 = vector.shape_cast %get3A_287 : vector<1x16xf32> to vector<16xf32>
      %get3A_289 = arith.index_cast %scan3A_118 : i32 to index
      %get3A_290 = arith.constant 192 : index
      %get3A_291 = tpu.vector_load %arg8[%get3A_289, %get3A_290] {strides = array<i32>} : memref<64x768xf32, #tpu.memory_space<vmem>>, vector<1x16xf32>,
      %get3A_292 = vector.shape_cast %get3A_291 : vector<1x16xf32> to vector<16xf32>
      %add3A_293 = arith.addf %get3A_288, %get3A_292 : vector<16xf32>
      %swap3A_294 = arith.index_cast %scan3A_118 : i32 to index
      %swap3A_295 = arith.constant 192 : index
      %swap3A_296 = tpu.vector_load %arg7[%swap3A_294, %swap3A_295] {strides = array<i32>} : memref<64x768xf32, #tpu.memory_space<vmem>>, vector<1x16xf32>,
      %swap3A_297 = vector.shape_cast %swap3A_296 : vector<1x16xf32> to vector<16xf32>
      %swap3A_298 = vector.shape_cast %add3A_293 : vector<16xf32> to vector<1x16xf32>
      tpu.vector_store %arg7[%swap3A_294, %swap3A_295], %swap3A_298 {strides = array<i32>} : memref<64x768xf32, #tpu.memory_space<vmem>>, vector<1x16xf32>,
      %get3A_299 = arith.index_cast %scan3A_118 : i32 to index
      %get3A_300 = arith.constant 208 : index
      %get3A_301 = tpu.vector_load %arg7[%get3A_299, %get3A_300] {strides = array<i32>} : memref<64x768xf32, #tpu.memory_space<vmem>>, vector<1x16xf32>,
      %get3A_302 = vector.shape_cast %get3A_301 : vector<1x16xf32> to vector<16xf32>
      %get3A_303 = arith.index_cast %scan3A_118 : i32 to index
      %get3A_304 = arith.constant 208 : index
      %get3A_305 = tpu.vector_load %arg8[%get3A_303, %get3A_304] {strides = array<i32>} : memref<64x768xf32, #tpu.memory_space<vmem>>, vector<1x16xf32>,
      %get3A_306 = vector.shape_cast %get3A_305 : vector<1x16xf32> to vector<16xf32>
      %add3A_307 = arith.addf %get3A_302, %get3A_306 : vector<16xf32>
      %swap3A_308 = arith.index_cast %scan3A_118 : i32 to index
      %swap3A_309 = arith.constant 208 : index
      %swap3A_310 = tpu.vector_load %arg7[%swap3A_308, %swap3A_309] {strides = array<i32>} : memref<64x768xf32, #tpu.memory_space<vmem>>, vector<1x16xf32>,
      %swap3A_311 = vector.shape_cast %swap3A_310 : vector<1x16xf32> to vector<16xf32>
      %swap3A_312 = vector.shape_cast %add3A_307 : vector<16xf32> to vector<1x16xf32>
      tpu.vector_store %arg7[%swap3A_308, %swap3A_309], %swap3A_312 {strides = array<i32>} : memref<64x768xf32, #tpu.memory_space<vmem>>, vector<1x16xf32>,
      %get3A_313 = arith.index_cast %scan3A_118 : i32 to index
      %get3A_314 = arith.constant 224 : index
      %get3A_315 = tpu.vector_load %arg7[%get3A_313, %get3A_314] {strides = array<i32>} : memref<64x768xf32, #tpu.memory_space<vmem>>, vector<1x16xf32>,
      %get3A_316 = vector.shape_cast %get3A_315 : vector<1x16xf32> to vector<16xf32>
      %get3A_317 = arith.index_cast %scan3A_118 : i32 to index
      %get3A_318 = arith.constant 224 : index
      %get3A_319 = tpu.vector_load %arg8[%get3A_317, %get3A_318] {strides = array<i32>} : memref<64x768xf32, #tpu.memory_space<vmem>>, vector<1x16xf32>,
      %get3A_320 = vector.shape_cast %get3A_319 : vector<1x16xf32> to vector<16xf32>
      %add3A_321 = arith.addf %get3A_316, %get3A_320 : vector<16xf32>
      %swap3A_322 = arith.index_cast %scan3A_118 : i32 to index
      %swap3A_323 = arith.constant 224 : index
      %swap3A_324 = tpu.vector_load %arg7[%swap3A_322, %swap3A_323] {strides = array<i32>} : memref<64x768xf32, #tpu.memory_space<vmem>>, vector<1x16xf32>,
      %swap3A_325 = vector.shape_cast %swap3A_324 : vector<1x16xf32> to vector<16xf32>
      %swap3A_326 = vector.shape_cast %add3A_321 : vector<16xf32> to vector<1x16xf32>
      tpu.vector_store %arg7[%swap3A_322, %swap3A_323], %swap3A_326 {strides = array<i32>} : memref<64x768xf32, #tpu.memory_space<vmem>>, vector<1x16xf32>,
      %get3A_327 = arith.index_cast %scan3A_118 : i32 to index
      %get3A_328 = arith.constant 240 : index
      %get3A_329 = tpu.vector_load %arg7[%get3A_327, %get3A_328] {strides = array<i32>} : memref<64x768xf32, #tpu.memory_space<vmem>>, vector<1x16xf32>,
      %get3A_330 = vector.shape_cast %get3A_329 : vector<1x16xf32> to vector<16xf32>
      %get3A_331 = arith.index_cast %scan3A_118 : i32 to index
      %get3A_332 = arith.constant 240 : index
      %get3A_333 = tpu.vector_load %arg8[%get3A_331, %get3A_332] {strides = array<i32>} : memref<64x768xf32, #tpu.memory_space<vmem>>, vector<1x16xf32>,
      %get3A_334 = vector.shape_cast %get3A_333 : vector<1x16xf32> to vector<16xf32>
      %add3A_335 = arith.addf %get3A_330, %get3A_334 : vector<16xf32>
      %swap3A_336 = arith.index_cast %scan3A_118 : i32 to index
      %swap3A_337 = arith.constant 240 : index
      %swap3A_338 = tpu.vector_load %arg7[%swap3A_336, %swap3A_337] {strides = array<i32>} : memref<64x768xf32, #tpu.memory_space<vmem>>, vector<1x16xf32>,
      %swap3A_339 = vector.shape_cast %swap3A_338 : vector<1x16xf32> to vector<16xf32>
      %swap3A_340 = vector.shape_cast %add3A_335 : vector<16xf32> to vector<1x16xf32>
      tpu.vector_store %arg7[%swap3A_336, %swap3A_337], %swap3A_340 {strides = array<i32>} : memref<64x768xf32, #tpu.memory_space<vmem>>, vector<1x16xf32>,
      %get3A_341 = arith.index_cast %scan3A_118 : i32 to index
      %get3A_342 = arith.constant 256 : index
      %get3A_343 = tpu.vector_load %arg7[%get3A_341, %get3A_342] {strides = array<i32>} : memref<64x768xf32, #tpu.memory_space<vmem>>, vector<1x16xf32>,
      %get3A_344 = vector.shape_cast %get3A_343 : vector<1x16xf32> to vector<16xf32>
      %get3A_345 = arith.index_cast %scan3A_118 : i32 to index
      %get3A_346 = arith.constant 256 : index
      %get3A_347 = tpu.vector_load %arg8[%get3A_345, %get3A_346] {strides = array<i32>} : memref<64x768xf32, #tpu.memory_space<vmem>>, vector<1x16xf32>,
      %get3A_348 = vector.shape_cast %get3A_347 : vector<1x16xf32> to vector<16xf32>
      %add3A_349 = arith.addf %get3A_344, %get3A_348 : vector<16xf32>
      %swap3A_350 = arith.index_cast %scan3A_118 : i32 to index
      %swap3A_351 = arith.constant 256 : index
      %swap3A_352 = tpu.vector_load %arg7[%swap3A_350, %swap3A_351] {strides = array<i32>} : memref<64x768xf32, #tpu.memory_space<vmem>>, vector<1x16xf32>,
      %swap3A_353 = vector.shape_cast %swap3A_352 : vector<1x16xf32> to vector<16xf32>
      %swap3A_354 = vector.shape_cast %add3A_349 : vector<16xf32> to vector<1x16xf32>
      tpu.vector_store %arg7[%swap3A_350, %swap3A_351], %swap3A_354 {strides = array<i32>} : memref<64x768xf32, #tpu.memory_space<vmem>>, vector<1x16xf32>,
      %get3A_355 = arith.index_cast %scan3A_118 : i32 to index
      %get3A_356 = arith.constant 272 : index
      %get3A_357 = tpu.vector_load %arg7[%get3A_355, %get3A_356] {strides = array<i32>} : memref<64x768xf32, #tpu.memory_space<vmem>>, vector<1x16xf32>,
      %get3A_358 = vector.shape_cast %get3A_357 : vector<1x16xf32> to vector<16xf32>
      %get3A_359 = arith.index_cast %scan3A_118 : i32 to index
      %get3A_360 = arith.constant 272 : index
      %get3A_361 = tpu.vector_load %arg8[%get3A_359, %get3A_360] {strides = array<i32>} : memref<64x768xf32, #tpu.memory_space<vmem>>, vector<1x16xf32>,
      %get3A_362 = vector.shape_cast %get3A_361 : vector<1x16xf32> to vector<16xf32>
      %add3A_363 = arith.addf %get3A_358, %get3A_362 : vector<16xf32>
      %swap3A_364 = arith.index_cast %scan3A_118 : i32 to index
      %swap3A_365 = arith.constant 272 : index
      %swap3A_366 = tpu.vector_load %arg7[%swap3A_364, %swap3A_365] {strides = array<i32>} : memref<64x768xf32, #tpu.memory_space<vmem>>, vector<1x16xf32>,
      %swap3A_367 = vector.shape_cast %swap3A_366 : vector<1x16xf32> to vector<16xf32>
      %swap3A_368 = vector.shape_cast %add3A_363 : vector<16xf32> to vector<1x16xf32>
      tpu.vector_store %arg7[%swap3A_364, %swap3A_365], %swap3A_368 {strides = array<i32>} : memref<64x768xf32, #tpu.memory_space<vmem>>, vector<1x16xf32>,
      %get3A_369 = arith.index_cast %scan3A_118 : i32 to index
      %get3A_370 = arith.constant 288 : index
      %get3A_371 = tpu.vector_load %arg7[%get3A_369, %get3A_370] {strides = array<i32>} : memref<64x768xf32, #tpu.memory_space<vmem>>, vector<1x16xf32>,
      %get3A_372 = vector.shape_cast %get3A_371 : vector<1x16xf32> to vector<16xf32>
      %get3A_373 = arith.index_cast %scan3A_118 : i32 to index
      %get3A_374 = arith.constant 288 : index
      %get3A_375 = tpu.vector_load %arg8[%get3A_373, %get3A_374] {strides = array<i32>} : memref<64x768xf32, #tpu.memory_space<vmem>>, vector<1x16xf32>,
      %get3A_376 = vector.shape_cast %get3A_375 : vector<1x16xf32> to vector<16xf32>
      %add3A_377 = arith.addf %get3A_372, %get3A_376 : vector<16xf32>
      %swap3A_378 = arith.index_cast %scan3A_118 : i32 to index
      %swap3A_379 = arith.constant 288 : index
      %swap3A_380 = tpu.vector_load %arg7[%swap3A_378, %swap3A_379] {strides = array<i32>} : memref<64x768xf32, #tpu.memory_space<vmem>>, vector<1x16xf32>,
      %swap3A_381 = vector.shape_cast %swap3A_380 : vector<1x16xf32> to vector<16xf32>
      %swap3A_382 = vector.shape_cast %add3A_377 : vector<16xf32> to vector<1x16xf32>
      tpu.vector_store %arg7[%swap3A_378, %swap3A_379], %swap3A_382 {strides = array<i32>} : memref<64x768xf32, #tpu.memory_space<vmem>>, vector<1x16xf32>,
      %get3A_383 = arith.index_cast %scan3A_118 : i32 to index
      %get3A_384 = arith.constant 304 : index
      %get3A_385 = tpu.vector_load %arg7[%get3A_383, %get3A_384] {strides = array<i32>} : memref<64x768xf32, #tpu.memory_space<vmem>>, vector<1x16xf32>,
      %get3A_386 = vector.shape_cast %get3A_385 : vector<1x16xf32> to vector<16xf32>
      %get3A_387 = arith.index_cast %scan3A_118 : i32 to index
      %get3A_388 = arith.constant 304 : index
      %get3A_389 = tpu.vector_load %arg8[%get3A_387, %get3A_388] {strides = array<i32>} : memref<64x768xf32, #tpu.memory_space<vmem>>, vector<1x16xf32>,
      %get3A_390 = vector.shape_cast %get3A_389 : vector<1x16xf32> to vector<16xf32>
      %add3A_391 = arith.addf %get3A_386, %get3A_390 : vector<16xf32>
      %swap3A_392 = arith.index_cast %scan3A_118 : i32 to index
      %swap3A_393 = arith.constant 304 : index
      %swap3A_394 = tpu.vector_load %arg7[%swap3A_392, %swap3A_393] {strides = array<i32>} : memref<64x768xf32, #tpu.memory_space<vmem>>, vector<1x16xf32>,
      %swap3A_395 = vector.shape_cast %swap3A_394 : vector<1x16xf32> to vector<16xf32>
      %swap3A_396 = vector.shape_cast %add3A_391 : vector<16xf32> to vector<1x16xf32>
      tpu.vector_store %arg7[%swap3A_392, %swap3A_393], %swap3A_396 {strides = array<i32>} : memref<64x768xf32, #tpu.memory_space<vmem>>, vector<1x16xf32>,
      %get3A_397 = arith.index_cast %scan3A_118 : i32 to index
      %get3A_398 = arith.constant 320 : index
      %get3A_399 = tpu.vector_load %arg7[%get3A_397, %get3A_398] {strides = array<i32>} : memref<64x768xf32, #tpu.memory_space<vmem>>, vector<1x16xf32>,
      %get3A_400 = vector.shape_cast %get3A_399 : vector<1x16xf32> to vector<16xf32>
      %get3A_401 = arith.index_cast %scan3A_118 : i32 to index
      %get3A_402 = arith.constant 320 : index
      %get3A_403 = tpu.vector_load %arg8[%get3A_401, %get3A_402] {strides = array<i32>} : memref<64x768xf32, #tpu.memory_space<vmem>>, vector<1x16xf32>,
      %get3A_404 = vector.shape_cast %get3A_403 : vector<1x16xf32> to vector<16xf32>
      %add3A_405 = arith.addf %get3A_400, %get3A_404 : vector<16xf32>
      %swap3A_406 = arith.index_cast %scan3A_118 : i32 to index
      %swap3A_407 = arith.constant 320 : index
      %swap3A_408 = tpu.vector_load %arg7[%swap3A_406, %swap3A_407] {strides = array<i32>} : memref<64x768xf32, #tpu.memory_space<vmem>>, vector<1x16xf32>,
      %swap3A_409 = vector.shape_cast %swap3A_408 : vector<1x16xf32> to vector<16xf32>
      %swap3A_410 = vector.shape_cast %add3A_405 : vector<16xf32> to vector<1x16xf32>
      tpu.vector_store %arg7[%swap3A_406, %swap3A_407], %swap3A_410 {strides = array<i32>} : memref<64x768xf32, #tpu.memory_space<vmem>>, vector<1x16xf32>,
      %get3A_411 = arith.index_cast %scan3A_118 : i32 to index
      %get3A_412 = arith.constant 336 : index
      %get3A_413 = tpu.vector_load %arg7[%get3A_411, %get3A_412] {strides = array<i32>} : memref<64x768xf32, #tpu.memory_space<vmem>>, vector<1x16xf32>,
      %get3A_414 = vector.shape_cast %get3A_413 : vector<1x16xf32> to vector<16xf32>
      %get3A_415 = arith.index_cast %scan3A_118 : i32 to index
      %get3A_416 = arith.constant 336 : index
      %get3A_417 = tpu.vector_load %arg8[%get3A_415, %get3A_416] {strides = array<i32>} : memref<64x768xf32, #tpu.memory_space<vmem>>, vector<1x16xf32>,
      %get3A_418 = vector.shape_cast %get3A_417 : vector<1x16xf32> to vector<16xf32>
      %add3A_419 = arith.addf %get3A_414, %get3A_418 : vector<16xf32>
      %swap3A_420 = arith.index_cast %scan3A_118 : i32 to index
      %swap3A_421 = arith.constant 336 : index
      %swap3A_422 = tpu.vector_load %arg7[%swap3A_420, %swap3A_421] {strides = array<i32>} : memref<64x768xf32, #tpu.memory_space<vmem>>, vector<1x16xf32>,
      %swap3A_423 = vector.shape_cast %swap3A_422 : vector<1x16xf32> to vector<16xf32>
      %swap3A_424 = vector.shape_cast %add3A_419 : vector<16xf32> to vector<1x16xf32>
      tpu.vector_store %arg7[%swap3A_420, %swap3A_421], %swap3A_424 {strides = array<i32>} : memref<64x768xf32, #tpu.memory_space<vmem>>, vector<1x16xf32>,
      %get3A_425 = arith.index_cast %scan3A_118 : i32 to index
      %get3A_426 = arith.constant 352 : index
      %get3A_427 = tpu.vector_load %arg7[%get3A_425, %get3A_426] {strides = array<i32>} : memref<64x768xf32, #tpu.memory_space<vmem>>, vector<1x16xf32>,
      %get3A_428 = vector.shape_cast %get3A_427 : vector<1x16xf32> to vector<16xf32>
      %get3A_429 = arith.index_cast %scan3A_118 : i32 to index
      %get3A_430 = arith.constant 352 : index
      %get3A_431 = tpu.vector_load %arg8[%get3A_429, %get3A_430] {strides = array<i32>} : memref<64x768xf32, #tpu.memory_space<vmem>>, vector<1x16xf32>,
      %get3A_432 = vector.shape_cast %get3A_431 : vector<1x16xf32> to vector<16xf32>
      %add3A_433 = arith.addf %get3A_428, %get3A_432 : vector<16xf32>
      %swap3A_434 = arith.index_cast %scan3A_118 : i32 to index
      %swap3A_435 = arith.constant 352 : index
      %swap3A_436 = tpu.vector_load %arg7[%swap3A_434, %swap3A_435] {strides = array<i32>} : memref<64x768xf32, #tpu.memory_space<vmem>>, vector<1x16xf32>,
      %swap3A_437 = vector.shape_cast %swap3A_436 : vector<1x16xf32> to vector<16xf32>
      %swap3A_438 = vector.shape_cast %add3A_433 : vector<16xf32> to vector<1x16xf32>
      tpu.vector_store %arg7[%swap3A_434, %swap3A_435], %swap3A_438 {strides = array<i32>} : memref<64x768xf32, #tpu.memory_space<vmem>>, vector<1x16xf32>,
      %get3A_439 = arith.index_cast %scan3A_118 : i32 to index
      %get3A_440 = arith.constant 368 : index
      %get3A_441 = tpu.vector_load %arg7[%get3A_439, %get3A_440] {strides = array<i32>} : memref<64x768xf32, #tpu.memory_space<vmem>>, vector<1x16xf32>,
      %get3A_442 = vector.shape_cast %get3A_441 : vector<1x16xf32> to vector<16xf32>
      %get3A_443 = arith.index_cast %scan3A_118 : i32 to index
      %get3A_444 = arith.constant 368 : index
      %get3A_445 = tpu.vector_load %arg8[%get3A_443, %get3A_444] {strides = array<i32>} : memref<64x768xf32, #tpu.memory_space<vmem>>, vector<1x16xf32>,
      %get3A_446 = vector.shape_cast %get3A_445 : vector<1x16xf32> to vector<16xf32>
      %add3A_447 = arith.addf %get3A_442, %get3A_446 : vector<16xf32>
      %swap3A_448 = arith.index_cast %scan3A_118 : i32 to index
      %swap3A_449 = arith.constant 368 : index
      %swap3A_450 = tpu.vector_load %arg7[%swap3A_448, %swap3A_449] {strides = array<i32>} : memref<64x768xf32, #tpu.memory_space<vmem>>, vector<1x16xf32>,
      %swap3A_451 = vector.shape_cast %swap3A_450 : vector<1x16xf32> to vector<16xf32>
      %swap3A_452 = vector.shape_cast %add3A_447 : vector<16xf32> to vector<1x16xf32>
      tpu.vector_store %arg7[%swap3A_448, %swap3A_449], %swap3A_452 {strides = array<i32>} : memref<64x768xf32, #tpu.memory_space<vmem>>, vector<1x16xf32>,
      %get3A_453 = arith.index_cast %scan3A_118 : i32 to index
      %get3A_454 = arith.constant 384 : index
      %get3A_455 = tpu.vector_load %arg7[%get3A_453, %get3A_454] {strides = array<i32>} : memref<64x768xf32, #tpu.memory_space<vmem>>, vector<1x16xf32>,
      %get3A_456 = vector.shape_cast %get3A_455 : vector<1x16xf32> to vector<16xf32>
      %get3A_457 = arith.index_cast %scan3A_118 : i32 to index
      %get3A_458 = arith.constant 384 : index
      %get3A_459 = tpu.vector_load %arg8[%get3A_457, %get3A_458] {strides = array<i32>} : memref<64x768xf32, #tpu.memory_space<vmem>>, vector<1x16xf32>,
      %get3A_460 = vector.shape_cast %get3A_459 : vector<1x16xf32> to vector<16xf32>
      %add3A_461 = arith.addf %get3A_456, %get3A_460 : vector<16xf32>
      %swap3A_462 = arith.index_cast %scan3A_118 : i32 to index
      %swap3A_463 = arith.constant 384 : index
      %swap3A_464 = tpu.vector_load %arg7[%swap3A_462, %swap3A_463] {strides = array<i32>} : memref<64x768xf32, #tpu.memory_space<vmem>>, vector<1x16xf32>,
      %swap3A_465 = vector.shape_cast %swap3A_464 : vector<1x16xf32> to vector<16xf32>
      %swap3A_466 = vector.shape_cast %add3A_461 : vector<16xf32> to vector<1x16xf32>
      tpu.vector_store %arg7[%swap3A_462, %swap3A_463], %swap3A_466 {strides = array<i32>} : memref<64x768xf32, #tpu.memory_space<vmem>>, vector<1x16xf32>,
      %get3A_467 = arith.index_cast %scan3A_118 : i32 to index
      %get3A_468 = arith.constant 400 : index
      %get3A_469 = tpu.vector_load %arg7[%get3A_467, %get3A_468] {strides = array<i32>} : memref<64x768xf32, #tpu.memory_space<vmem>>, vector<1x16xf32>,
      %get3A_470 = vector.shape_cast %get3A_469 : vector<1x16xf32> to vector<16xf32>
      %get3A_471 = arith.index_cast %scan3A_118 : i32 to index
      %get3A_472 = arith.constant 400 : index
      %get3A_473 = tpu.vector_load %arg8[%get3A_471, %get3A_472] {strides = array<i32>} : memref<64x768xf32, #tpu.memory_space<vmem>>, vector<1x16xf32>,
      %get3A_474 = vector.shape_cast %get3A_473 : vector<1x16xf32> to vector<16xf32>
      %add3A_475 = arith.addf %get3A_470, %get3A_474 : vector<16xf32>
      %swap3A_476 = arith.index_cast %scan3A_118 : i32 to index
      %swap3A_477 = arith.constant 400 : index
      %swap3A_478 = tpu.vector_load %arg7[%swap3A_476, %swap3A_477] {strides = array<i32>} : memref<64x768xf32, #tpu.memory_space<vmem>>, vector<1x16xf32>,
      %swap3A_479 = vector.shape_cast %swap3A_478 : vector<1x16xf32> to vector<16xf32>
      %swap3A_480 = vector.shape_cast %add3A_475 : vector<16xf32> to vector<1x16xf32>
      tpu.vector_store %arg7[%swap3A_476, %swap3A_477], %swap3A_480 {strides = array<i32>} : memref<64x768xf32, #tpu.memory_space<vmem>>, vector<1x16xf32>,
      %get3A_481 = arith.index_cast %scan3A_118 : i32 to index
      %get3A_482 = arith.constant 416 : index
      %get3A_483 = tpu.vector_load %arg7[%get3A_481, %get3A_482] {strides = array<i32>} : memref<64x768xf32, #tpu.memory_space<vmem>>, vector<1x16xf32>,
      %get3A_484 = vector.shape_cast %get3A_483 : vector<1x16xf32> to vector<16xf32>
      %get3A_485 = arith.index_cast %scan3A_118 : i32 to index
      %get3A_486 = arith.constant 416 : index
      %get3A_487 = tpu.vector_load %arg8[%get3A_485, %get3A_486] {strides = array<i32>} : memref<64x768xf32, #tpu.memory_space<vmem>>, vector<1x16xf32>,
      %get3A_488 = vector.shape_cast %get3A_487 : vector<1x16xf32> to vector<16xf32>
      %add3A_489 = arith.addf %get3A_484, %get3A_488 : vector<16xf32>
      %swap3A_490 = arith.index_cast %scan3A_118 : i32 to index
      %swap3A_491 = arith.constant 416 : index
      %swap3A_492 = tpu.vector_load %arg7[%swap3A_490, %swap3A_491] {strides = array<i32>} : memref<64x768xf32, #tpu.memory_space<vmem>>, vector<1x16xf32>,
      %swap3A_493 = vector.shape_cast %swap3A_492 : vector<1x16xf32> to vector<16xf32>
      %swap3A_494 = vector.shape_cast %add3A_489 : vector<16xf32> to vector<1x16xf32>
      tpu.vector_store %arg7[%swap3A_490, %swap3A_491], %swap3A_494 {strides = array<i32>} : memref<64x768xf32, #tpu.memory_space<vmem>>, vector<1x16xf32>,
      %get3A_495 = arith.index_cast %scan3A_118 : i32 to index
      %get3A_496 = arith.constant 432 : index
      %get3A_497 = tpu.vector_load %arg7[%get3A_495, %get3A_496] {strides = array<i32>} : memref<64x768xf32, #tpu.memory_space<vmem>>, vector<1x16xf32>,
      %get3A_498 = vector.shape_cast %get3A_497 : vector<1x16xf32> to vector<16xf32>
      %get3A_499 = arith.index_cast %scan3A_118 : i32 to index
      %get3A_500 = arith.constant 432 : index
      %get3A_501 = tpu.vector_load %arg8[%get3A_499, %get3A_500] {strides = array<i32>} : memref<64x768xf32, #tpu.memory_space<vmem>>, vector<1x16xf32>,
      %get3A_502 = vector.shape_cast %get3A_501 : vector<1x16xf32> to vector<16xf32>
      %add3A_503 = arith.addf %get3A_498, %get3A_502 : vector<16xf32>
      %swap3A_504 = arith.index_cast %scan3A_118 : i32 to index
      %swap3A_505 = arith.constant 432 : index
      %swap3A_506 = tpu.vector_load %arg7[%swap3A_504, %swap3A_505] {strides = array<i32>} : memref<64x768xf32, #tpu.memory_space<vmem>>, vector<1x16xf32>,
      %swap3A_507 = vector.shape_cast %swap3A_506 : vector<1x16xf32> to vector<16xf32>
      %swap3A_508 = vector.shape_cast %add3A_503 : vector<16xf32> to vector<1x16xf32>
      tpu.vector_store %arg7[%swap3A_504, %swap3A_505], %swap3A_508 {strides = array<i32>} : memref<64x768xf32, #tpu.memory_space<vmem>>, vector<1x16xf32>,
      %get3A_509 = arith.index_cast %scan3A_118 : i32 to index
      %get3A_510 = arith.constant 448 : index
      %get3A_511 = tpu.vector_load %arg7[%get3A_509, %get3A_510] {strides = array<i32>} : memref<64x768xf32, #tpu.memory_space<vmem>>, vector<1x16xf32>,
      %get3A_512 = vector.shape_cast %get3A_511 : vector<1x16xf32> to vector<16xf32>
      %get3A_513 = arith.index_cast %scan3A_118 : i32 to index
      %get3A_514 = arith.constant 448 : index
      %get3A_515 = tpu.vector_load %arg8[%get3A_513, %get3A_514] {strides = array<i32>} : memref<64x768xf32, #tpu.memory_space<vmem>>, vector<1x16xf32>,
      %get3A_516 = vector.shape_cast %get3A_515 : vector<1x16xf32> to vector<16xf32>
      %add3A_517 = arith.addf %get3A_512, %get3A_516 : vector<16xf32>
      %swap3A_518 = arith.index_cast %scan3A_118 : i32 to index
      %swap3A_519 = arith.constant 448 : index
      %swap3A_520 = tpu.vector_load %arg7[%swap3A_518, %swap3A_519] {strides = array<i32>} : memref<64x768xf32, #tpu.memory_space<vmem>>, vector<1x16xf32>,
      %swap3A_521 = vector.shape_cast %swap3A_520 : vector<1x16xf32> to vector<16xf32>
      %swap3A_522 = vector.shape_cast %add3A_517 : vector<16xf32> to vector<1x16xf32>
      tpu.vector_store %arg7[%swap3A_518, %swap3A_519], %swap3A_522 {strides = array<i32>} : memref<64x768xf32, #tpu.memory_space<vmem>>, vector<1x16xf32>,
      %get3A_523 = arith.index_cast %scan3A_118 : i32 to index
      %get3A_524 = arith.constant 464 : index
      %get3A_525 = tpu.vector_load %arg7[%get3A_523, %get3A_524] {strides = array<i32>} : memref<64x768xf32, #tpu.memory_space<vmem>>, vector<1x16xf32>,
      %get3A_526 = vector.shape_cast %get3A_525 : vector<1x16xf32> to vector<16xf32>
      %get3A_527 = arith.index_cast %scan3A_118 : i32 to index
      %get3A_528 = arith.constant 464 : index
      %get3A_529 = tpu.vector_load %arg8[%get3A_527, %get3A_528] {strides = array<i32>} : memref<64x768xf32, #tpu.memory_space<vmem>>, vector<1x16xf32>,
      %get3A_530 = vector.shape_cast %get3A_529 : vector<1x16xf32> to vector<16xf32>
      %add3A_531 = arith.addf %get3A_526, %get3A_530 : vector<16xf32>
      %swap3A_532 = arith.index_cast %scan3A_118 : i32 to index
      %swap3A_533 = arith.constant 464 : index
      %swap3A_534 = tpu.vector_load %arg7[%swap3A_532, %swap3A_533] {strides = array<i32>} : memref<64x768xf32, #tpu.memory_space<vmem>>, vector<1x16xf32>,
      %swap3A_535 = vector.shape_cast %swap3A_534 : vector<1x16xf32> to vector<16xf32>
      %swap3A_536 = vector.shape_cast %add3A_531 : vector<16xf32> to vector<1x16xf32>
      tpu.vector_store %arg7[%swap3A_532, %swap3A_533], %swap3A_536 {strides = array<i32>} : memref<64x768xf32, #tpu.memory_space<vmem>>, vector<1x16xf32>,
      %get3A_537 = arith.index_cast %scan3A_118 : i32 to index
      %get3A_538 = arith.constant 480 : index
      %get3A_539 = tpu.vector_load %arg7[%get3A_537, %get3A_538] {strides = array<i32>} : memref<64x768xf32, #tpu.memory_space<vmem>>, vector<1x16xf32>,
      %get3A_540 = vector.shape_cast %get3A_539 : vector<1x16xf32> to vector<16xf32>
      %get3A_541 = arith.index_cast %scan3A_118 : i32 to index
      %get3A_542 = arith.constant 480 : index
      %get3A_543 = tpu.vector_load %arg8[%get3A_541, %get3A_542] {strides = array<i32>} : memref<64x768xf32, #tpu.memory_space<vmem>>, vector<1x16xf32>,
      %get3A_544 = vector.shape_cast %get3A_543 : vector<1x16xf32> to vector<16xf32>
      %add3A_545 = arith.addf %get3A_540, %get3A_544 : vector<16xf32>
      %swap3A_546 = arith.index_cast %scan3A_118 : i32 to index
      %swap3A_547 = arith.constant 480 : index
      %swap3A_548 = tpu.vector_load %arg7[%swap3A_546, %swap3A_547] {strides = array<i32>} : memref<64x768xf32, #tpu.memory_space<vmem>>, vector<1x16xf32>,
      %swap3A_549 = vector.shape_cast %swap3A_548 : vector<1x16xf32> to vector<16xf32>
      %swap3A_550 = vector.shape_cast %add3A_545 : vector<16xf32> to vector<1x16xf32>
      tpu.vector_store %arg7[%swap3A_546, %swap3A_547], %swap3A_550 {strides = array<i32>} : memref<64x768xf32, #tpu.memory_space<vmem>>, vector<1x16xf32>,
      %get3A_551 = arith.index_cast %scan3A_118 : i32 to index
      %get3A_552 = arith.constant 496 : index
      %get3A_553 = tpu.vector_load %arg7[%get3A_551, %get3A_552] {strides = array<i32>} : memref<64x768xf32, #tpu.memory_space<vmem>>, vector<1x16xf32>,
      %get3A_554 = vector.shape_cast %get3A_553 : vector<1x16xf32> to vector<16xf32>
      %get3A_555 = arith.index_cast %scan3A_118 : i32 to index
      %get3A_556 = arith.constant 496 : index
      %get3A_557 = tpu.vector_load %arg8[%get3A_555, %get3A_556] {strides = array<i32>} : memref<64x768xf32, #tpu.memory_space<vmem>>, vector<1x16xf32>,
      %get3A_558 = vector.shape_cast %get3A_557 : vector<1x16xf32> to vector<16xf32>
      %add3A_559 = arith.addf %get3A_554, %get3A_558 : vector<16xf32>
      %swap3A_560 = arith.index_cast %scan3A_118 : i32 to index
      %swap3A_561 = arith.constant 496 : index
      %swap3A_562 = tpu.vector_load %arg7[%swap3A_560, %swap3A_561] {strides = array<i32>} : memref<64x768xf32, #tpu.memory_space<vmem>>, vector<1x16xf32>,
      %swap3A_563 = vector.shape_cast %swap3A_562 : vector<1x16xf32> to vector<16xf32>
      %swap3A_564 = vector.shape_cast %add3A_559 : vector<16xf32> to vector<1x16xf32>
      tpu.vector_store %arg7[%swap3A_560, %swap3A_561], %swap3A_564 {strides = array<i32>} : memref<64x768xf32, #tpu.memory_space<vmem>>, vector<1x16xf32>,
      %get3A_565 = arith.index_cast %scan3A_118 : i32 to index
      %get3A_566 = arith.constant 512 : index
      %get3A_567 = tpu.vector_load %arg7[%get3A_565, %get3A_566] {strides = array<i32>} : memref<64x768xf32, #tpu.memory_space<vmem>>, vector<1x16xf32>,
      %get3A_568 = vector.shape_cast %get3A_567 : vector<1x16xf32> to vector<16xf32>
      %get3A_569 = arith.index_cast %scan3A_118 : i32 to index
      %get3A_570 = arith.constant 512 : index
      %get3A_571 = tpu.vector_load %arg8[%get3A_569, %get3A_570] {strides = array<i32>} : memref<64x768xf32, #tpu.memory_space<vmem>>, vector<1x16xf32>,
      %get3A_572 = vector.shape_cast %get3A_571 : vector<1x16xf32> to vector<16xf32>
      %add3A_573 = arith.addf %get3A_568, %get3A_572 : vector<16xf32>
      %swap3A_574 = arith.index_cast %scan3A_118 : i32 to index
      %swap3A_575 = arith.constant 512 : index
      %swap3A_576 = tpu.vector_load %arg7[%swap3A_574, %swap3A_575] {strides = array<i32>} : memref<64x768xf32, #tpu.memory_space<vmem>>, vector<1x16xf32>,
      %swap3A_577 = vector.shape_cast %swap3A_576 : vector<1x16xf32> to vector<16xf32>
      %swap3A_578 = vector.shape_cast %add3A_573 : vector<16xf32> to vector<1x16xf32>
      tpu.vector_store %arg7[%swap3A_574, %swap3A_575], %swap3A_578 {strides = array<i32>} : memref<64x768xf32, #tpu.memory_space<vmem>>, vector<1x16xf32>,
      %get3A_579 = arith.index_cast %scan3A_118 : i32 to index
      %get3A_580 = arith.constant 528 : index
      %get3A_581 = tpu.vector_load %arg7[%get3A_579, %get3A_580] {strides = array<i32>} : memref<64x768xf32, #tpu.memory_space<vmem>>, vector<1x16xf32>,
      %get3A_582 = vector.shape_cast %get3A_581 : vector<1x16xf32> to vector<16xf32>
      %get3A_583 = arith.index_cast %scan3A_118 : i32 to index
      %get3A_584 = arith.constant 528 : index
      %get3A_585 = tpu.vector_load %arg8[%get3A_583, %get3A_584] {strides = array<i32>} : memref<64x768xf32, #tpu.memory_space<vmem>>, vector<1x16xf32>,
      %get3A_586 = vector.shape_cast %get3A_585 : vector<1x16xf32> to vector<16xf32>
      %add3A_587 = arith.addf %get3A_582, %get3A_586 : vector<16xf32>
      %swap3A_588 = arith.index_cast %scan3A_118 : i32 to index
      %swap3A_589 = arith.constant 528 : index
      %swap3A_590 = tpu.vector_load %arg7[%swap3A_588, %swap3A_589] {strides = array<i32>} : memref<64x768xf32, #tpu.memory_space<vmem>>, vector<1x16xf32>,
      %swap3A_591 = vector.shape_cast %swap3A_590 : vector<1x16xf32> to vector<16xf32>
      %swap3A_592 = vector.shape_cast %add3A_587 : vector<16xf32> to vector<1x16xf32>
      tpu.vector_store %arg7[%swap3A_588, %swap3A_589], %swap3A_592 {strides = array<i32>} : memref<64x768xf32, #tpu.memory_space<vmem>>, vector<1x16xf32>,
      %get3A_593 = arith.index_cast %scan3A_118 : i32 to index
      %get3A_594 = arith.constant 544 : index
      %get3A_595 = tpu.vector_load %arg7[%get3A_593, %get3A_594] {strides = array<i32>} : memref<64x768xf32, #tpu.memory_space<vmem>>, vector<1x16xf32>,
      %get3A_596 = vector.shape_cast %get3A_595 : vector<1x16xf32> to vector<16xf32>
      %get3A_597 = arith.index_cast %scan3A_118 : i32 to index
      %get3A_598 = arith.constant 544 : index
      %get3A_599 = tpu.vector_load %arg8[%get3A_597, %get3A_598] {strides = array<i32>} : memref<64x768xf32, #tpu.memory_space<vmem>>, vector<1x16xf32>,
      %get3A_600 = vector.shape_cast %get3A_599 : vector<1x16xf32> to vector<16xf32>
      %add3A_601 = arith.addf %get3A_596, %get3A_600 : vector<16xf32>
      %swap3A_602 = arith.index_cast %scan3A_118 : i32 to index
      %swap3A_603 = arith.constant 544 : index
      %swap3A_604 = tpu.vector_load %arg7[%swap3A_602, %swap3A_603] {strides = array<i32>} : memref<64x768xf32, #tpu.memory_space<vmem>>, vector<1x16xf32>,
      %swap3A_605 = vector.shape_cast %swap3A_604 : vector<1x16xf32> to vector<16xf32>
      %swap3A_606 = vector.shape_cast %add3A_601 : vector<16xf32> to vector<1x16xf32>
      tpu.vector_store %arg7[%swap3A_602, %swap3A_603], %swap3A_606 {strides = array<i32>} : memref<64x768xf32, #tpu.memory_space<vmem>>, vector<1x16xf32>,
      %get3A_607 = arith.index_cast %scan3A_118 : i32 to index
      %get3A_608 = arith.constant 560 : index
      %get3A_609 = tpu.vector_load %arg7[%get3A_607, %get3A_608] {strides = array<i32>} : memref<64x768xf32, #tpu.memory_space<vmem>>, vector<1x16xf32>,
      %get3A_610 = vector.shape_cast %get3A_609 : vector<1x16xf32> to vector<16xf32>
      %get3A_611 = arith.index_cast %scan3A_118 : i32 to index
      %get3A_612 = arith.constant 560 : index
      %get3A_613 = tpu.vector_load %arg8[%get3A_611, %get3A_612] {strides = array<i32>} : memref<64x768xf32, #tpu.memory_space<vmem>>, vector<1x16xf32>,
      %get3A_614 = vector.shape_cast %get3A_613 : vector<1x16xf32> to vector<16xf32>
      %add3A_615 = arith.addf %get3A_610, %get3A_614 : vector<16xf32>
      %swap3A_616 = arith.index_cast %scan3A_118 : i32 to index
      %swap3A_617 = arith.constant 560 : index
      %swap3A_618 = tpu.vector_load %arg7[%swap3A_616, %swap3A_617] {strides = array<i32>} : memref<64x768xf32, #tpu.memory_space<vmem>>, vector<1x16xf32>,
      %swap3A_619 = vector.shape_cast %swap3A_618 : vector<1x16xf32> to vector<16xf32>
      %swap3A_620 = vector.shape_cast %add3A_615 : vector<16xf32> to vector<1x16xf32>
      tpu.vector_store %arg7[%swap3A_616, %swap3A_617], %swap3A_620 {strides = array<i32>} : memref<64x768xf32, #tpu.memory_space<vmem>>, vector<1x16xf32>,
      %get3A_621 = arith.index_cast %scan3A_118 : i32 to index
      %get3A_622 = arith.constant 576 : index
      %get3A_623 = tpu.vector_load %arg7[%get3A_621, %get3A_622] {strides = array<i32>} : memref<64x768xf32, #tpu.memory_space<vmem>>, vector<1x16xf32>,
      %get3A_624 = vector.shape_cast %get3A_623 : vector<1x16xf32> to vector<16xf32>
      %get3A_625 = arith.index_cast %scan3A_118 : i32 to index
      %get3A_626 = arith.constant 576 : index
      %get3A_627 = tpu.vector_load %arg8[%get3A_625, %get3A_626] {strides = array<i32>} : memref<64x768xf32, #tpu.memory_space<vmem>>, vector<1x16xf32>,
      %get3A_628 = vector.shape_cast %get3A_627 : vector<1x16xf32> to vector<16xf32>
      %add3A_629 = arith.addf %get3A_624, %get3A_628 : vector<16xf32>
      %swap3A_630 = arith.index_cast %scan3A_118 : i32 to index
      %swap3A_631 = arith.constant 576 : index
      %swap3A_632 = tpu.vector_load %arg7[%swap3A_630, %swap3A_631] {strides = array<i32>} : memref<64x768xf32, #tpu.memory_space<vmem>>, vector<1x16xf32>,
      %swap3A_633 = vector.shape_cast %swap3A_632 : vector<1x16xf32> to vector<16xf32>
      %swap3A_634 = vector.shape_cast %add3A_629 : vector<16xf32> to vector<1x16xf32>
      tpu.vector_store %arg7[%swap3A_630, %swap3A_631], %swap3A_634 {strides = array<i32>} : memref<64x768xf32, #tpu.memory_space<vmem>>, vector<1x16xf32>,
      %get3A_635 = arith.index_cast %scan3A_118 : i32 to index
      %get3A_636 = arith.constant 592 : index
      %get3A_637 = tpu.vector_load %arg7[%get3A_635, %get3A_636] {strides = array<i32>} : memref<64x768xf32, #tpu.memory_space<vmem>>, vector<1x16xf32>,
      %get3A_638 = vector.shape_cast %get3A_637 : vector<1x16xf32> to vector<16xf32>
      %get3A_639 = arith.index_cast %scan3A_118 : i32 to index
      %get3A_640 = arith.constant 592 : index
      %get3A_641 = tpu.vector_load %arg8[%get3A_639, %get3A_640] {strides = array<i32>} : memref<64x768xf32, #tpu.memory_space<vmem>>, vector<1x16xf32>,
      %get3A_642 = vector.shape_cast %get3A_641 : vector<1x16xf32> to vector<16xf32>
      %add3A_643 = arith.addf %get3A_638, %get3A_642 : vector<16xf32>
      %swap3A_644 = arith.index_cast %scan3A_118 : i32 to index
      %swap3A_645 = arith.constant 592 : index
      %swap3A_646 = tpu.vector_load %arg7[%swap3A_644, %swap3A_645] {strides = array<i32>} : memref<64x768xf32, #tpu.memory_space<vmem>>, vector<1x16xf32>,
      %swap3A_647 = vector.shape_cast %swap3A_646 : vector<1x16xf32> to vector<16xf32>
      %swap3A_648 = vector.shape_cast %add3A_643 : vector<16xf32> to vector<1x16xf32>
      tpu.vector_store %arg7[%swap3A_644, %swap3A_645], %swap3A_648 {strides = array<i32>} : memref<64x768xf32, #tpu.memory_space<vmem>>, vector<1x16xf32>,
      %get3A_649 = arith.index_cast %scan3A_118 : i32 to index
      %get3A_650 = arith.constant 608 : index
      %get3A_651 = tpu.vector_load %arg7[%get3A_649, %get3A_650] {strides = array<i32>} : memref<64x768xf32, #tpu.memory_space<vmem>>, vector<1x16xf32>,
      %get3A_652 = vector.shape_cast %get3A_651 : vector<1x16xf32> to vector<16xf32>
      %get3A_653 = arith.index_cast %scan3A_118 : i32 to index
      %get3A_654 = arith.constant 608 : index
      %get3A_655 = tpu.vector_load %arg8[%get3A_653, %get3A_654] {strides = array<i32>} : memref<64x768xf32, #tpu.memory_space<vmem>>, vector<1x16xf32>,
      %get3A_656 = vector.shape_cast %get3A_655 : vector<1x16xf32> to vector<16xf32>
      %add3A_657 = arith.addf %get3A_652, %get3A_656 : vector<16xf32>
      %swap3A_658 = arith.index_cast %scan3A_118 : i32 to index
      %swap3A_659 = arith.constant 608 : index
      %swap3A_660 = tpu.vector_load %arg7[%swap3A_658, %swap3A_659] {strides = array<i32>} : memref<64x768xf32, #tpu.memory_space<vmem>>, vector<1x16xf32>,
      %swap3A_661 = vector.shape_cast %swap3A_660 : vector<1x16xf32> to vector<16xf32>
      %swap3A_662 = vector.shape_cast %add3A_657 : vector<16xf32> to vector<1x16xf32>
      tpu.vector_store %arg7[%swap3A_658, %swap3A_659], %swap3A_662 {strides = array<i32>} : memref<64x768xf32, #tpu.memory_space<vmem>>, vector<1x16xf32>,
      %get3A_663 = arith.index_cast %scan3A_118 : i32 to index
      %get3A_664 = arith.constant 624 : index
      %get3A_665 = tpu.vector_load %arg7[%get3A_663, %get3A_664] {strides = array<i32>} : memref<64x768xf32, #tpu.memory_space<vmem>>, vector<1x16xf32>,
      %get3A_666 = vector.shape_cast %get3A_665 : vector<1x16xf32> to vector<16xf32>
      %get3A_667 = arith.index_cast %scan3A_118 : i32 to index
      %get3A_668 = arith.constant 624 : index
      %get3A_669 = tpu.vector_load %arg8[%get3A_667, %get3A_668] {strides = array<i32>} : memref<64x768xf32, #tpu.memory_space<vmem>>, vector<1x16xf32>,
      %get3A_670 = vector.shape_cast %get3A_669 : vector<1x16xf32> to vector<16xf32>
      %add3A_671 = arith.addf %get3A_666, %get3A_670 : vector<16xf32>
      %swap3A_672 = arith.index_cast %scan3A_118 : i32 to index
      %swap3A_673 = arith.constant 624 : index
      %swap3A_674 = tpu.vector_load %arg7[%swap3A_672, %swap3A_673] {strides = array<i32>} : memref<64x768xf32, #tpu.memory_space<vmem>>, vector<1x16xf32>,
      %swap3A_675 = vector.shape_cast %swap3A_674 : vector<1x16xf32> to vector<16xf32>
      %swap3A_676 = vector.shape_cast %add3A_671 : vector<16xf32> to vector<1x16xf32>
      tpu.vector_store %arg7[%swap3A_672, %swap3A_673], %swap3A_676 {strides = array<i32>} : memref<64x768xf32, #tpu.memory_space<vmem>>, vector<1x16xf32>,
      %get3A_677 = arith.index_cast %scan3A_118 : i32 to index
      %get3A_678 = arith.constant 640 : index
      %get3A_679 = tpu.vector_load %arg7[%get3A_677, %get3A_678] {strides = array<i32>} : memref<64x768xf32, #tpu.memory_space<vmem>>, vector<1x16xf32>,
      %get3A_680 = vector.shape_cast %get3A_679 : vector<1x16xf32> to vector<16xf32>
      %get3A_681 = arith.index_cast %scan3A_118 : i32 to index
      %get3A_682 = arith.constant 640 : index
      %get3A_683 = tpu.vector_load %arg8[%get3A_681, %get3A_682] {strides = array<i32>} : memref<64x768xf32, #tpu.memory_space<vmem>>, vector<1x16xf32>,
      %get3A_684 = vector.shape_cast %get3A_683 : vector<1x16xf32> to vector<16xf32>
      %add3A_685 = arith.addf %get3A_680, %get3A_684 : vector<16xf32>
      %swap3A_686 = arith.index_cast %scan3A_118 : i32 to index
      %swap3A_687 = arith.constant 640 : index
      %swap3A_688 = tpu.vector_load %arg7[%swap3A_686, %swap3A_687] {strides = array<i32>} : memref<64x768xf32, #tpu.memory_space<vmem>>, vector<1x16xf32>,
      %swap3A_689 = vector.shape_cast %swap3A_688 : vector<1x16xf32> to vector<16xf32>
      %swap3A_690 = vector.shape_cast %add3A_685 : vector<16xf32> to vector<1x16xf32>
      tpu.vector_store %arg7[%swap3A_686, %swap3A_687], %swap3A_690 {strides = array<i32>} : memref<64x768xf32, #tpu.memory_space<vmem>>, vector<1x16xf32>,
      %get3A_691 = arith.index_cast %scan3A_118 : i32 to index
      %get3A_692 = arith.constant 656 : index
      %get3A_693 = tpu.vector_load %arg7[%get3A_691, %get3A_692] {strides = array<i32>} : memref<64x768xf32, #tpu.memory_space<vmem>>, vector<1x16xf32>,
      %get3A_694 = vector.shape_cast %get3A_693 : vector<1x16xf32> to vector<16xf32>
      %get3A_695 = arith.index_cast %scan3A_118 : i32 to index
      %get3A_696 = arith.constant 656 : index
      %get3A_697 = tpu.vector_load %arg8[%get3A_695, %get3A_696] {strides = array<i32>} : memref<64x768xf32, #tpu.memory_space<vmem>>, vector<1x16xf32>,
      %get3A_698 = vector.shape_cast %get3A_697 : vector<1x16xf32> to vector<16xf32>
      %add3A_699 = arith.addf %get3A_694, %get3A_698 : vector<16xf32>
      %swap3A_700 = arith.index_cast %scan3A_118 : i32 to index
      %swap3A_701 = arith.constant 656 : index
      %swap3A_702 = tpu.vector_load %arg7[%swap3A_700, %swap3A_701] {strides = array<i32>} : memref<64x768xf32, #tpu.memory_space<vmem>>, vector<1x16xf32>,
      %swap3A_703 = vector.shape_cast %swap3A_702 : vector<1x16xf32> to vector<16xf32>
      %swap3A_704 = vector.shape_cast %add3A_699 : vector<16xf32> to vector<1x16xf32>
      tpu.vector_store %arg7[%swap3A_700, %swap3A_701], %swap3A_704 {strides = array<i32>} : memref<64x768xf32, #tpu.memory_space<vmem>>, vector<1x16xf32>,
      %get3A_705 = arith.index_cast %scan3A_118 : i32 to index
      %get3A_706 = arith.constant 672 : index
      %get3A_707 = tpu.vector_load %arg7[%get3A_705, %get3A_706] {strides = array<i32>} : memref<64x768xf32, #tpu.memory_space<vmem>>, vector<1x16xf32>,
      %get3A_708 = vector.shape_cast %get3A_707 : vector<1x16xf32> to vector<16xf32>
      %get3A_709 = arith.index_cast %scan3A_118 : i32 to index
      %get3A_710 = arith.constant 672 : index
      %get3A_711 = tpu.vector_load %arg8[%get3A_709, %get3A_710] {strides = array<i32>} : memref<64x768xf32, #tpu.memory_space<vmem>>, vector<1x16xf32>,
      %get3A_712 = vector.shape_cast %get3A_711 : vector<1x16xf32> to vector<16xf32>
      %add3A_713 = arith.addf %get3A_708, %get3A_712 : vector<16xf32>
      %swap3A_714 = arith.index_cast %scan3A_118 : i32 to index
      %swap3A_715 = arith.constant 672 : index
      %swap3A_716 = tpu.vector_load %arg7[%swap3A_714, %swap3A_715] {strides = array<i32>} : memref<64x768xf32, #tpu.memory_space<vmem>>, vector<1x16xf32>,
      %swap3A_717 = vector.shape_cast %swap3A_716 : vector<1x16xf32> to vector<16xf32>
      %swap3A_718 = vector.shape_cast %add3A_713 : vector<16xf32> to vector<1x16xf32>
      tpu.vector_store %arg7[%swap3A_714, %swap3A_715], %swap3A_718 {strides = array<i32>} : memref<64x768xf32, #tpu.memory_space<vmem>>, vector<1x16xf32>,
      %get3A_719 = arith.index_cast %scan3A_118 : i32 to index
      %get3A_720 = arith.constant 688 : index
      %get3A_721 = tpu.vector_load %arg7[%get3A_719, %get3A_720] {strides = array<i32>} : memref<64x768xf32, #tpu.memory_space<vmem>>, vector<1x16xf32>,
      %get3A_722 = vector.shape_cast %get3A_721 : vector<1x16xf32> to vector<16xf32>
      %get3A_723 = arith.index_cast %scan3A_118 : i32 to index
      %get3A_724 = arith.constant 688 : index
      %get3A_725 = tpu.vector_load %arg8[%get3A_723, %get3A_724] {strides = array<i32>} : memref<64x768xf32, #tpu.memory_space<vmem>>, vector<1x16xf32>,
      %get3A_726 = vector.shape_cast %get3A_725 : vector<1x16xf32> to vector<16xf32>
      %add3A_727 = arith.addf %get3A_722, %get3A_726 : vector<16xf32>
      %swap3A_728 = arith.index_cast %scan3A_118 : i32 to index
      %swap3A_729 = arith.constant 688 : index
      %swap3A_730 = tpu.vector_load %arg7[%swap3A_728, %swap3A_729] {strides = array<i32>} : memref<64x768xf32, #tpu.memory_space<vmem>>, vector<1x16xf32>,
      %swap3A_731 = vector.shape_cast %swap3A_730 : vector<1x16xf32> to vector<16xf32>
      %swap3A_732 = vector.shape_cast %add3A_727 : vector<16xf32> to vector<1x16xf32>
      tpu.vector_store %arg7[%swap3A_728, %swap3A_729], %swap3A_732 {strides = array<i32>} : memref<64x768xf32, #tpu.memory_space<vmem>>, vector<1x16xf32>,
      %get3A_733 = arith.index_cast %scan3A_118 : i32 to index
      %get3A_734 = arith.constant 704 : index
      %get3A_735 = tpu.vector_load %arg7[%get3A_733, %get3A_734] {strides = array<i32>} : memref<64x768xf32, #tpu.memory_space<vmem>>, vector<1x16xf32>,
      %get3A_736 = vector.shape_cast %get3A_735 : vector<1x16xf32> to vector<16xf32>
      %get3A_737 = arith.index_cast %scan3A_118 : i32 to index
      %get3A_738 = arith.constant 704 : index
      %get3A_739 = tpu.vector_load %arg8[%get3A_737, %get3A_738] {strides = array<i32>} : memref<64x768xf32, #tpu.memory_space<vmem>>, vector<1x16xf32>,
      %get3A_740 = vector.shape_cast %get3A_739 : vector<1x16xf32> to vector<16xf32>
      %add3A_741 = arith.addf %get3A_736, %get3A_740 : vector<16xf32>
      %swap3A_742 = arith.index_cast %scan3A_118 : i32 to index
      %swap3A_743 = arith.constant 704 : index
      %swap3A_744 = tpu.vector_load %arg7[%swap3A_742, %swap3A_743] {strides = array<i32>} : memref<64x768xf32, #tpu.memory_space<vmem>>, vector<1x16xf32>,
      %swap3A_745 = vector.shape_cast %swap3A_744 : vector<1x16xf32> to vector<16xf32>
      %swap3A_746 = vector.shape_cast %add3A_741 : vector<16xf32> to vector<1x16xf32>
      tpu.vector_store %arg7[%swap3A_742, %swap3A_743], %swap3A_746 {strides = array<i32>} : memref<64x768xf32, #tpu.memory_space<vmem>>, vector<1x16xf32>,
      %get3A_747 = arith.index_cast %scan3A_118 : i32 to index
      %get3A_748 = arith.constant 720 : index
      %get3A_749 = tpu.vector_load %arg7[%get3A_747, %get3A_748] {strides = array<i32>} : memref<64x768xf32, #tpu.memory_space<vmem>>, vector<1x16xf32>,
      %get3A_750 = vector.shape_cast %get3A_749 : vector<1x16xf32> to vector<16xf32>
      %get3A_751 = arith.index_cast %scan3A_118 : i32 to index
      %get3A_752 = arith.constant 720 : index
      %get3A_753 = tpu.vector_load %arg8[%get3A_751, %get3A_752] {strides = array<i32>} : memref<64x768xf32, #tpu.memory_space<vmem>>, vector<1x16xf32>,
      %get3A_754 = vector.shape_cast %get3A_753 : vector<1x16xf32> to vector<16xf32>
      %add3A_755 = arith.addf %get3A_750, %get3A_754 : vector<16xf32>
      %swap3A_756 = arith.index_cast %scan3A_118 : i32 to index
      %swap3A_757 = arith.constant 720 : index
      %swap3A_758 = tpu.vector_load %arg7[%swap3A_756, %swap3A_757] {strides = array<i32>} : memref<64x768xf32, #tpu.memory_space<vmem>>, vector<1x16xf32>,
      %swap3A_759 = vector.shape_cast %swap3A_758 : vector<1x16xf32> to vector<16xf32>
      %swap3A_760 = vector.shape_cast %add3A_755 : vector<16xf32> to vector<1x16xf32>
      tpu.vector_store %arg7[%swap3A_756, %swap3A_757], %swap3A_760 {strides = array<i32>} : memref<64x768xf32, #tpu.memory_space<vmem>>, vector<1x16xf32>,
      %get3A_761 = arith.index_cast %scan3A_118 : i32 to index
      %get3A_762 = arith.constant 736 : index
      %get3A_763 = tpu.vector_load %arg7[%get3A_761, %get3A_762] {strides = array<i32>} : memref<64x768xf32, #tpu.memory_space<vmem>>, vector<1x16xf32>,
      %get3A_764 = vector.shape_cast %get3A_763 : vector<1x16xf32> to vector<16xf32>
      %get3A_765 = arith.index_cast %scan3A_118 : i32 to index
      %get3A_766 = arith.constant 736 : index
      %get3A_767 = tpu.vector_load %arg8[%get3A_765, %get3A_766] {strides = array<i32>} : memref<64x768xf32, #tpu.memory_space<vmem>>, vector<1x16xf32>,
      %get3A_768 = vector.shape_cast %get3A_767 : vector<1x16xf32> to vector<16xf32>
      %add3A_769 = arith.addf %get3A_764, %get3A_768 : vector<16xf32>
      %swap3A_770 = arith.index_cast %scan3A_118 : i32 to index
      %swap3A_771 = arith.constant 736 : index
      %swap3A_772 = tpu.vector_load %arg7[%swap3A_770, %swap3A_771] {strides = array<i32>} : memref<64x768xf32, #tpu.memory_space<vmem>>, vector<1x16xf32>,
      %swap3A_773 = vector.shape_cast %swap3A_772 : vector<1x16xf32> to vector<16xf32>
      %swap3A_774 = vector.shape_cast %add3A_769 : vector<16xf32> to vector<1x16xf32>
      tpu.vector_store %arg7[%swap3A_770, %swap3A_771], %swap3A_774 {strides = array<i32>} : memref<64x768xf32, #tpu.memory_space<vmem>>, vector<1x16xf32>,
      %get3A_775 = arith.index_cast %scan3A_118 : i32 to index
      %get3A_776 = arith.constant 752 : index
      %get3A_777 = tpu.vector_load %arg7[%get3A_775, %get3A_776] {strides = array<i32>} : memref<64x768xf32, #tpu.memory_space<vmem>>, vector<1x16xf32>,
      %get3A_778 = vector.shape_cast %get3A_777 : vector<1x16xf32> to vector<16xf32>
      %get3A_779 = arith.index_cast %scan3A_118 : i32 to index
      %get3A_780 = arith.constant 752 : index
      %get3A_781 = tpu.vector_load %arg8[%get3A_779, %get3A_780] {strides = array<i32>} : memref<64x768xf32, #tpu.memory_space<vmem>>, vector<1x16xf32>,
      %get3A_782 = vector.shape_cast %get3A_781 : vector<1x16xf32> to vector<16xf32>
      %add3A_783 = arith.addf %get3A_778, %get3A_782 : vector<16xf32>
      %swap3A_784 = arith.index_cast %scan3A_118 : i32 to index
      %swap3A_785 = arith.constant 752 : index
      %swap3A_786 = tpu.vector_load %arg7[%swap3A_784, %swap3A_785] {strides = array<i32>} : memref<64x768xf32, #tpu.memory_space<vmem>>, vector<1x16xf32>,
      %swap3A_787 = vector.shape_cast %swap3A_786 : vector<1x16xf32> to vector<16xf32>
      %swap3A_788 = vector.shape_cast %add3A_783 : vector<16xf32> to vector<1x16xf32>
      tpu.vector_store %arg7[%swap3A_784, %swap3A_785], %swap3A_788 {strides = array<i32>} : memref<64x768xf32, #tpu.memory_space<vmem>>, vector<1x16xf32>,
    }
    %scan3A_85 = arith.constant 32 : i32
    %add3A_86 = arith.constant 32 : i32
    %add3A_87 = arith.addi %mul3A_2, %add3A_86 : i32
    %dma_start3A_88 = arith.constant 32 : i32
    %dma_start3A_89 = arith.constant 0 : i32
    %dma_start3A_90 = tpu.memref_slice %arg7[%dma_start3A_88, %dma_start3A_89] : memref<64x768xf32, #tpu.memory_space<vmem>> -> memref<32x768xf32, #tpu.memory_space<vmem>>
    %dma_start3A_91 = arith.constant 0 : i32
    %dma_start3A_92 = tpu.memref_slice %arg5[%add3A_87, %dma_start3A_91] : memref<2048x768xf32, #tpu.memory_space<hbm>> -> memref<32x768xf32, #tpu.memory_space<hbm>>
    %dma_start3A_93 = arith.constant 0 : i32
    %dma_start3A_94 = tpu.memref_slice %arg5[%add3A_87, %dma_start3A_93] : memref<2048x768xf32, #tpu.memory_space<hbm>> -> memref<32x768xf32, #tpu.memory_space<hbm>>
    %dma_start3A_95 = arith.constant 32 : i32
    %dma_start3A_96 = arith.constant 0 : i32
    %dma_start3A_97 = tpu.memref_slice %arg7[%dma_start3A_95, %dma_start3A_96] : memref<64x768xf32, #tpu.memory_space<vmem>> -> memref<32x768xf32, #tpu.memory_space<vmem>>
    tpu.enqueue_dma source(%dma_start3A_97 : memref<32x768xf32, #tpu.memory_space<vmem>>) target(%dma_start3A_94 : memref<32x768xf32, #tpu.memory_space<hbm>>) target_semaphore(%arg11 : memref<!tpu.dma_semaphore, #tpu.memory_space<semaphore_mem>>)
    %dma_wait3A_98 = arith.constant 0 : i32
    %dma_wait3A_99 = arith.constant 0 : i32
    %dma_wait3A_100 = tpu.memref_slice %arg7[%dma_wait3A_98, %dma_wait3A_99] : memref<64x768xf32, #tpu.memory_space<vmem>> -> memref<32x768xf32, #tpu.memory_space<vmem>>
    %dma_wait3A_101 = arith.constant 0 : i32
    %dma_wait3A_102 = tpu.memref_slice %arg5[%mul3A_2, %dma_wait3A_101] : memref<2048x768xf32, #tpu.memory_space<hbm>> -> memref<32x768xf32, #tpu.memory_space<hbm>>
    %dma_wait3A_103 = arith.constant 0 : i32
    %dma_wait3A_104 = tpu.memref_slice %arg5[%mul3A_2, %dma_wait3A_103] : memref<2048x768xf32, #tpu.memory_space<hbm>> -> memref<32x768xf32, #tpu.memory_space<hbm>>
    %dma_wait3A_105 = arith.constant 0 : i32
    %dma_wait3A_106 = arith.constant 0 : i32
    %dma_wait3A_107 = tpu.memref_slice %arg7[%dma_wait3A_105, %dma_wait3A_106] : memref<64x768xf32, #tpu.memory_space<vmem>> -> memref<32x768xf32, #tpu.memory_space<vmem>>
    tpu.wait_dma2 semaphore(%arg10 : memref<!tpu.dma_semaphore, #tpu.memory_space<semaphore_mem>>) src(%dma_wait3A_107 : memref<32x768xf32, #tpu.memory_space<vmem>>) dst(%dma_wait3A_104 : memref<32x768xf32, #tpu.memory_space<hbm>>)
    %dma_wait3A_108 = arith.constant 32 : i32
    %dma_wait3A_109 = arith.constant 0 : i32
    %dma_wait3A_110 = tpu.memref_slice %arg7[%dma_wait3A_108, %dma_wait3A_109] : memref<64x768xf32, #tpu.memory_space<vmem>> -> memref<32x768xf32, #tpu.memory_space<vmem>>
    %dma_wait3A_111 = arith.constant 0 : i32
    %dma_wait3A_112 = tpu.memref_slice %arg5[%add3A_87, %dma_wait3A_111] : memref<2048x768xf32, #tpu.memory_space<hbm>> -> memref<32x768xf32, #tpu.memory_space<hbm>>
    %dma_wait3A_113 = arith.constant 0 : i32
    %dma_wait3A_114 = tpu.memref_slice %arg5[%add3A_87, %dma_wait3A_113] : memref<2048x768xf32, #tpu.memory_space<hbm>> -> memref<32x768xf32, #tpu.memory_space<hbm>>
    %dma_wait3A_115 = arith.constant 32 : i32
    %dma_wait3A_116 = arith.constant 0 : i32
    %dma_wait3A_117 = tpu.memref_slice %arg7[%dma_wait3A_115, %dma_wait3A_116] : memref<64x768xf32, #tpu.memory_space<vmem>> -> memref<32x768xf32, #tpu.memory_space<vmem>>
    tpu.wait_dma2 semaphore(%arg11 : memref<!tpu.dma_semaphore, #tpu.memory_space<semaphore_mem>>) src(%dma_wait3A_117 : memref<32x768xf32, #tpu.memory_space<vmem>>) dst(%dma_wait3A_114 : memref<32x768xf32, #tpu.memory_space<hbm>>)
    return
  }
}

#map = affine_map<(d0, d1) -> (0, 0)>
#map1 = affine_map<(d0, d1) -> (0, 0, 0)>
module attributes {stable_mosaic.version = 14 : i64} {
  func.func @sc_dispatch(%arg0: i32, %arg1: i32, %arg2: memref<2048x768xf32, #tpu.memory_space<hbm>>, %arg3: memref<32x2x32xi32, #tpu.memory_space<hbm>>, %arg4: memref<4096x768xf32, #tpu.memory_space<hbm>>, %arg5: memref<2x32xi32, #tpu.memory_space<vmem>>, %arg6: memref<64x768xf32, #tpu.memory_space<vmem>>, %arg7: memref<!tpu.dma_semaphore, #tpu.memory_space<semaphore_mem>>, %arg8: memref<!tpu.dma_semaphore, #tpu.memory_space<semaphore_mem>>, %arg9: memref<!tpu.dma_semaphore, #tpu.memory_space<semaphore_mem>>, %arg10: memref<!tpu.dma_semaphore, #tpu.memory_space<semaphore_mem>>) attributes {dimension_semantics = [#tpu.dimension_semantics<core_parallel>, #tpu.dimension_semantics<subcore_parallel>], iteration_bounds = array<i64: 2, 16>, scalar_prefetch = 0 : i64, scratch_operands = 6 : i64, tpu.core_type = #tpu.core_type<sc_vector_subcore>, window_params = [{transform_indices = #map}, {transform_indices = #map1}, {transform_indices = #map}]} {
    %mul3A = arith.constant 2 : i32
    %mul3A_0 = arith.muli %arg1, %mul3A : i32
    %add3A = arith.addi %mul3A_0, %arg0 : i32
    %mul3A_1 = arith.constant 64 : i32
    %mul3A_2 = arith.muli %add3A, %mul3A_1 : i32
    %dma_start3A = arith.constant 0 : i32
    %dma_start3A_3 = arith.constant 0 : i32
    %dma_start3A_4 = tpu.memref_slice %arg3[%add3A, %dma_start3A, %dma_start3A_3] : memref<32x2x32xi32, #tpu.memory_space<hbm>> -> memref<1x2x32xi32, #tpu.memory_space<hbm>>
    %dma_start3A_5 = tpu.memref_squeeze %dma_start3A_4 : memref<1x2x32xi32, #tpu.memory_space<hbm>> -> memref<2x32xi32, #tpu.memory_space<hbm>>
    %dma_start3A_6 = arith.constant 0 : i32
    %dma_start3A_7 = arith.constant 0 : i32
    %dma_start3A_8 = tpu.memref_slice %arg3[%add3A, %dma_start3A_6, %dma_start3A_7] : memref<32x2x32xi32, #tpu.memory_space<hbm>> -> memref<1x2x32xi32, #tpu.memory_space<hbm>>
    %dma_start3A_9 = tpu.memref_squeeze %dma_start3A_8 : memref<1x2x32xi32, #tpu.memory_space<hbm>> -> memref<2x32xi32, #tpu.memory_space<hbm>>
    tpu.enqueue_dma source(%dma_start3A_9 : memref<2x32xi32, #tpu.memory_space<hbm>>) target(%arg5 : memref<2x32xi32, #tpu.memory_space<vmem>>) target_semaphore(%arg7 : memref<!tpu.dma_semaphore, #tpu.memory_space<semaphore_mem>>)
    %dma_start3A_10 = arith.constant 0 : i32
    %dma_start3A_11 = arith.constant 0 : i32
    %dma_start3A_12 = tpu.memref_slice %arg6[%dma_start3A_10, %dma_start3A_11] : memref<64x768xf32, #tpu.memory_space<vmem>> -> memref<32x768xf32, #tpu.memory_space<vmem>>
    %dma_start3A_13 = arith.constant 0 : i32
    %dma_start3A_14 = tpu.memref_slice %arg2[%mul3A_2, %dma_start3A_13] : memref<2048x768xf32, #tpu.memory_space<hbm>> -> memref<32x768xf32, #tpu.memory_space<hbm>>
    %dma_start3A_15 = arith.constant 0 : i32
    %dma_start3A_16 = arith.constant 0 : i32
    %dma_start3A_17 = tpu.memref_slice %arg6[%dma_start3A_15, %dma_start3A_16] : memref<64x768xf32, #tpu.memory_space<vmem>> -> memref<32x768xf32, #tpu.memory_space<vmem>>
    %dma_start3A_18 = arith.constant 0 : i32
    %dma_start3A_19 = tpu.memref_slice %arg2[%mul3A_2, %dma_start3A_18] : memref<2048x768xf32, #tpu.memory_space<hbm>> -> memref<32x768xf32, #tpu.memory_space<hbm>>
    tpu.enqueue_dma source(%dma_start3A_19 : memref<32x768xf32, #tpu.memory_space<hbm>>) target(%dma_start3A_17 : memref<32x768xf32, #tpu.memory_space<vmem>>) target_semaphore(%arg8 : memref<!tpu.dma_semaphore, #tpu.memory_space<semaphore_mem>>)
    %add3A_20 = arith.constant 32 : i32
    %add3A_21 = arith.addi %mul3A_2, %add3A_20 : i32
    %dma_start3A_22 = arith.constant 32 : i32
    %dma_start3A_23 = arith.constant 0 : i32
    %dma_start3A_24 = tpu.memref_slice %arg6[%dma_start3A_22, %dma_start3A_23] : memref<64x768xf32, #tpu.memory_space<vmem>> -> memref<32x768xf32, #tpu.memory_space<vmem>>
    %dma_start3A_25 = arith.constant 0 : i32
    %dma_start3A_26 = tpu.memref_slice %arg2[%add3A_21, %dma_start3A_25] : memref<2048x768xf32, #tpu.memory_space<hbm>> -> memref<32x768xf32, #tpu.memory_space<hbm>>
    %dma_start3A_27 = arith.constant 32 : i32
    %dma_start3A_28 = arith.constant 0 : i32
    %dma_start3A_29 = tpu.memref_slice %arg6[%dma_start3A_27, %dma_start3A_28] : memref<64x768xf32, #tpu.memory_space<vmem>> -> memref<32x768xf32, #tpu.memory_space<vmem>>
    %dma_start3A_30 = arith.constant 0 : i32
    %dma_start3A_31 = tpu.memref_slice %arg2[%add3A_21, %dma_start3A_30] : memref<2048x768xf32, #tpu.memory_space<hbm>> -> memref<32x768xf32, #tpu.memory_space<hbm>>
    tpu.enqueue_dma source(%dma_start3A_31 : memref<32x768xf32, #tpu.memory_space<hbm>>) target(%dma_start3A_29 : memref<32x768xf32, #tpu.memory_space<vmem>>) target_semaphore(%arg9 : memref<!tpu.dma_semaphore, #tpu.memory_space<semaphore_mem>>)
    %dma_wait3A = arith.constant 0 : i32
    %dma_wait3A_32 = arith.constant 0 : i32
    %dma_wait3A_33 = tpu.memref_slice %arg3[%add3A, %dma_wait3A, %dma_wait3A_32] : memref<32x2x32xi32, #tpu.memory_space<hbm>> -> memref<1x2x32xi32, #tpu.memory_space<hbm>>
    %dma_wait3A_34 = tpu.memref_squeeze %dma_wait3A_33 : memref<1x2x32xi32, #tpu.memory_space<hbm>> -> memref<2x32xi32, #tpu.memory_space<hbm>>
    %dma_wait3A_35 = arith.constant 0 : i32
    %dma_wait3A_36 = arith.constant 0 : i32
    %dma_wait3A_37 = tpu.memref_slice %arg3[%add3A, %dma_wait3A_35, %dma_wait3A_36] : memref<32x2x32xi32, #tpu.memory_space<hbm>> -> memref<1x2x32xi32, #tpu.memory_space<hbm>>
    %dma_wait3A_38 = tpu.memref_squeeze %dma_wait3A_37 : memref<1x2x32xi32, #tpu.memory_space<hbm>> -> memref<2x32xi32, #tpu.memory_space<hbm>>
    tpu.wait_dma2 semaphore(%arg7 : memref<!tpu.dma_semaphore, #tpu.memory_space<semaphore_mem>>) src(%dma_wait3A_38 : memref<2x32xi32, #tpu.memory_space<hbm>>) dst(%arg5 : memref<2x32xi32, #tpu.memory_space<vmem>>)
    %dma_wait3A_39 = arith.constant 0 : i32
    %dma_wait3A_40 = arith.constant 0 : i32
    %dma_wait3A_41 = tpu.memref_slice %arg6[%dma_wait3A_39, %dma_wait3A_40] : memref<64x768xf32, #tpu.memory_space<vmem>> -> memref<32x768xf32, #tpu.memory_space<vmem>>
    %dma_wait3A_42 = arith.constant 0 : i32
    %dma_wait3A_43 = tpu.memref_slice %arg2[%mul3A_2, %dma_wait3A_42] : memref<2048x768xf32, #tpu.memory_space<hbm>> -> memref<32x768xf32, #tpu.memory_space<hbm>>
    %dma_wait3A_44 = arith.constant 0 : i32
    %dma_wait3A_45 = arith.constant 0 : i32
    %dma_wait3A_46 = tpu.memref_slice %arg6[%dma_wait3A_44, %dma_wait3A_45] : memref<64x768xf32, #tpu.memory_space<vmem>> -> memref<32x768xf32, #tpu.memory_space<vmem>>
    %dma_wait3A_47 = arith.constant 0 : i32
    %dma_wait3A_48 = tpu.memref_slice %arg2[%mul3A_2, %dma_wait3A_47] : memref<2048x768xf32, #tpu.memory_space<hbm>> -> memref<32x768xf32, #tpu.memory_space<hbm>>
    tpu.wait_dma2 semaphore(%arg8 : memref<!tpu.dma_semaphore, #tpu.memory_space<semaphore_mem>>) src(%dma_wait3A_48 : memref<32x768xf32, #tpu.memory_space<hbm>>) dst(%dma_wait3A_46 : memref<32x768xf32, #tpu.memory_space<vmem>>)
    %dma_start3A_49 = arith.constant 0 : i32
    %dma_start3A_50 = arith.constant 0 : i32
    %dma_start3A_51 = arith.constant 0 : i32
    %dma_start3A_52 = tpu.memref_slice %arg6[%dma_start3A_50, %dma_start3A_51] : memref<64x768xf32, #tpu.memory_space<vmem>> -> memref<32x768xf32, #tpu.memory_space<vmem>>
    %dma_start3A_53 = arith.constant 0 : i32
    %dma_start3A_54 = tpu.memref_slice %arg5[%dma_start3A_49, %dma_start3A_53] : memref<2x32xi32, #tpu.memory_space<vmem>> -> memref<1x32xi32, #tpu.memory_space<vmem>>
    %dma_start3A_55 = tpu.memref_squeeze %dma_start3A_54 : memref<1x32xi32, #tpu.memory_space<vmem>> -> memref<32xi32, #tpu.memory_space<vmem>>
    %dma_start3A_56 = arith.constant 0 : i32
    %dma_start3A_57 = arith.constant 0 : i32
    %dma_start3A_58 = tpu.memref_slice %arg4[%dma_start3A_56, %dma_start3A_57] : memref<4096x768xf32, #tpu.memory_space<hbm>> -> memref<4096x768xf32, #tpu.memory_space<hbm>>
    tpu.enqueue_indirect_dma source(%dma_start3A_52 : memref<32x768xf32, #tpu.memory_space<vmem>>) target(%dma_start3A_58 : memref<4096x768xf32, #tpu.memory_space<hbm>>) offsets(%dma_start3A_55 : memref<32xi32, #tpu.memory_space<vmem>>) semaphore(%arg10 : memref<!tpu.dma_semaphore, #tpu.memory_space<semaphore_mem>>)
    %dma_wait3A_59 = arith.constant 32 : i32
    %dma_wait3A_60 = arith.constant 0 : i32
    %dma_wait3A_61 = tpu.memref_slice %arg6[%dma_wait3A_59, %dma_wait3A_60] : memref<64x768xf32, #tpu.memory_space<vmem>> -> memref<32x768xf32, #tpu.memory_space<vmem>>
    %dma_wait3A_62 = arith.constant 0 : i32
    %dma_wait3A_63 = tpu.memref_slice %arg2[%add3A_21, %dma_wait3A_62] : memref<2048x768xf32, #tpu.memory_space<hbm>> -> memref<32x768xf32, #tpu.memory_space<hbm>>
    %dma_wait3A_64 = arith.constant 32 : i32
    %dma_wait3A_65 = arith.constant 0 : i32
    %dma_wait3A_66 = tpu.memref_slice %arg6[%dma_wait3A_64, %dma_wait3A_65] : memref<64x768xf32, #tpu.memory_space<vmem>> -> memref<32x768xf32, #tpu.memory_space<vmem>>
    %dma_wait3A_67 = arith.constant 0 : i32
    %dma_wait3A_68 = tpu.memref_slice %arg2[%add3A_21, %dma_wait3A_67] : memref<2048x768xf32, #tpu.memory_space<hbm>> -> memref<32x768xf32, #tpu.memory_space<hbm>>
    tpu.wait_dma2 semaphore(%arg9 : memref<!tpu.dma_semaphore, #tpu.memory_space<semaphore_mem>>) src(%dma_wait3A_68 : memref<32x768xf32, #tpu.memory_space<hbm>>) dst(%dma_wait3A_66 : memref<32x768xf32, #tpu.memory_space<vmem>>)
    %dma_start3A_69 = arith.constant 1 : i32
    %dma_start3A_70 = arith.constant 32 : i32
    %dma_start3A_71 = arith.constant 0 : i32
    %dma_start3A_72 = tpu.memref_slice %arg6[%dma_start3A_70, %dma_start3A_71] : memref<64x768xf32, #tpu.memory_space<vmem>> -> memref<32x768xf32, #tpu.memory_space<vmem>>
    %dma_start3A_73 = arith.constant 0 : i32
    %dma_start3A_74 = tpu.memref_slice %arg5[%dma_start3A_69, %dma_start3A_73] : memref<2x32xi32, #tpu.memory_space<vmem>> -> memref<1x32xi32, #tpu.memory_space<vmem>>
    %dma_start3A_75 = tpu.memref_squeeze %dma_start3A_74 : memref<1x32xi32, #tpu.memory_space<vmem>> -> memref<32xi32, #tpu.memory_space<vmem>>
    %dma_start3A_76 = arith.constant 0 : i32
    %dma_start3A_77 = arith.constant 0 : i32
    %dma_start3A_78 = tpu.memref_slice %arg4[%dma_start3A_76, %dma_start3A_77] : memref<4096x768xf32, #tpu.memory_space<hbm>> -> memref<4096x768xf32, #tpu.memory_space<hbm>>
    tpu.enqueue_indirect_dma source(%dma_start3A_72 : memref<32x768xf32, #tpu.memory_space<vmem>>) target(%dma_start3A_78 : memref<4096x768xf32, #tpu.memory_space<hbm>>) offsets(%dma_start3A_75 : memref<32xi32, #tpu.memory_space<vmem>>) semaphore(%arg8 : memref<!tpu.dma_semaphore, #tpu.memory_space<semaphore_mem>>)
    %dma_wait3A_79 = arith.constant 0 : i32
    %dma_wait3A_80 = arith.constant 0 : i32
    %dma_wait3A_81 = arith.constant 0 : i32
    %dma_wait3A_82 = tpu.memref_slice %arg6[%dma_wait3A_80, %dma_wait3A_81] : memref<64x768xf32, #tpu.memory_space<vmem>> -> memref<32x768xf32, #tpu.memory_space<vmem>>
    %dma_wait3A_83 = arith.constant 0 : i32
    %dma_wait3A_84 = tpu.memref_slice %arg5[%dma_wait3A_79, %dma_wait3A_83] : memref<2x32xi32, #tpu.memory_space<vmem>> -> memref<1x32xi32, #tpu.memory_space<vmem>>
    %dma_wait3A_85 = tpu.memref_squeeze %dma_wait3A_84 : memref<1x32xi32, #tpu.memory_space<vmem>> -> memref<32xi32, #tpu.memory_space<vmem>>
    %dma_wait3A_86 = arith.constant 0 : i32
    %dma_wait3A_87 = arith.constant 0 : i32
    %dma_wait3A_88 = tpu.memref_slice %arg4[%dma_wait3A_86, %dma_wait3A_87] : memref<4096x768xf32, #tpu.memory_space<hbm>> -> memref<4096x768xf32, #tpu.memory_space<hbm>>
    tpu.wait_indirect_dma semaphore(%arg10 : memref<!tpu.dma_semaphore, #tpu.memory_space<semaphore_mem>>) src(%dma_wait3A_82 : memref<32x768xf32, #tpu.memory_space<vmem>>) dst(%dma_wait3A_88 : memref<4096x768xf32, #tpu.memory_space<hbm>>)
    %dma_wait3A_89 = arith.constant 1 : i32
    %dma_wait3A_90 = arith.constant 32 : i32
    %dma_wait3A_91 = arith.constant 0 : i32
    %dma_wait3A_92 = tpu.memref_slice %arg6[%dma_wait3A_90, %dma_wait3A_91] : memref<64x768xf32, #tpu.memory_space<vmem>> -> memref<32x768xf32, #tpu.memory_space<vmem>>
    %dma_wait3A_93 = arith.constant 0 : i32
    %dma_wait3A_94 = tpu.memref_slice %arg5[%dma_wait3A_89, %dma_wait3A_93] : memref<2x32xi32, #tpu.memory_space<vmem>> -> memref<1x32xi32, #tpu.memory_space<vmem>>
    %dma_wait3A_95 = tpu.memref_squeeze %dma_wait3A_94 : memref<1x32xi32, #tpu.memory_space<vmem>> -> memref<32xi32, #tpu.memory_space<vmem>>
    %dma_wait3A_96 = arith.constant 0 : i32
    %dma_wait3A_97 = arith.constant 0 : i32
    %dma_wait3A_98 = tpu.memref_slice %arg4[%dma_wait3A_96, %dma_wait3A_97] : memref<4096x768xf32, #tpu.memory_space<hbm>> -> memref<4096x768xf32, #tpu.memory_space<hbm>>
    tpu.wait_indirect_dma semaphore(%arg8 : memref<!tpu.dma_semaphore, #tpu.memory_space<semaphore_mem>>) src(%dma_wait3A_92 : memref<32x768xf32, #tpu.memory_space<vmem>>) dst(%dma_wait3A_98 : memref<4096x768xf32, #tpu.memory_space<hbm>>)
    return
  }
}

module attributes {stable_mosaic.version = 14 : i64} {
  func.func @_plan_body(%arg0: memref<2048x768xf32, #tpu.memory_space<vmem>>, %arg1: memref<768x16xf32, #tpu.memory_space<vmem>>, %arg2: memref<2048x768xf32, #tpu.memory_space<vmem>>, %arg3: memref<2048x1xi32, #tpu.memory_space<vmem>>, %arg4: memref<32x1xi32, #tpu.memory_space<vmem>>, %arg5: memref<32x1xi32, #tpu.memory_space<vmem>>) attributes {dimension_semantics = [], scalar_prefetch = 0 : i64, scratch_operands = 0 : i64, tpu.core_type = #tpu.core_type<tc>} {
    %get3A = arith.constant 0 : index
    %get3A_0 = arith.constant 0 : index
    %get3A_1 = vector.load %arg0[%get3A, %get3A_0] : memref<2048x768xf32, #tpu.memory_space<vmem>>, vector<2048x768xf32>
    %get3A_2 = arith.constant 0 : index
    %get3A_3 = arith.constant 0 : index
    %get3A_4 = vector.load %arg1[%get3A_2, %get3A_3] : memref<768x16xf32, #tpu.memory_space<vmem>>, vector<768x16xf32>
    %dot_general3A = arith.constant dense<0.000000e+00> : vector<2048x16xf32>
    %dot_general3A_5 = tpu.matmul %get3A_1, %get3A_4, %dot_general3A {dimension_numbers = #tpu.dot_dimension_numbers<[1], [0], [0], [1], [0, 0, 1, 1], [], []>, transpose_lhs_hint = false} : vector<2048x768xf32>, vector<768x16xf32>, vector<2048x16xf32> -> vector<2048x16xf32>
    %reduce_max3A = arith.constant dense<0xFF800000> : vector<2048xf32>
    %reduce_max3A_6 = vector.multi_reduction <maximumf>, %dot_general3A_5, %reduce_max3A [1] : vector<2048x16xf32> to vector<2048xf32>
    %broadcast_in_dim3A = vector.shape_cast %reduce_max3A_6 : vector<2048xf32> to vector<2048x1xf32>
    %iota3A = tpu.iota {dimensions = array<i32: 1>} : vector<2048x16xi32>
    %eq3A = vector.broadcast %broadcast_in_dim3A : vector<2048x1xf32> to vector<2048x16xf32>
    %eq3A_7 = arith.cmpf oeq, %dot_general3A_5, %eq3A : vector<2048x16xf32>
    %jit3A = arith.constant 16 : i32
    %broadcast_in_dim3A_8 = vector.broadcast %jit3A : i32 to vector<2048x16xi32>
    %select_n3A = arith.select %eq3A_7, %iota3A, %broadcast_in_dim3A_8 : vector<2048x16xi1>, vector<2048x16xi32>
    %reduce_min3A = arith.constant dense<2147483647> : vector<2048xi32>
    %reduce_min3A_9 = vector.multi_reduction <minsi>, %select_n3A, %reduce_min3A [1] : vector<2048x16xi32> to vector<2048xi32>
    %broadcast_in_dim3A_10 = vector.shape_cast %reduce_min3A_9 : vector<2048xi32> to vector<2048x1xi32>
    %logistic3A = arith.negf %broadcast_in_dim3A : vector<2048x1xf32>
    %logistic3A_11 = math.exp %logistic3A : vector<2048x1xf32>
    %logistic3A_12 = arith.constant 1.000000e+00 : f32
    %logistic3A_13 = vector.broadcast %logistic3A_12 : f32 to vector<2048x1xf32>
    %logistic3A_14 = arith.addf %logistic3A_13, %logistic3A_11 : vector<2048x1xf32>
    %logistic3A_15 = arith.divf %logistic3A_13, %logistic3A_14 : vector<2048x1xf32>
    %mul3A = vector.broadcast %logistic3A_15 : vector<2048x1xf32> to vector<2048x768xf32>
    %mul3A_16 = arith.mulf %get3A_1, %mul3A : vector<2048x768xf32>
    %swap3A = arith.constant 0 : index
    %swap3A_17 = arith.constant 0 : index
    %swap3A_18 = vector.load %arg2[%swap3A, %swap3A_17] : memref<2048x768xf32, #tpu.memory_space<vmem>>, vector<2048x768xf32>
    tpu.vector_store %arg2[%swap3A, %swap3A_17], %mul3A_16 {strides = array<i32>} : memref<2048x768xf32, #tpu.memory_space<vmem>>, vector<2048x768xf32>,
    %eq3A_19 = vector.broadcast %broadcast_in_dim3A_10 : vector<2048x1xi32> to vector<2048x16xi32>
    %eq3A_20 = arith.cmpi eq, %iota3A, %eq3A_19 : vector<2048x16xi32>
    %convert_element_type3A = arith.extui %eq3A_20 : vector<2048x16xi1> to vector<2048x16xi32>
    %broadcast_in_dim3A_21 = arith.constant 0 : i32
    %broadcast_in_dim3A_22 = vector.broadcast %broadcast_in_dim3A_21 : i32 to vector<1x16xi32>
    %slice3A = vector.extract_strided_slice %convert_element_type3A {offsets = [0, 0], sizes = [2047, 16], strides = [1, 1]} : vector<2048x16xi32> to vector<2047x16xi32>
    %concatenate3A = tpu.concatenate %broadcast_in_dim3A_22, %slice3A in 0 : vector<1x16xi32>, vector<2047x16xi32> -> vector<2048x16xi32>
    %add3A = arith.addi %convert_element_type3A, %concatenate3A : vector<2048x16xi32>
    %broadcast_in_dim3A_23 = arith.constant 0 : i32
    %broadcast_in_dim3A_24 = vector.broadcast %broadcast_in_dim3A_23 : i32 to vector<2x16xi32>
    %slice3A_25 = vector.extract_strided_slice %add3A {offsets = [0, 0], sizes = [2046, 16], strides = [1, 1]} : vector<2048x16xi32> to vector<2046x16xi32>
    %concatenate3A_26 = tpu.concatenate %broadcast_in_dim3A_24, %slice3A_25 in 0 : vector<2x16xi32>, vector<2046x16xi32> -> vector<2048x16xi32>
    %add3A_27 = arith.addi %add3A, %concatenate3A_26 : vector<2048x16xi32>
    %broadcast_in_dim3A_28 = arith.constant 0 : i32
    %broadcast_in_dim3A_29 = vector.broadcast %broadcast_in_dim3A_28 : i32 to vector<4x16xi32>
    %slice3A_30 = vector.extract_strided_slice %add3A_27 {offsets = [0, 0], sizes = [2044, 16], strides = [1, 1]} : vector<2048x16xi32> to vector<2044x16xi32>
    %concatenate3A_31 = tpu.concatenate %broadcast_in_dim3A_29, %slice3A_30 in 0 : vector<4x16xi32>, vector<2044x16xi32> -> vector<2048x16xi32>
    %add3A_32 = arith.addi %add3A_27, %concatenate3A_31 : vector<2048x16xi32>
    %broadcast_in_dim3A_33 = arith.constant 0 : i32
    %broadcast_in_dim3A_34 = vector.broadcast %broadcast_in_dim3A_33 : i32 to vector<8x16xi32>
    %slice3A_35 = vector.extract_strided_slice %add3A_32 {offsets = [0, 0], sizes = [2040, 16], strides = [1, 1]} : vector<2048x16xi32> to vector<2040x16xi32>
    %concatenate3A_36 = tpu.concatenate %broadcast_in_dim3A_34, %slice3A_35 in 0 : vector<8x16xi32>, vector<2040x16xi32> -> vector<2048x16xi32>
    %add3A_37 = arith.addi %add3A_32, %concatenate3A_36 : vector<2048x16xi32>
    %broadcast_in_dim3A_38 = arith.constant 0 : i32
    %broadcast_in_dim3A_39 = vector.broadcast %broadcast_in_dim3A_38 : i32 to vector<16x16xi32>
    %slice3A_40 = vector.extract_strided_slice %add3A_37 {offsets = [0, 0], sizes = [2032, 16], strides = [1, 1]} : vector<2048x16xi32> to vector<2032x16xi32>
    %concatenate3A_41 = tpu.concatenate %broadcast_in_dim3A_39, %slice3A_40 in 0 : vector<16x16xi32>, vector<2032x16xi32> -> vector<2048x16xi32>
    %add3A_42 = arith.addi %add3A_37, %concatenate3A_41 : vector<2048x16xi32>
    %broadcast_in_dim3A_43 = arith.constant 0 : i32
    %broadcast_in_dim3A_44 = vector.broadcast %broadcast_in_dim3A_43 : i32 to vector<32x16xi32>
    %slice3A_45 = vector.extract_strided_slice %add3A_42 {offsets = [0, 0], sizes = [2016, 16], strides = [1, 1]} : vector<2048x16xi32> to vector<2016x16xi32>
    %concatenate3A_46 = tpu.concatenate %broadcast_in_dim3A_44, %slice3A_45 in 0 : vector<32x16xi32>, vector<2016x16xi32> -> vector<2048x16xi32>
    %add3A_47 = arith.addi %add3A_42, %concatenate3A_46 : vector<2048x16xi32>
    %broadcast_in_dim3A_48 = arith.constant 0 : i32
    %broadcast_in_dim3A_49 = vector.broadcast %broadcast_in_dim3A_48 : i32 to vector<64x16xi32>
    %slice3A_50 = vector.extract_strided_slice %add3A_47 {offsets = [0, 0], sizes = [1984, 16], strides = [1, 1]} : vector<2048x16xi32> to vector<1984x16xi32>
    %concatenate3A_51 = tpu.concatenate %broadcast_in_dim3A_49, %slice3A_50 in 0 : vector<64x16xi32>, vector<1984x16xi32> -> vector<2048x16xi32>
    %add3A_52 = arith.addi %add3A_47, %concatenate3A_51 : vector<2048x16xi32>
    %broadcast_in_dim3A_53 = arith.constant 0 : i32
    %broadcast_in_dim3A_54 = vector.broadcast %broadcast_in_dim3A_53 : i32 to vector<128x16xi32>
    %slice3A_55 = vector.extract_strided_slice %add3A_52 {offsets = [0, 0], sizes = [1920, 16], strides = [1, 1]} : vector<2048x16xi32> to vector<1920x16xi32>
    %concatenate3A_56 = tpu.concatenate %broadcast_in_dim3A_54, %slice3A_55 in 0 : vector<128x16xi32>, vector<1920x16xi32> -> vector<2048x16xi32>
    %add3A_57 = arith.addi %add3A_52, %concatenate3A_56 : vector<2048x16xi32>
    %broadcast_in_dim3A_58 = arith.constant 0 : i32
    %broadcast_in_dim3A_59 = vector.broadcast %broadcast_in_dim3A_58 : i32 to vector<256x16xi32>
    %slice3A_60 = vector.extract_strided_slice %add3A_57 {offsets = [0, 0], sizes = [1792, 16], strides = [1, 1]} : vector<2048x16xi32> to vector<1792x16xi32>
    %concatenate3A_61 = tpu.concatenate %broadcast_in_dim3A_59, %slice3A_60 in 0 : vector<256x16xi32>, vector<1792x16xi32> -> vector<2048x16xi32>
    %add3A_62 = arith.addi %add3A_57, %concatenate3A_61 : vector<2048x16xi32>
    %broadcast_in_dim3A_63 = arith.constant 0 : i32
    %broadcast_in_dim3A_64 = vector.broadcast %broadcast_in_dim3A_63 : i32 to vector<512x16xi32>
    %slice3A_65 = vector.extract_strided_slice %add3A_62 {offsets = [0, 0], sizes = [1536, 16], strides = [1, 1]} : vector<2048x16xi32> to vector<1536x16xi32>
    %concatenate3A_66 = tpu.concatenate %broadcast_in_dim3A_64, %slice3A_65 in 0 : vector<512x16xi32>, vector<1536x16xi32> -> vector<2048x16xi32>
    %add3A_67 = arith.addi %add3A_62, %concatenate3A_66 : vector<2048x16xi32>
    %broadcast_in_dim3A_68 = arith.constant 0 : i32
    %broadcast_in_dim3A_69 = vector.broadcast %broadcast_in_dim3A_68 : i32 to vector<1024x16xi32>
    %slice3A_70 = vector.extract_strided_slice %add3A_67 {offsets = [0, 0], sizes = [1024, 16], strides = [1, 1]} : vector<2048x16xi32> to vector<1024x16xi32>
    %concatenate3A_71 = tpu.concatenate %broadcast_in_dim3A_69, %slice3A_70 in 0 : vector<1024x16xi32>, vector<1024x16xi32> -> vector<2048x16xi32>
    %add3A_72 = arith.addi %add3A_67, %concatenate3A_71 : vector<2048x16xi32>
    %sub3A = arith.subi %add3A_72, %convert_element_type3A : vector<2048x16xi32>
    %mul3A_73 = arith.muli %convert_element_type3A, %sub3A : vector<2048x16xi32>
    %reduce_sum3A = arith.constant dense<0> : vector<2048xi32>
    %reduce_sum3A_74 = vector.multi_reduction <add>, %mul3A_73, %reduce_sum3A [1] : vector<2048x16xi32> to vector<2048xi32>
    %broadcast_in_dim3A_75 = vector.shape_cast %reduce_sum3A_74 : vector<2048xi32> to vector<2048x1xi32>
    %reduce_sum3A_76 = arith.constant dense<0> : vector<16xi32>
    %reduce_sum3A_77 = vector.multi_reduction <add>, %convert_element_type3A, %reduce_sum3A_76 [0] : vector<2048x16xi32> to vector<16xi32>
    %broadcast_in_dim3A_78 = vector.shape_cast %reduce_sum3A_77 : vector<16xi32> to vector<1x16xi32>
    %add3A_79 = arith.constant 128 : i32
    %add3A_80 = vector.broadcast %add3A_79 : i32 to vector<1x16xi32>
    %add3A_81 = arith.addi %broadcast_in_dim3A_78, %add3A_80 : vector<1x16xi32>
    %sub3A_82 = arith.constant 1 : i32
    %sub3A_83 = vector.broadcast %sub3A_82 : i32 to vector<1x16xi32>
    %sub3A_84 = arith.subi %add3A_81, %sub3A_83 : vector<1x16xi32>
    %jit3A_85 = arith.constant 128 : i32
    %div3A = vector.broadcast %jit3A_85 : i32 to vector<1x16xi32>
    %div3A_86 = arith.divsi %sub3A_84, %div3A : vector<1x16xi32>
    %sign3A = arith.constant 0 : i32
    %sign3A_87 = vector.broadcast %sign3A : i32 to vector<1x16xi32>
    %sign3A_88 = arith.cmpi sgt, %sub3A_84, %sign3A_87 : vector<1x16xi32>
    %sign3A_89 = arith.extui %sign3A_88 : vector<1x16xi1> to vector<1x16xi32>
    %sign3A_90 = arith.constant 0 : i32
    %sign3A_91 = vector.broadcast %sign3A_90 : i32 to vector<1x16xi32>
    %sign3A_92 = arith.cmpi slt, %sub3A_84, %sign3A_91 : vector<1x16xi32>
    %sign3A_93 = arith.extui %sign3A_92 : vector<1x16xi1> to vector<1x16xi32>
    %sign3A_94 = arith.subi %sign3A_89, %sign3A_93 : vector<1x16xi32>
    %sign3A_95 = arith.constant 0 : i32
    %sign3A_96 = arith.cmpi sgt, %jit3A_85, %sign3A_95 : i32
    %sign3A_97 = arith.extui %sign3A_96 : i1 to i32
    %sign3A_98 = arith.constant 0 : i32
    %sign3A_99 = arith.cmpi slt, %jit3A_85, %sign3A_98 : i32
    %sign3A_100 = arith.extui %sign3A_99 : i1 to i32
    %sign3A_101 = arith.subi %sign3A_97, %sign3A_100 : i32
    %ne3A = vector.broadcast %sign3A_101 : i32 to vector<1x16xi32>
    %ne3A_102 = arith.cmpi ne, %sign3A_94, %ne3A : vector<1x16xi32>
    %rem3A = vector.broadcast %jit3A_85 : i32 to vector<1x16xi32>
    %rem3A_103 = arith.remsi %sub3A_84, %rem3A : vector<1x16xi32>
    %ne3A_104 = arith.constant 0 : i32
    %ne3A_105 = vector.broadcast %ne3A_104 : i32 to vector<1x16xi32>
    %ne3A_106 = arith.cmpi ne, %rem3A_103, %ne3A_105 : vector<1x16xi32>
    %and3A = arith.andi %ne3A_102, %ne3A_106 : vector<1x16xi1>
    %sub3A_107 = arith.constant 1 : i32
    %sub3A_108 = vector.broadcast %sub3A_107 : i32 to vector<1x16xi32>
    %sub3A_109 = arith.subi %div3A_86, %sub3A_108 : vector<1x16xi32>
    %select_n3A_110 = arith.select %and3A, %sub3A_109, %div3A_86 : vector<1x16xi1>, vector<1x16xi32>
    %broadcast_in_dim3A_111 = arith.constant 0 : i32
    %broadcast_in_dim3A_112 = vector.broadcast %broadcast_in_dim3A_111 : i32 to vector<1x1xi32>
    %slice3A_113 = vector.extract_strided_slice %select_n3A_110 {offsets = [0, 0], sizes = [1, 15], strides = [1, 1]} : vector<1x16xi32> to vector<1x15xi32>
    %concatenate3A_114 = tpu.concatenate %broadcast_in_dim3A_112, %slice3A_113 in 1 : vector<1x1xi32>, vector<1x15xi32> -> vector<1x16xi32>
    %add3A_115 = arith.addi %select_n3A_110, %concatenate3A_114 : vector<1x16xi32>
    %broadcast_in_dim3A_116 = arith.constant 0 : i32
    %broadcast_in_dim3A_117 = vector.broadcast %broadcast_in_dim3A_116 : i32 to vector<1x2xi32>
    %slice3A_118 = vector.extract_strided_slice %add3A_115 {offsets = [0, 0], sizes = [1, 14], strides = [1, 1]} : vector<1x16xi32> to vector<1x14xi32>
    %concatenate3A_119 = tpu.concatenate %broadcast_in_dim3A_117, %slice3A_118 in 1 : vector<1x2xi32>, vector<1x14xi32> -> vector<1x16xi32>
    %add3A_120 = arith.addi %add3A_115, %concatenate3A_119 : vector<1x16xi32>
    %broadcast_in_dim3A_121 = arith.constant 0 : i32
    %broadcast_in_dim3A_122 = vector.broadcast %broadcast_in_dim3A_121 : i32 to vector<1x4xi32>
    %slice3A_123 = vector.extract_strided_slice %add3A_120 {offsets = [0, 0], sizes = [1, 12], strides = [1, 1]} : vector<1x16xi32> to vector<1x12xi32>
    %concatenate3A_124 = tpu.concatenate %broadcast_in_dim3A_122, %slice3A_123 in 1 : vector<1x4xi32>, vector<1x12xi32> -> vector<1x16xi32>
    %add3A_125 = arith.addi %add3A_120, %concatenate3A_124 : vector<1x16xi32>
    %broadcast_in_dim3A_126 = arith.constant 0 : i32
    %broadcast_in_dim3A_127 = vector.broadcast %broadcast_in_dim3A_126 : i32 to vector<1x8xi32>
    %slice3A_128 = vector.extract_strided_slice %add3A_125 {offsets = [0, 0], sizes = [1, 8], strides = [1, 1]} : vector<1x16xi32> to vector<1x8xi32>
    %concatenate3A_129 = tpu.concatenate %broadcast_in_dim3A_127, %slice3A_128 in 1 : vector<1x8xi32>, vector<1x8xi32> -> vector<1x16xi32>
    %add3A_130 = arith.addi %add3A_125, %concatenate3A_129 : vector<1x16xi32>
    %sub3A_131 = arith.subi %add3A_130, %select_n3A_110 : vector<1x16xi32>
    %reduce_sum3A_132 = vector.shape_cast %select_n3A_110 : vector<1x16xi32> to vector<1x1x16xi32>
    %reduce_sum3A_133 = arith.constant dense<0> : vector<1xi32>
    %reduce_sum3A_134 = vector.multi_reduction <add>, %reduce_sum3A_132, %reduce_sum3A_133 [1, 2] : vector<1x1x16xi32> to vector<1xi32>
    %reduce_sum3A_135 = vector.shape_cast %reduce_sum3A_134 : vector<1xi32> to vector<1x1x1xi32>
    %reduce_sum3A_136 = vector.extract %reduce_sum3A_135[0, 0, 0] : i32 from vector<1x1x1xi32>
    %mul3A_137 = arith.constant 128 : i32
    %mul3A_138 = vector.broadcast %mul3A_137 : i32 to vector<1x16xi32>
    %mul3A_139 = arith.muli %sub3A_131, %mul3A_138 : vector<1x16xi32>
    %mul3A_140 = vector.broadcast %mul3A_139 : vector<1x16xi32> to vector<2048x16xi32>
    %mul3A_141 = arith.muli %convert_element_type3A, %mul3A_140 : vector<2048x16xi32>
    %reduce_sum3A_142 = arith.constant dense<0> : vector<2048xi32>
    %reduce_sum3A_143 = vector.multi_reduction <add>, %mul3A_141, %reduce_sum3A_142 [1] : vector<2048x16xi32> to vector<2048xi32>
    %broadcast_in_dim3A_144 = vector.shape_cast %reduce_sum3A_143 : vector<2048xi32> to vector<2048x1xi32>
    %add3A_145 = arith.addi %broadcast_in_dim3A_144, %broadcast_in_dim3A_75 : vector<2048x1xi32>
    %swap3A_146 = arith.constant 0 : index
    %swap3A_147 = arith.constant 0 : index
    %swap3A_148 = vector.load %arg3[%swap3A_146, %swap3A_147] : memref<2048x1xi32, #tpu.memory_space<vmem>>, vector<2048x1xi32>
    tpu.vector_store %arg3[%swap3A_146, %swap3A_147], %add3A_145 {strides = array<i32>} : memref<2048x1xi32, #tpu.memory_space<vmem>>, vector<2048x1xi32>,
    %iota3A_149 = tpu.iota {dimensions = array<i32: 0>} : vector<32x16xi32>
    %sub3A_150 = arith.constant 1 : i32
    %sub3A_151 = arith.subi %reduce_sum3A_136, %sub3A_150 : i32
    %min3A = vector.broadcast %sub3A_151 : i32 to vector<32x16xi32>
    %min3A_152 = arith.minsi %iota3A_149, %min3A : vector<32x16xi32>
    %le3A = vector.broadcast %add3A_130 : vector<1x16xi32> to vector<32x16xi32>
    %le3A_153 = arith.cmpi sle, %le3A, %min3A_152 : vector<32x16xi32>
    %convert_element_type3A_154 = arith.extui %le3A_153 : vector<32x16xi1> to vector<32x16xi32>
    %reduce_sum3A_155 = arith.constant dense<0> : vector<32xi32>
    %reduce_sum3A_156 = vector.multi_reduction <add>, %convert_element_type3A_154, %reduce_sum3A_155 [1] : vector<32x16xi32> to vector<32xi32>
    %broadcast_in_dim3A_157 = vector.shape_cast %reduce_sum3A_156 : vector<32xi32> to vector<32x1xi32>
    %swap3A_158 = arith.constant 0 : index
    %swap3A_159 = arith.constant 0 : index
    %swap3A_160 = vector.load %arg4[%swap3A_158, %swap3A_159] : memref<32x1xi32, #tpu.memory_space<vmem>>, vector<32x1xi32>
    tpu.vector_store %arg4[%swap3A_158, %swap3A_159], %broadcast_in_dim3A_157 {strides = array<i32>} : memref<32x1xi32, #tpu.memory_space<vmem>>, vector<32x1xi32>,
    %slice3A_161 = vector.extract_strided_slice %min3A_152 {offsets = [0, 0], sizes = [32, 1], strides = [1, 1]} : vector<32x16xi32> to vector<32x1xi32>
    %swap3A_162 = arith.constant 0 : index
    %swap3A_163 = arith.constant 0 : index
    %swap3A_164 = vector.load %arg5[%swap3A_162, %swap3A_163] : memref<32x1xi32, #tpu.memory_space<vmem>>, vector<32x1xi32>
    tpu.vector_store %arg5[%swap3A_162, %swap3A_163], %slice3A_161 {strides = array<i32>} : memref<32x1xi32, #tpu.memory_space<vmem>>, vector<32x1xi32>,
    return
  }
}

module attributes {stable_mosaic.version = 14 : i64} {
  func.func @_shared_body(%arg0: i32, %arg1: memref<256x768xf32, #tpu.memory_space<vmem>>, %arg2: memref<768x768xf32, #tpu.memory_space<vmem>>, %arg3: memref<768x768xf32, #tpu.memory_space<vmem>>, %arg4: memref<768x768xf32, #tpu.memory_space<vmem>>, %arg5: memref<256x768xf32, #tpu.memory_space<vmem>>) attributes {dimension_semantics = [#tpu.dimension_semantics<arbitrary>], iteration_bounds = array<i64: 8>, scalar_prefetch = 0 : i64, scratch_operands = 0 : i64, tpu.core_type = #tpu.core_type<tc>, window_params = [{transform_indices = @transform_0, window_bounds = array<i64: 256, 768>}, {pipeline_mode = #tpu.pipeline_mode<synchronous>, transform_indices = @transform_1, window_bounds = array<i64: 768, 768>}, {pipeline_mode = #tpu.pipeline_mode<synchronous>, transform_indices = @transform_2, window_bounds = array<i64: 768, 768>}, {pipeline_mode = #tpu.pipeline_mode<synchronous>, transform_indices = @transform_3, window_bounds = array<i64: 768, 768>}, {transform_indices = @transform_4, window_bounds = array<i64: 256, 768>}]} {
    %get3A = arith.constant 0 : index
    %get3A_0 = arith.constant 0 : index
    %get3A_1 = vector.load %arg1[%get3A, %get3A_0] : memref<256x768xf32, #tpu.memory_space<vmem>>, vector<256x768xf32>
    %get3A_2 = arith.constant 0 : index
    %get3A_3 = arith.constant 0 : index
    %get3A_4 = vector.load %arg2[%get3A_2, %get3A_3] : memref<768x768xf32, #tpu.memory_space<vmem>>, vector<768x768xf32>
    %dot_general3A = arith.constant dense<0.000000e+00> : vector<256x768xf32>
    %dot_general3A_5 = tpu.matmul %get3A_1, %get3A_4, %dot_general3A {dimension_numbers = #tpu.dot_dimension_numbers<[1], [0], [0], [1], [0, 0, 1, 1], [], []>, transpose_lhs_hint = false} : vector<256x768xf32>, vector<768x768xf32>, vector<256x768xf32> -> vector<256x768xf32>
    %get3A_6 = arith.constant 0 : index
    %get3A_7 = arith.constant 0 : index
    %get3A_8 = vector.load %arg3[%get3A_6, %get3A_7] : memref<768x768xf32, #tpu.memory_space<vmem>>, vector<768x768xf32>
    %dot_general3A_9 = arith.constant dense<0.000000e+00> : vector<256x768xf32>
    %dot_general3A_10 = tpu.matmul %get3A_1, %get3A_8, %dot_general3A_9 {dimension_numbers = #tpu.dot_dimension_numbers<[1], [0], [0], [1], [0, 0, 1, 1], [], []>, transpose_lhs_hint = false} : vector<256x768xf32>, vector<768x768xf32>, vector<256x768xf32> -> vector<256x768xf32>
    %logistic3A = arith.negf %dot_general3A_5 : vector<256x768xf32>
    %logistic3A_11 = math.exp %logistic3A : vector<256x768xf32>
    %logistic3A_12 = arith.constant 1.000000e+00 : f32
    %logistic3A_13 = vector.broadcast %logistic3A_12 : f32 to vector<256x768xf32>
    %logistic3A_14 = arith.addf %logistic3A_13, %logistic3A_11 : vector<256x768xf32>
    %logistic3A_15 = arith.divf %logistic3A_13, %logistic3A_14 : vector<256x768xf32>
    %mul3A = arith.mulf %dot_general3A_5, %logistic3A_15 : vector<256x768xf32>
    %mul3A_16 = arith.mulf %mul3A, %dot_general3A_10 : vector<256x768xf32>
    %get3A_17 = arith.constant 0 : index
    %get3A_18 = arith.constant 0 : index
    %get3A_19 = vector.load %arg4[%get3A_17, %get3A_18] : memref<768x768xf32, #tpu.memory_space<vmem>>, vector<768x768xf32>
    %dot_general3A_20 = arith.constant dense<0.000000e+00> : vector<256x768xf32>
    %dot_general3A_21 = tpu.matmul %mul3A_16, %get3A_19, %dot_general3A_20 {dimension_numbers = #tpu.dot_dimension_numbers<[1], [0], [0], [1], [0, 0, 1, 1], [], []>, transpose_lhs_hint = false} : vector<256x768xf32>, vector<768x768xf32>, vector<256x768xf32> -> vector<256x768xf32>
    %swap3A = arith.constant 0 : index
    %swap3A_22 = arith.constant 0 : index
    %swap3A_23 = vector.load %arg5[%swap3A, %swap3A_22] : memref<256x768xf32, #tpu.memory_space<vmem>>, vector<256x768xf32>
    tpu.vector_store %arg5[%swap3A, %swap3A_22], %dot_general3A_21 {strides = array<i32>} : memref<256x768xf32, #tpu.memory_space<vmem>>, vector<256x768xf32>,
    return
  }
  func.func @transform_0(%arg0: i32) -> (i32, i32) {
    %c0_i32 = arith.constant 0 : i32
    %c0_i32_0 = arith.constant 0 : i32
    return %arg0, %c0_i32 : i32, i32
  }
  func.func @transform_1(%arg0: i32) -> (i32, i32) {
    %c0_i32 = arith.constant 0 : i32
    %c0_i32_0 = arith.constant 0 : i32
    %c0_i32_1 = arith.constant 0 : i32
    return %c0_i32, %c0_i32_0 : i32, i32
  }
  func.func @transform_2(%arg0: i32) -> (i32, i32) {
    %c0_i32 = arith.constant 0 : i32
    %c0_i32_0 = arith.constant 0 : i32
    %c0_i32_1 = arith.constant 0 : i32
    return %c0_i32, %c0_i32_0 : i32, i32
  }
  func.func @transform_3(%arg0: i32) -> (i32, i32) {
    %c0_i32 = arith.constant 0 : i32
    %c0_i32_0 = arith.constant 0 : i32
    %c0_i32_1 = arith.constant 0 : i32
    return %c0_i32, %c0_i32_0 : i32, i32
  }
  func.func @transform_4(%arg0: i32) -> (i32, i32) {
    %c0_i32 = arith.constant 0 : i32
    %c0_i32_0 = arith.constant 0 : i32
    return %arg0, %c0_i32 : i32, i32
  }
}

module attributes {stable_mosaic.version = 14 : i64} {
  func.func @_mm_body(%arg0: i32, %arg1: memref<32xi32, #tpu.memory_space<smem>>, %arg2: memref<32xi32, #tpu.memory_space<smem>>, %arg3: memref<128x768xf32, #tpu.memory_space<vmem>>, %arg4: memref<1x768x768xf32, #tpu.memory_space<vmem>>, %arg5: memref<1x768x768xf32, #tpu.memory_space<vmem>>, %arg6: memref<1x768x768xf32, #tpu.memory_space<vmem>>, %arg7: memref<128x768xf32, #tpu.memory_space<vmem>>) attributes {dimension_semantics = [#tpu.dimension_semantics<arbitrary>], iteration_bounds = array<i64: 32>, scalar_prefetch = 2 : i64, scratch_operands = 0 : i64, tpu.core_type = #tpu.core_type<tc>, window_params = [{transform_indices = @transform_0, window_bounds = array<i64: 128, 768>}, {transform_indices = @transform_1, window_bounds = array<i64: 1, 768, 768>}, {transform_indices = @transform_2, window_bounds = array<i64: 1, 768, 768>}, {transform_indices = @transform_3, window_bounds = array<i64: 1, 768, 768>}, {transform_indices = @transform_4, window_bounds = array<i64: 128, 768>}]} {
    %get3A = arith.constant 0 : index
    %get3A_0 = arith.constant 0 : index
    %get3A_1 = vector.load %arg3[%get3A, %get3A_0] : memref<128x768xf32, #tpu.memory_space<vmem>>, vector<128x768xf32>
    %get3A_2 = arith.constant 0 : index
    %get3A_3 = arith.constant 0 : index
    %get3A_4 = arith.constant 0 : index
    %get3A_5 = vector.load %arg4[%get3A_2, %get3A_3, %get3A_4] : memref<1x768x768xf32, #tpu.memory_space<vmem>>, vector<1x768x768xf32>
    %get3A_6 = vector.shape_cast %get3A_5 : vector<1x768x768xf32> to vector<768x768xf32>
    %dot_general3A = arith.constant dense<0.000000e+00> : vector<128x768xf32>
    %dot_general3A_7 = tpu.matmul %get3A_1, %get3A_6, %dot_general3A {dimension_numbers = #tpu.dot_dimension_numbers<[1], [0], [0], [1], [0, 0, 1, 1], [], []>, transpose_lhs_hint = false} : vector<128x768xf32>, vector<768x768xf32>, vector<128x768xf32> -> vector<128x768xf32>
    %get3A_8 = arith.constant 0 : index
    %get3A_9 = arith.constant 0 : index
    %get3A_10 = arith.constant 0 : index
    %get3A_11 = vector.load %arg5[%get3A_8, %get3A_9, %get3A_10] : memref<1x768x768xf32, #tpu.memory_space<vmem>>, vector<1x768x768xf32>
    %get3A_12 = vector.shape_cast %get3A_11 : vector<1x768x768xf32> to vector<768x768xf32>
    %dot_general3A_13 = arith.constant dense<0.000000e+00> : vector<128x768xf32>
    %dot_general3A_14 = tpu.matmul %get3A_1, %get3A_12, %dot_general3A_13 {dimension_numbers = #tpu.dot_dimension_numbers<[1], [0], [0], [1], [0, 0, 1, 1], [], []>, transpose_lhs_hint = false} : vector<128x768xf32>, vector<768x768xf32>, vector<128x768xf32> -> vector<128x768xf32>
    %logistic3A = arith.negf %dot_general3A_7 : vector<128x768xf32>
    %logistic3A_15 = math.exp %logistic3A : vector<128x768xf32>
    %logistic3A_16 = arith.constant 1.000000e+00 : f32
    %logistic3A_17 = vector.broadcast %logistic3A_16 : f32 to vector<128x768xf32>
    %logistic3A_18 = arith.addf %logistic3A_17, %logistic3A_15 : vector<128x768xf32>
    %logistic3A_19 = arith.divf %logistic3A_17, %logistic3A_18 : vector<128x768xf32>
    %mul3A = arith.mulf %dot_general3A_7, %logistic3A_19 : vector<128x768xf32>
    %mul3A_20 = arith.mulf %mul3A, %dot_general3A_14 : vector<128x768xf32>
    %get3A_21 = arith.constant 0 : index
    %get3A_22 = arith.constant 0 : index
    %get3A_23 = arith.constant 0 : index
    %get3A_24 = vector.load %arg6[%get3A_21, %get3A_22, %get3A_23] : memref<1x768x768xf32, #tpu.memory_space<vmem>>, vector<1x768x768xf32>
    %get3A_25 = vector.shape_cast %get3A_24 : vector<1x768x768xf32> to vector<768x768xf32>
    %dot_general3A_26 = arith.constant dense<0.000000e+00> : vector<128x768xf32>
    %dot_general3A_27 = tpu.matmul %mul3A_20, %get3A_25, %dot_general3A_26 {dimension_numbers = #tpu.dot_dimension_numbers<[1], [0], [0], [1], [0, 0, 1, 1], [], []>, transpose_lhs_hint = false} : vector<128x768xf32>, vector<768x768xf32>, vector<128x768xf32> -> vector<128x768xf32>
    %swap3A = arith.constant 0 : index
    %swap3A_28 = arith.constant 0 : index
    %swap3A_29 = vector.load %arg7[%swap3A, %swap3A_28] : memref<128x768xf32, #tpu.memory_space<vmem>>, vector<128x768xf32>
    tpu.vector_store %arg7[%swap3A, %swap3A_28], %dot_general3A_27 {strides = array<i32>} : memref<128x768xf32, #tpu.memory_space<vmem>>, vector<128x768xf32>,
    return
  }
  func.func @transform_0(%arg0: i32, %arg1: memref<32xi32, #tpu.memory_space<smem>>, %arg2: memref<32xi32, #tpu.memory_space<smem>>) -> (i32, i32) {
    %get3A = arith.index_cast %arg0 : i32 to index
    %get3A_0 = memref.load %arg2[%get3A] : memref<32xi32, #tpu.memory_space<smem>>
    %c0_i32 = arith.constant 0 : i32
    %c0_i32_1 = arith.constant 0 : i32
    return %get3A_0, %c0_i32 : i32, i32
  }
  func.func @transform_1(%arg0: i32, %arg1: memref<32xi32, #tpu.memory_space<smem>>, %arg2: memref<32xi32, #tpu.memory_space<smem>>) -> (i32, i32, i32) {
    %get3A = arith.index_cast %arg0 : i32 to index
    %get3A_0 = memref.load %arg1[%get3A] : memref<32xi32, #tpu.memory_space<smem>>
    %c0_i32 = arith.constant 0 : i32
    %c0_i32_1 = arith.constant 0 : i32
    %c0_i32_2 = arith.constant 0 : i32
    return %get3A_0, %c0_i32, %c0_i32_1 : i32, i32, i32
  }
  func.func @transform_2(%arg0: i32, %arg1: memref<32xi32, #tpu.memory_space<smem>>, %arg2: memref<32xi32, #tpu.memory_space<smem>>) -> (i32, i32, i32) {
    %get3A = arith.index_cast %arg0 : i32 to index
    %get3A_0 = memref.load %arg1[%get3A] : memref<32xi32, #tpu.memory_space<smem>>
    %c0_i32 = arith.constant 0 : i32
    %c0_i32_1 = arith.constant 0 : i32
    %c0_i32_2 = arith.constant 0 : i32
    return %get3A_0, %c0_i32, %c0_i32_1 : i32, i32, i32
  }
  func.func @transform_3(%arg0: i32, %arg1: memref<32xi32, #tpu.memory_space<smem>>, %arg2: memref<32xi32, #tpu.memory_space<smem>>) -> (i32, i32, i32) {
    %get3A = arith.index_cast %arg0 : i32 to index
    %get3A_0 = memref.load %arg1[%get3A] : memref<32xi32, #tpu.memory_space<smem>>
    %c0_i32 = arith.constant 0 : i32
    %c0_i32_1 = arith.constant 0 : i32
    %c0_i32_2 = arith.constant 0 : i32
    return %get3A_0, %c0_i32, %c0_i32_1 : i32, i32, i32
  }
  func.func @transform_4(%arg0: i32, %arg1: memref<32xi32, #tpu.memory_space<smem>>, %arg2: memref<32xi32, #tpu.memory_space<smem>>) -> (i32, i32) {
    %get3A = arith.index_cast %arg0 : i32 to index
    %get3A_0 = memref.load %arg2[%get3A] : memref<32xi32, #tpu.memory_space<smem>>
    %c0_i32 = arith.constant 0 : i32
    %c0_i32_1 = arith.constant 0 : i32
    return %get3A_0, %c0_i32 : i32, i32
  }
}

</mosaic_0001>

<sc_bundles>
// kernel: kernel.10.cloned.1.call-start
scs
__scs_entry_jumppad:
0x0: {  	(pc) =	sbr.rel $0x88, $3  }
0x1: {  	(tag) =	ssettag $0x0;
	lr =	simm.s32 $0x1  }
0x2: {  	[smem:$0x3F99] =	sst lr;
	_ =	strace $0xD0000000  }
0x3: {  	_ = 	snop  }
0x4: {  	_ = 	snop  }
0x5: {  	_ = 	snop  }
0x6: {  	_ = 	snop  }
0x7: {  	_ = 	snop  }
__scs_overlays_trampoline_lowered:
0x8: {  	[smem:$0x3FA8] =	sst s0  }
0x9: {  	[smem:$0x3FA9] =	sst s1  }
0xa: {  	[smem:$0x3FAA] =	sst s2  }
0xb: {  	[smem:$0x3FAB] =	sst s3  }
0xc: {  	[smem:$0x3FAC] =	sst s4  }
0xd: {  	[smem:$0x3FAD] =	sst s5  }
0xe: {  	[smem:$0x3FAE] =	sst s6  }
0xf: {  	[smem:$0x3FAF] =	sst s7  }
0x10: {  	[smem:$0x3FB0] =	sst s8  }
0x11: {  	[smem:$0x3FB1] =	sst s9;
	s0 =	simm.s32 @!p0 $0x0  }
0x12: {  	s1 =	sld [smem:$0x3F97];
	s0 =	simm.s32 @p0 $0x1  }
0x13: {  	[smem:$0x3FB2] =	sst s0;
	s0 =	simm.s32 @!p1 $0x0  }
0x14: {  	s2 =	sld [smem:$0x3F96];
	s0 =	simm.s32 @p1 $0x1  }
0x15: {  	[smem:$0x3FB3] =	sst s0;
	s0 =	simm.s32 @!p2 $0x0  }
0x16: {  	s3 =	sld [smem:$0x3FDB];
	s0 =	simm.s32 @p2 $0x1  }
0x17: {  	s4 =	simm.s32 $0x1BF5;
	[smem:$0x3FB5] =	sst s0  }
0x18: {  	s0 =	sld [smem:$0x3F98];
	_ =	swait.ge [sflag:s4], $0x0  }
0x19: {  	s7 =	sld [smem:$0x3F99]  }
0x1a: {  	s8 =	sadd.s32 $0xFFFFE003, lr  }
0x1b: {  	s9 =	sadd.s32 $0xFFFFFEF7, lr;
	s5 =	simm.s32 $0xFFFFFFFF;
	p2 =	slt.u32 s8, $0xFFFFF086  }
0x1c: {  	p1 =	slt.u32 s9, $0xF7A;
	s5 =	simm.s32 @!p2 $0x0  }
0x1d: {  	s5 =	simm.s32 @p1 $0x1;
	p0 =	seq.s32 s7, s2  }
0x1e: {  	s7 =	smul.u32 @!p0 $0xF7A, s2;
	p2 =	seq.s32 @!p0 s5, $0x0  }
0x1f: {  	s9 =	smul.u32 $0xF7A, s1;
	s8 =	simm.s32 @!p0 $0x1BF5;
	p2 =	por !p2, p0  }
0x20: {  	[sflag:s8] =	ssyncset.s32 @!p0 $0xFFFFF086;
	s6 =	sadd.s32 @!p0 s3, s7;
	s7 =	simm.s32 @!p0 $0x108  }
0x21: {  	s3 =	sadd.s32 s3, s9;
	s6 =	sadd.s32 @!p0 $0x88, s6;
	s7 =	simm.s32 @p2 $0x1082  }
0x22: {  	[simem:s7], [sflag:s8] =	dma.local @!p0 [hbm:s6], $0xF7A  }
0x23: {  	s9 =	sor.u32 $0xD0000000, s2;
	s6 =	simm.s32 $0x108;
	_ =	swait.ge @!p0 [sflag:s8], $0x0  }
0x24: {  	s3 =	sadd.s32 $0x88, s3;
	s6 =	simm.s32 @!p1 $0x1082;
	[sflag:s4] =	ssyncset.s32 $0xFFFFF086  }
0x25: {  	[simem:s6], [sflag:s4] =	dma.local [hbm:s3], $0xF7A  }
0x26: {  	[smem:$0x3F99] =	sst s1;
	(tag) =	ssettag s2;
	_ =	strace s9  }
0x27: {  	s1 =	sld [smem:$0x3FA9]  }
0x28: {  	s2 =	sld [smem:$0x3FAA]  }
0x29: {  	s4 =	sld [smem:$0x3FAC]  }
0x2a: {  	p0 =	seq.s32 s5, $0x0;
	s5 =	sld [smem:$0x3FAD]  }
0x2b: {  	s6 =	sld [smem:$0x3FAE]  }
0x2c: {  	s7 =	sld [smem:$0x3FAF]  }
0x2d: {  	s3 =	simm.s32 $0x108;
	s8 =	sld [smem:$0x3FB0]  }
0x2e: {  	s3 =	simm.s32 @!p0 $0x1082;
	s9 =	sld [smem:$0x3FB1]  }
0x2f: {  	lr =	sadd.s32 s0, s3;
	s0 =	sld [smem:$0x3FA8]  }
0x30: {  	s3 =	sld [smem:$0x3FAB]  }
0x31: {  	[smem:$0x3FB4] =	sst s10  }
0x32: {  	s10 =	sld [smem:$0x3FB2];
	_ =	sdelay $0x3  }
0x33: {  	p0 =	seq.s32 s10, $0x1;
	s10 =	sld [smem:$0x3FB4];
	_ =	sdelay $0x3  }
0x34: {  	[smem:$0x3FB4] =	sst s10  }
0x35: {  	s10 =	sld [smem:$0x3FB3];
	_ =	sdelay $0x3  }
0x36: {  	p1 =	seq.s32 s10, $0x1;
	s10 =	sld [smem:$0x3FB4];
	_ =	sdelay $0x3  }
0x37: {  	[smem:$0x3FB4] =	sst s10  }
0x38: {  	s10 =	sld [smem:$0x3FB5]  }
0x39: {  	_ = 	snop;
	(pc) =	sbr.ind lr, $3  }
0x3a: {  	_ = 	snop  }
0x3b: {  	_ = 	snop  }
0x3c: {  	p2 =	seq.s32 s10, $0x1;
	s10 =	sld [smem:$0x3FB4]  }
0x3d: {  	_ =	shalt  }
0x3e: {  	_ =	shalt  }
0x3f: {  	_ =	shalt  }
0x40: {  	_ =	shalt  }
0x41: {  	_ =	shalt  }
0x42: {  	_ =	shalt  }
0x43: {  	_ =	shalt  }
0x44: {  	_ =	shalt  }
0x45: {  	_ =	shalt  }
0x46: {  	_ =	shalt  }
0x47: {  	_ =	shalt  }
0x48: {  	_ =	shalt  }
0x49: {  	_ =	shalt  }
0x4a: {  	_ =	shalt  }
0x4b: {  	_ =	shalt  }
0x4c: {  	_ =	shalt  }
0x4d: {  	_ =	shalt  }
0x4e: {  	_ =	shalt  }
0x4f: {  	_ =	shalt  }
0x50: {  	_ =	shalt  }
0x51: {  	_ =	shalt  }
0x52: {  	_ =	shalt  }
0x53: {  	_ =	shalt  }
0x54: {  	_ =	shalt  }
0x55: {  	_ =	shalt  }
0x56: {  	_ =	shalt  }
0x57: {  	_ =	shalt  }
0x58: {  	_ =	shalt  }
0x59: {  	_ =	shalt  }
0x5a: {  	_ =	shalt  }
0x5b: {  	_ =	shalt  }
0x5c: {  	_ =	shalt  }
0x5d: {  	_ =	shalt  }
0x5e: {  	_ =	shalt  }
0x5f: {  	_ =	shalt  }
0x60: {  	_ =	shalt  }
0x61: {  	_ =	shalt  }
0x62: {  	_ =	shalt  }
0x63: {  	_ =	shalt  }
0x64: {  	_ =	shalt  }
0x65: {  	_ =	shalt  }
0x66: {  	_ =	shalt  }
0x67: {  	_ =	shalt  }
0x68: {  	_ =	shalt  }
0x69: {  	_ =	shalt  }
0x6a: {  	_ =	shalt  }
0x6b: {  	_ =	shalt  }
0x6c: {  	_ =	shalt  }
0x6d: {  	_ =	shalt  }
0x6e: {  	_ =	shalt  }
0x6f: {  	_ =	shalt  }
0x70: {  	_ =	shalt  }
0x71: {  	_ =	shalt  }
0x72: {  	_ =	shalt  }
0x73: {  	_ =	shalt  }
0x74: {  	_ =	shalt  }
0x75: {  	_ =	shalt  }
0x76: {  	_ =	shalt  }
0x77: {  	_ =	shalt  }
0x78: {  	_ =	shalt  }
0x79: {  	_ =	shalt  }
0x7a: {  	_ =	shalt  }
0x7b: {  	_ =	shalt  }
0x7c: {  	_ =	shalt  }
0x7d: {  	_ =	shalt  }
0x7e: {  	_ =	shalt  }
0x7f: {  	_ =	shalt  }
0x80: {  	_ =	shalt  }
0x81: {  	_ =	shalt  }
0x82: {  	_ =	shalt  }
0x83: {  	_ =	shalt  }
0x84: {  	_ =	shalt  }
0x85: {  	_ =	shalt  }
0x86: {  	_ =	shalt  }
0x87: {  	_ =	shalt  }
.Lfunc_end0:
.L_simem_size_0:
called_computation.1_lowered:
.L_overlay_start_0:
0x88: {  	s2 =	sld [smem:$0x3FD9]  }
0x89: {  	s3 =	sld [smem:$0x3FFE];
	_ =	sdelay $0x1  }
0x8a: {  	s1 =	srdreg.scid  }
0x8b: {  	s0 =	sand.u32 $0x1, s1  }
0x8c: {  	s17 =	sshll.u32 s0, $0xA;
	s2 =	sadd.s32 s3, s2  }
0x8d: {  	s2 =	sadd.s32 s2, s17  }
0x8e: {  	[smem:$0x3FC0] =	sst s2  }
0x8f: {  	_ = 	snop  }
0x90: {  	s2 =	sld [smem:$0x3FD0];
	(tm) =	ssettm $0x1  }
0x91: {  	s18 =	sld [smem:$0x3FFB];
	_ =	sdelay $0x3  }
0x92: {  	_ =	strace s18  }
0x93: {  	s3 =	sld [smem:$0x3FFC];
	_ =	sdelay $0x3  }
0x94: {  	_ =	strace s3  }
0x95: {  	s3 =	sld [smem:$0x3FFD];
	_ =	sdelay $0x3  }
0x96: {  	_ =	strace s3  }
0x97: {  	_ =	strace $0x8FFFFFFF  }
0x98: {  	s19 =	sld [smem:$0x3FDB];
	_ =	sdelay $0x1  }
0x99: {  	s4 =	simm.s32 $_scs_section_size  }
0x9a: {  	s5 =	simm.s32 $_size__tile_overlayer_lowered;
	s6 =	simm.s32 $_tile_overlayer_lowered  }
0x9b: {  	s22 =	simm.s32 $0x1BFF;
	s21 =	sshll.u32 s6, $0x1;
	s3 =	sadd.s32 s4, s19  }
0x9c: {  	s7 =	simm.s32 $0x0;
	s20 =	sshll.u32 s5, $0x1;
	s5 =	sadd.s32 s21, s3  }
0x9d: {  	[timem:s7], [sflag:s22] =	dma.local [hbm:s5], s20  }
0x9e: {  	_ =	swait.ge [sflag:s22], s20  }
0x9f: {  	s4 =	ssub.s32 $0x0, s20;
	[sflag:s22] =	ssyncset.done $0x0  }
0xa0: {  	[sflag:s22] =	ssyncadd.s32 s4;
	_ =	sdelay $0x1  }
0xa1: {  	s23 =	simm.s32 $0x1B8B  }
0xa2: {  	_ =	swait.ge [sflag:s23], $0x1  }
0xa3: {  	[sflag:s23] =	ssyncset.done $0x0  }
0xa4: {  	s25 =	simm.s32 $0x1B8E;
	s24 =	sld [smem:$0x3FFE];
	[sflag:s23] =	ssyncadd.s32 $0xFFFFFFFF  }
0xa5: {  	s26 =	simm.s32 $execute0_lowered;
	[smem:$0x3FD2] =	sst s25  }
0xa6: {  	s5 =	sshll.u32 s26, $0x1;
	_ =	strace $0x80000049;
	[dreg:$0x1] =	wrdreg $0xFFFFFFFF  }
0xa7: {  	s28 =	simm.s32 $_size_execute0_lowered;
	s3 =	sadd.s32 s3, s5;
	[dreg:$0x0] =	wrdreg $0x0  }
0xa8: {  	s5 =	sshll.u32 s28, $0x1;
	[dreg:$0x2] =	wrdreg s3  }
0xa9: {  	[dreg:$0x3] =	wrdreg s5  }
0xaa: {  	[dreg:$0x4] =	wrdreg $0xC0  }
0xab: {  	_ =	task [dreg:s7], $0x5FFFF  }
0xac: {  	[dreg:$0x1] =	wrdreg $0xFFFFFFFF  }
0xad: {  	[dreg:$0x0] =	wrdreg $0x60  }
0xae: {  	[dreg:$0x2] =	wrdreg s24  }
0xaf: {  	[dreg:$0x3] =	wrdreg s2  }
0xb0: {  	[dreg:$0x4] =	wrdreg $0x9  }
0xb1: {  	_ =	task.clear_ibuf [dreg:s7], $0x5FFFF;
	_ =	strace $0x90000049  }
0xb2: {  	s29 =	simm.s32 $0x9;
	_ =	strace $0x8000004B  }
0xb3: {  	_ =	swait.ge [sflag:s29], $0x1  }
0xb4: {  	[sflag:s29] =	ssyncadd.s32 $0xFFFFFFFF  }
0xb5: {  	_ =	strace $0x9000004B  }
0xb6: {  	_ =	sfence  }
0xb7: {  	s30 =	sld [smem:$0x0];
	_ =	sdelay $0x2  }
0xb8: {  	s31 =	sshll.u32 s1, $0xD;
	s1 =	sshrl.u32 s1, $0x2  }
0xb9: {  	s3 =	sand.u32 $0x4000, s31;
	s1 =	sadd.s32 s1, s30  }
0xba: {  	s0 =	sor.u32 s3, s0;
	s1 =	sshll.u32 s1, $0x11  }
0xbb: {  	s0 =	sor.u32 s1, s0  }
0xbc: {  	s0 =	sadd.s32 $0x8F2B, s0  }
0xbd: {  	[sflag:s0] =	ssyncadd.remote.s32 $0x1  }
0xbe: {  	_ =	sfence.sel $0xFFFF  }
0xbf: {  	[dreg:$0x0] =	wrdreg $0xFFFFFFFF;
	(pc) =	sbr.abs _section_cstart, $3  }
0xc0: {  	[dreg:$0x1] =	wrdreg $0xFFFFFFFF  }
0xc1: {  	_ =	task.clear_ibuf [dreg:s7], $0x2FFFF;
	_ =	strace $0x9FFFFFFF  }
0xc2: {  	(tm) =	ssettm $0x7FFFFFFF  }
0xc3: {  	_ =	shalt  }
tec
execute0_lowered:
.L_overlay_start_1:
0x0: {  	(tag) =	ssettag $0x1  }
0x1: {  	s0 =	rddreg [dreg:$0x0]  }
0x2: {  	s1 =	rddreg [dreg:$0x1];
	s2 =	simm.s32 $0x0  }
0x3: {  	s3 =	srdreg.scid;
	s5 =	stileid.u32;
	s12 =	simm.s32 $0x1  }
0x4: {  	s13 =	simm.s32 $0x100;
	s28 =	simm.s32 $0x7100;
	s29 =	simm.s32 $0x7900  }
0x5: {  	s30 =	simm.s32 $0x8100;
	s31 =	simm.s32 $0x8900;
	s11 =	simm.s32 $0xA100  }
0x6: {  	s14 =	simm.s32 $0xA900;
	s15 =	simm.s32 $0xB100;
	s16 =	simm.s32 $0xB900  }
0x7: {  	s17 =	simm.s32 $0x2;
	s18 =	simm.s32 $0x4;
	s19 =	simm.s32 $0x3  }
0x8: {  	s20 =	simm.s32 $0x0;
	s4 =	sand.u32 $0x1, s3;
	s23 =	sshll.u32 s5, $0x1  }
0x9: {  	[smem:$0x7FF] =	sst s2;
	s3 =	sadd.s32 $0xC00, s0;
	s5 =	sor.u32 s4, s23  }
0xa: {  	_ =	strace $0x8000004A;
	s4 =	ssub.s32 $0x2, s4;
	s8 =	smul.u32 $0x1800, s5  }
0xb: {  	s6 =	sshll.u32 s5, $0x5;
	s7 =	sshrl.u32 s4, $0x1;
	s9 =	smul.u32 $0xC000, s5  }
0xc: {  	s24 =	sadd.s32 s6, s0;
	s10 =	ssub.s32 s4, s7;
	s6 =	sadd.s32 $0xD00, s0  }
0xd: {  	s7 =	sadd.s32 $0xE00, s0;
	s25 =	sadd.s32 s8, s0;
	s4 =	sadd.s32 $0x800, s24  }
0xe: {  	v2 =	vlaneseq.u32;
	s9 =	sshrl.u32 s9, $0x3;
	s8 =	sadd.s32 s1, s8;
	s10 =	smax.u32 s10, $0x1  }
0xf: {  	vm0 =	vmmov $0xffff;
	v1 =	vshrl.u32 v2, $0x3;
	s0 =	simm.s32 $0x9100;
	s5 =	sadd.s32 $0x60C00, s25;
	s26 =	sadd.s32 s1, s9  }
0x10: {  	v0 =	vand.u32 $0x7, v2;
	v2 =	vor.u32 $0x8, v2;
	v1 =	vmul.u32 $0x8, v1;
	s25 =	simm.s32 $0x6100;
	s1 =	simm.s32 $0x9900;
	s9 =	sadd.s32 $0xC00, s26  }
.LBB2_1:
0x11: {  	[tilespmem:s2], [sflag:$0x1] =	stream.linear.gather [hbm4b:s4+s2], $0x100, $0x38;
	[tilespmem:$0x18100] =	vst v63  }
0x12: {  	s21 =	simm.s32 $0xC100  }
0x13: {  	[tilespmem:s21], [sflag:$0x4] =	stream.linear.gather [hbm4b:s5+s2], $0xC000, $0x38;
	[tilespmem:$0x18100] =	vst v63  }
0x14: {  	_ =	swait.ge [sflag:s12], $0x100  }
0x15: {  	[sflag:s12] =	ssyncset.done $0x0  }
0x16: {  	[sflag:s12] =	ssyncadd.s32 $0xFFFFFF00  }
0x17: {  	v3 =	vld [tilespmem:$0x0];
	_ =	sdelay $0x4  }
0x18: {  	v4 =	vshrl.u32 v3, $0x3  }
0x19: {  	v4 =	vmul.u32 $0x30, v4  }
0x1a: {  	v3 =	vand.u32 $0x7, v3  }
0x1b: {  	v3 =	vor.u32 v3, v4  }
0x1c: {  	v4 =	vperm.xlane v3, v0;
	_ =	sdelay $0x1  }
0x1d: {  	v4 =	vadd.s32 v1, v4;
	_ =	sdelay $0x3  }
0x1e: {  	v3 =	vperm.xlane v3, v2  }
0x1f: {  	[tilespmem:s13], [sflag:$0x2] =	stream.indirect_vreg.gather [hbm4b:s3+s2], $0x80, v4, vm0, $0xb8;
	[tilespmem:$0x18100] =	vst v63  }
0x20: {  	s26 =	simm.s32 $0x900;
	v3 =	vadd.s32 v1, v3  }
0x21: {  	[tilespmem:s26], [sflag:$0x2] =	stream.indirect_vreg.gather [hbm4b:s6+s2], $0x80, v4, vm0, $0xb8;
	[tilespmem:$0x18100] =	vst v63  }
0x22: {  	s22 =	simm.s32 $0x1100  }
0x23: {  	[tilespmem:s22], [sflag:$0x2] =	stream.indirect_vreg.gather [hbm4b:s7+s2], $0x80, v4, vm0, $0xb8;
	[tilespmem:$0x18100] =	vst v63  }
0x24: {  	s23 =	simm.s32 $0x1900  }
0x25: {  	[tilespmem:s23], [sflag:$0x2] =	stream.indirect_vreg.gather [hbm4b:s3+s2], $0x80, v3, vm0, $0xb8;
	[tilespmem:$0x18100] =	vst v63  }
0x26: {  	s24 =	simm.s32 $0x2100  }
0x27: {  	[tilespmem:s24], [sflag:$0x2] =	stream.indirect_vreg.gather [hbm4b:s6+s2], $0x80, v3, vm0, $0xb8;
	[tilespmem:$0x18100] =	vst v63  }
0x28: {  	s26 =	simm.s32 $0x2900  }
0x29: {  	[tilespmem:s26], [sflag:$0x2] =	stream.indirect_vreg.gather [hbm4b:s7+s2], $0x80, v3, vm0, $0xb8;
	[tilespmem:$0x18100] =	vst v63  }
0x2a: {  	v3 =	vld [tilespmem:$0x10];
	_ =	sdelay $0x4  }
0x2b: {  	v4 =	vshrl.u32 v3, $0x3  }
0x2c: {  	v4 =	vmul.u32 $0x30, v4  }
0x2d: {  	v3 =	vand.u32 $0x7, v3  }
0x2e: {  	v3 =	vor.u32 v3, v4  }
0x2f: {  	v4 =	vperm.xlane v3, v0;
	_ =	sdelay $0x1  }
0x30: {  	v4 =	vadd.s32 v1, v4;
	_ =	sdelay $0x3  }
0x31: {  	s22 =	simm.s32 $0x3100;
	v3 =	vperm.xlane v3, v2  }
0x32: {  	[tilespmem:s22], [sflag:$0x2] =	stream.indirect_vreg.gather [hbm4b:s3+s2], $0x80, v4, vm0, $0xb8;
	[tilespmem:$0x18100] =	vst v63  }
0x33: {  	s23 =	simm.s32 $0x3900;
	v3 =	vadd.s32 v1, v3  }
0x34: {  	[tilespmem:s23], [sflag:$0x2] =	stream.indirect_vreg.gather [hbm4b:s6+s2], $0x80, v4, vm0, $0xb8;
	[tilespmem:$0x18100] =	vst v63  }
0x35: {  	s24 =	simm.s32 $0x4100  }
0x36: {  	[tilespmem:s24], [sflag:$0x2] =	stream.indirect_vreg.gather [hbm4b:s7+s2], $0x80, v4, vm0, $0xb8;
	[tilespmem:$0x18100] =	vst v63  }
0x37: {  	s26 =	simm.s32 $0x4900  }
0x38: {  	[tilespmem:s26], [sflag:$0x2] =	stream.indirect_vreg.gather [hbm4b:s3+s2], $0x80, v3, vm0, $0xb8;
	[tilespmem:$0x18100] =	vst v63  }
0x39: {  	s22 =	simm.s32 $0x5100  }
0x3a: {  	[tilespmem:s22], [sflag:$0x2] =	stream.indirect_vreg.gather [hbm4b:s6+s2], $0x80, v3, vm0, $0xb8;
	[tilespmem:$0x18100] =	vst v63  }
0x3b: {  	s23 =	simm.s32 $0x5900  }
0x3c: {  	[tilespmem:s23], [sflag:$0x2] =	stream.indirect_vreg.gather [hbm4b:s7+s2], $0x80, v3, vm0, $0xb8;
	[tilespmem:$0x18100] =	vst v63  }
0x3d: {  	v3 =	vld [tilespmem:$0x80];
	_ =	sdelay $0x4  }
0x3e: {  	v4 =	vshrl.u32 v3, $0x3  }
0x3f: {  	v4 =	vmul.u32 $0x30, v4  }
0x40: {  	v3 =	vand.u32 $0x7, v3  }
0x41: {  	v3 =	vor.u32 v3, v4  }
0x42: {  	v4 =	vperm.xlane v3, v0;
	_ =	sdelay $0x1  }
0x43: {  	v4 =	vadd.s32 v1, v4;
	_ =	sdelay $0x3  }
0x44: {  	v3 =	vperm.xlane v3, v2  }
0x45: {  	[tilespmem:s25], [sflag:$0x3] =	stream.indirect_vreg.gather [hbm4b:s3+s2], $0x80, v4, vm0, $0xb8;
	[tilespmem:$0x18100] =	vst v63  }
0x46: {  	s24 =	simm.s32 $0x6900;
	v3 =	vadd.s32 v1, v3  }
0x47: {  	[tilespmem:s24], [sflag:$0x3] =	stream.indirect_vreg.gather [hbm4b:s6+s2], $0x80, v4, vm0, $0xb8;
	[tilespmem:$0x18100] =	vst v63  }
0x48: {  	_ = 	snop  }
0x49: {  	[tilespmem:s28], [sflag:$0x3] =	stream.indirect_vreg.gather [hbm4b:s7+s2], $0x80, v4, vm0, $0xb8;
	[tilespmem:$0x18100] =	vst v63  }
0x4a: {  	_ = 	snop  }
0x4b: {  	[tilespmem:s29], [sflag:$0x3] =	stream.indirect_vreg.gather [hbm4b:s3+s2], $0x80, v3, vm0, $0xb8;
	[tilespmem:$0x18100] =	vst v63  }
0x4c: {  	_ = 	snop  }
0x4d: {  	[tilespmem:s30], [sflag:$0x3] =	stream.indirect_vreg.gather [hbm4b:s6+s2], $0x80, v3, vm0, $0xb8;
	[tilespmem:$0x18100] =	vst v63  }
0x4e: {  	_ = 	snop  }
0x4f: {  	[tilespmem:s31], [sflag:$0x3] =	stream.indirect_vreg.gather [hbm4b:s7+s2], $0x80, v3, vm0, $0xb8;
	[tilespmem:$0x18100] =	vst v63  }
0x50: {  	v3 =	vld [tilespmem:$0x90];
	_ =	sdelay $0x4  }
0x51: {  	v4 =	vshrl.u32 v3, $0x3  }
0x52: {  	v4 =	vmul.u32 $0x30, v4  }
0x53: {  	v3 =	vand.u32 $0x7, v3  }
0x54: {  	v3 =	vor.u32 v3, v4  }
0x55: {  	v4 =	vperm.xlane v3, v0;
	_ =	sdelay $0x1  }
0x56: {  	v4 =	vadd.s32 v1, v4;
	_ =	sdelay $0x3  }
0x57: {  	v3 =	vperm.xlane v3, v2  }
0x58: {  	[tilespmem:s0], [sflag:$0x3] =	stream.indirect_vreg.gather [hbm4b:s3+s2], $0x80, v4, vm0, $0xb8;
	[tilespmem:$0x18100] =	vst v63  }
0x59: {  	v3 =	vadd.s32 v1, v3  }
0x5a: {  	[tilespmem:s1], [sflag:$0x3] =	stream.indirect_vreg.gather [hbm4b:s6+s2], $0x80, v4, vm0, $0xb8;
	[tilespmem:$0x18100] =	vst v63  }
0x5b: {  	_ = 	snop  }
0x5c: {  	[tilespmem:s11], [sflag:$0x3] =	stream.indirect_vreg.gather [hbm4b:s7+s2], $0x80, v4, vm0, $0xb8;
	[tilespmem:$0x18100] =	vst v63  }
0x5d: {  	_ = 	snop  }
0x5e: {  	[tilespmem:s14], [sflag:$0x3] =	stream.indirect_vreg.gather [hbm4b:s3+s2], $0x80, v3, vm0, $0xb8;
	[tilespmem:$0x18100] =	vst v63  }
0x5f: {  	_ = 	snop  }
0x60: {  	[tilespmem:s15], [sflag:$0x3] =	stream.indirect_vreg.gather [hbm4b:s6+s2], $0x80, v3, vm0, $0xb8;
	[tilespmem:$0x18100] =	vst v63  }
0x61: {  	_ = 	snop  }
0x62: {  	[tilespmem:s16], [sflag:$0x3] =	stream.indirect_vreg.gather [hbm4b:s7+s2], $0x80, v3, vm0, $0xb8;
	[tilespmem:$0x18100] =	vst v63  }
0x63: {  	_ =	swait.ge [sflag:s17], $0x6000  }
0x64: {  	[sflag:s17] =	ssyncset.done $0x0  }
0x65: {  	s26 =	simm.s32 $0x0;
	[sflag:s17] =	ssyncadd.s32 $0xFFFFA000  }
0x66: {  	s21 =	smul.u32 $0x1800, s26;
	_ =	swait.ge [sflag:s18], $0xC000  }
0x67: {  	s22 =	sand.u32 $0x380, s2;
	[sflag:s18] =	ssyncset.done $0x0  }
0x68: {  	s21 =	sor.u32 s22, s21;
	[sflag:s18] =	ssyncadd.s32 $0xFFFF4000  }
0x69: {  	v12 =	vld [tilespmem:s21+$0xC100]  }
0x6a: {  	v13 =	vld [tilespmem:s21+$0xC110]  }
0x6b: {  	v14 =	vld [tilespmem:s21+$0xC120]  }
0x6c: {  	v15 =	vld [tilespmem:s21+$0xC130]  }
0x6d: {  	v16 =	vld [tilespmem:s21+$0xC140]  }
0x6e: {  	v17 =	vld [tilespmem:s21+$0xC150]  }
0x6f: {  	v18 =	vld [tilespmem:s21+$0xC160]  }
0x70: {  	v19 =	vld [tilespmem:s21+$0xC170]  }
0x71: {  	v20 =	vld [tilespmem:s21+$0xC500]  }
0x72: {  	v21 =	vld [tilespmem:s21+$0xC510]  }
0x73: {  	v22 =	vld [tilespmem:s21+$0xC520]  }
0x74: {  	v23 =	vld [tilespmem:s21+$0xC530]  }
0x75: {  	v24 =	vld [tilespmem:s21+$0xC540]  }
0x76: {  	v25 =	vld [tilespmem:s21+$0xC550]  }
0x77: {  	v26 =	vld [tilespmem:s21+$0xC560]  }
0x78: {  	v27 =	vld [tilespmem:s21+$0xC570]  }
0x79: {  	v28 =	vld [tilespmem:s21+$0xC900]  }
0x7a: {  	v29 =	vld [tilespmem:s21+$0xC910]  }
0x7b: {  	v30 =	vld [tilespmem:s21+$0xC920]  }
0x7c: {  	v31 =	vld [tilespmem:s21+$0xC930]  }
0x7d: {  	v32 =	vld [tilespmem:s21+$0xC940]  }
0x7e: {  	v33 =	vld [tilespmem:s21+$0xC950]  }
0x7f: {  	v34 =	vld [tilespmem:s21+$0xC960]  }
0x80: {  	v35 =	vld [tilespmem:s21+$0xC970]  }
0x81: {  	v36 =	vld [tilespmem:s21+$0xCD00]  }
0x82: {  	v37 =	vld [tilespmem:s21+$0xCD10]  }
0x83: {  	v38 =	vld [tilespmem:s21+$0xCD20]  }
0x84: {  	v39 =	vld [tilespmem:s21+$0xCD30]  }
0x85: {  	v40 =	vld [tilespmem:s21+$0xCD40]  }
0x86: {  	v41 =	vld [tilespmem:s21+$0xCD50]  }
0x87: {  	v42 =	vld [tilespmem:s21+$0xCD60]  }
0x88: {  	v43 =	vld [tilespmem:s21+$0xCD70]  }
0x89: {  	v44 =	vld [tilespmem:s21+$0xD100]  }
0x8a: {  	v45 =	vld [tilespmem:s21+$0xD110]  }
0x8b: {  	v46 =	vld [tilespmem:s21+$0xD120]  }
0x8c: {  	v47 =	vld [tilespmem:s21+$0xD130]  }
0x8d: {  	v48 =	vld [tilespmem:s21+$0xD140]  }
0x8e: {  	v49 =	vld [tilespmem:s21+$0xD150]  }
0x8f: {  	v50 =	vld [tilespmem:s21+$0xD160]  }
0x90: {  	v11 =	vld [tilespmem:s21+$0xD170]  }
0x91: {  	v10 =	vld [tilespmem:s21+$0xD500]  }
0x92: {  	v9 =	vld [tilespmem:s21+$0xD510]  }
0x93: {  	v8 =	vld [tilespmem:s21+$0xD520]  }
0x94: {  	v7 =	vld [tilespmem:s21+$0xD530]  }
0x95: {  	v6 =	vld [tilespmem:s21+$0xD540]  }
0x96: {  	v51 =	vld [tilespmem:s21+$0x100]  }
0x97: {  	v52 =	vld [tilespmem:s21+$0x110]  }
0x98: {  	v53 =	vld [tilespmem:s21+$0x120]  }
0x99: {  	v54 =	vld [tilespmem:s21+$0x130]  }
0x9a: {  	v55 =	vld [tilespmem:s21+$0x140]  }
0x9b: {  	v62 =	vld [tilespmem:s21+$0x150];
	v12 =	vadd.f32 v12, v51  }
0x9c: {  	v63 =	vld [tilespmem:s21+$0x160];
	v13 =	vadd.f32 v13, v52  }
0x9d: {  	[tilespmem:s21+$0x100] =	vst v12;
	v12 =	vadd.f32 v14, v53;
	v14 =	vld [tilespmem:s21+$0x170]  }
0x9e: {  	[tilespmem:s21+$0x110] =	vst v13;
	v13 =	vadd.f32 v15, v54;
	v15 =	vld [tilespmem:s21+$0x500]  }
0x9f: {  	[tilespmem:s21+$0x120] =	vst v12;
	v12 =	vadd.f32 v16, v55;
	v16 =	vld [tilespmem:s21+$0x510]  }
0xa0: {  	[tilespmem:s21+$0x130] =	vst v13;
	v13 =	vadd.f32 v17, v62;
	v17 =	vld [tilespmem:s21+$0x520]  }
0xa1: {  	v5 =	vld [tilespmem:s21+$0xD550]  }
0xa2: {  	[tilespmem:s21+$0x140] =	vst v12;
	v12 =	vadd.f32 v18, v63;
	v18 =	vld [tilespmem:s21+$0x570]  }
0xa3: {  	[tilespmem:s21+$0x150] =	vst v13;
	v13 =	vadd.f32 v19, v14;
	v14 =	vld [tilespmem:s21+$0x530]  }
0xa4: {  	[tilespmem:s21+$0x160] =	vst v12;
	v12 =	vadd.f32 v20, v15;
	v15 =	vld [tilespmem:s21+$0x540]  }
0xa5: {  	[tilespmem:s21+$0x170] =	vst v13;
	v13 =	vadd.f32 v21, v16;
	v16 =	vadd.f32 v22, v17;
	v17 =	vld [tilespmem:s21+$0x560]  }
0xa6: {  	[tilespmem:s21+$0x500] =	vst v12;
	v12 =	vld [tilespmem:s21+$0x550]  }
0xa7: {  	[tilespmem:s21+$0x510] =	vst v13;
	v13 =	vld [tilespmem:s21+$0x900];
	v18 =	vadd.f32 v27, v18  }
0xa8: {  	[tilespmem:s21+$0x520] =	vst v16;
	v16 =	vld [tilespmem:s21+$0x910];
	v14 =	vadd.f32 v23, v14  }
0xa9: {  	v4 =	vld [tilespmem:s21+$0xD560];
	v15 =	vadd.f32 v24, v15;
	[tilespmem:s21+$0x570] =	vst v18  }
0xaa: {  	[tilespmem:s21+$0x530] =	vst v14;
	v14 =	vld [tilespmem:s21+$0x920];
	v17 =	vadd.f32 v26, v17  }
0xab: {  	v12 =	vadd.f32 v25, v12;
	[tilespmem:s21+$0x540] =	vst v15;
	v15 =	vld [tilespmem:s21+$0x930]  }
0xac: {  	v18 =	vld [tilespmem:s21+$0x970];
	[tilespmem:s21+$0x560] =	vst v17;
	v13 =	vadd.f32 v28, v13  }
0xad: {  	v16 =	vadd.f32 v29, v16;
	[tilespmem:s21+$0x550] =	vst v12;
	v12 =	vld [tilespmem:s21+$0x940]  }
0xae: {  	v17 =	vld [tilespmem:s21+$0x950];
	[tilespmem:s21+$0x900] =	vst v13  }
0xaf: {  	[tilespmem:s21+$0x910] =	vst v16;
	v16 =	vld [tilespmem:s21+$0x960];
	v13 =	vadd.f32 v30, v14  }
0xb0: {  	v14 =	vld [tilespmem:s21+$0xD00];
	v15 =	vadd.f32 v31, v15  }
0xb1: {  	[tilespmem:s21+$0x920] =	vst v13;
	v13 =	vld [tilespmem:s21+$0xD10]  }
0xb2: {  	v12 =	vadd.f32 v32, v12;
	[tilespmem:s21+$0x930] =	vst v15;
	v15 =	vld [tilespmem:s21+$0xD20]  }
0xb3: {  	v3 =	vld [tilespmem:s21+$0xD570];
	v17 =	vadd.f32 v33, v17  }
0xb4: {  	v16 =	vadd.f32 v34, v16;
	[tilespmem:s21+$0x940] =	vst v12;
	v12 =	vld [tilespmem:s21+$0xD30]  }
0xb5: {  	[tilespmem:s21+$0x950] =	vst v17;
	v17 =	vld [tilespmem:s21+$0xD40];
	v14 =	vadd.f32 v36, v14  }
0xb6: {  	v18 =	vadd.f32 v35, v18;
	[tilespmem:s21+$0x960] =	vst v16;
	v16 =	vld [tilespmem:s21+$0xD50]  }
0xb7: {  	v13 =	vadd.f32 v37, v13;
	[tilespmem:s21+$0xD00] =	vst v14;
	v14 =	vadd.f32 v38, v15;
	v15 =	vld [tilespmem:s21+$0xD60]  }
0xb8: {  	[tilespmem:s21+$0x970] =	vst v18;
	v18 =	vld [tilespmem:s21+$0xD70]  }
0xb9: {  	[tilespmem:s21+$0xD10] =	vst v13;
	v13 =	vld [tilespmem:s21+$0x1100];
	v12 =	vadd.f32 v39, v12  }
0xba: {  	v17 =	vadd.f32 v40, v17;
	[tilespmem:s21+$0xD20] =	vst v14;
	v14 =	vld [tilespmem:s21+$0x1110]  }
0xbb: {  	v16 =	vadd.f32 v41, v16;
	[tilespmem:s21+$0xD30] =	vst v12;
	v12 =	vld [tilespmem:s21+$0x1120]  }
0xbc: {  	[tilespmem:s21+$0xD40] =	vst v17;
	v17 =	vld [tilespmem:s21+$0x1130];
	v15 =	vadd.f32 v42, v15  }
0xbd: {  	v19 =	vld [tilespmem:s21+$0x1140];
	[tilespmem:s21+$0xD50] =	vst v16;
	v16 =	vadd.f32 v43, v18  }
0xbe: {  	v18 =	vld [tilespmem:s21+$0x1150];
	v13 =	vadd.f32 v44, v13;
	[tilespmem:s21+$0xD60] =	vst v15  }
0xbf: {  	v20 =	vld [tilespmem:s21+$0x1160];
	[tilespmem:s21+$0xD70] =	vst v16;
	v14 =	vadd.f32 v45, v14  }
0xc0: {  	v16 =	vld [tilespmem:s21+$0x1170];
	[tilespmem:s21+$0x1100] =	vst v13;
	v12 =	vadd.f32 v46, v12  }
0xc1: {  	v15 =	vld [tilespmem:s21+$0x1500];
	v13 =	vadd.f32 v47, v17;
	[tilespmem:s21+$0x1110] =	vst v14  }
0xc2: {  	v14 =	vld [tilespmem:s21+$0x1510];
	[tilespmem:s21+$0x1120] =	vst v12;
	v12 =	vadd.f32 v48, v19  }
0xc3: {  	[tilespmem:s21+$0x1130] =	vst v13;
	v13 =	vld [tilespmem:s21+$0x1520];
	v18 =	vadd.f32 v49, v18  }
0xc4: {  	s22 =	simm.s32 $0x1;
	s23 =	simm.s32 $0x0;
	v17 =	vadd.f32 v50, v20;
	[tilespmem:s21+$0x1140] =	vst v12;
	v12 =	vld [tilespmem:s21+$0x1530]  }
.LBB2_2:
0xc5: {  	s24 =	sshrl.u32 s22, $0x3;
	p0 =	sne.s32 s22, $0x1F;
	[tilespmem:s21+$0x1150] =	vst v18;
	v11 =	vadd.f32 v11, v16;
	v16 =	vld [tilespmem:s21+$0x1540]  }
0xc6: {  	s23 =	sadd.s32 $0x80, s23;
	s24 =	smul.u32 $0x1800, s24;
	[tilespmem:s21+$0x1160] =	vst v17;
	v10 =	vadd.f32 v10, v15;
	v15 =	vld [tilespmem:s21+$0x1550]  }
0xc7: {  	s26 =	sand.u32 $0x380, s23;
	[tilespmem:s21+$0x1170] =	vst v11;
	v9 =	vadd.f32 v9, v14;
	v11 =	vld [tilespmem:s21+$0x1560]  }
0xc8: {  	s24 =	sor.u32 s26, s24;
	[tilespmem:s21+$0x1500] =	vst v10;
	v8 =	vadd.f32 v8, v13;
	v10 =	vld [tilespmem:s21+$0x1570]  }
0xc9: {  	v39 =	vld [tilespmem:s24+$0xC100];
	[tilespmem:s21+$0x1510] =	vst v9;
	v7 =	vadd.f32 v7, v12  }
0xca: {  	v40 =	vld [tilespmem:s24+$0xC110];
	[tilespmem:s21+$0x1520] =	vst v8;
	v6 =	vadd.f32 v6, v16  }
0xcb: {  	v41 =	vld [tilespmem:s24+$0xC120];
	[tilespmem:s21+$0x1530] =	vst v7;
	v5 =	vadd.f32 v5, v15  }
0xcc: {  	v42 =	vld [tilespmem:s24+$0xC130];
	[tilespmem:s21+$0x1540] =	vst v6;
	v4 =	vadd.f32 v4, v11  }
0xcd: {  	v43 =	vld [tilespmem:s24+$0xC140];
	[tilespmem:s21+$0x1550] =	vst v5;
	v3 =	vadd.f32 v3, v10  }
0xce: {  	v44 =	vld [tilespmem:s24+$0xC150];
	[tilespmem:s21+$0x1560] =	vst v4  }
0xcf: {  	v45 =	vld [tilespmem:s24+$0xC160];
	[tilespmem:s21+$0x1570] =	vst v3;
	s21 =	smov.u32 s24  }
0xd0: {  	v46 =	vld [tilespmem:s21+$0xC170]  }
0xd1: {  	v47 =	vld [tilespmem:s21+$0xC500]  }
0xd2: {  	v48 =	vld [tilespmem:s21+$0xC510]  }
0xd3: {  	v49 =	vld [tilespmem:s21+$0xC520]  }
0xd4: {  	v50 =	vld [tilespmem:s21+$0xC530]  }
0xd5: {  	v38 =	vld [tilespmem:s21+$0xC540]  }
0xd6: {  	v37 =	vld [tilespmem:s21+$0xC550]  }
0xd7: {  	v36 =	vld [tilespmem:s21+$0xC560]  }
0xd8: {  	v35 =	vld [tilespmem:s21+$0xC570]  }
0xd9: {  	v34 =	vld [tilespmem:s21+$0xC900]  }
0xda: {  	v33 =	vld [tilespmem:s21+$0xC910]  }
0xdb: {  	v32 =	vld [tilespmem:s21+$0xC920]  }
0xdc: {  	v31 =	vld [tilespmem:s21+$0xC930]  }
0xdd: {  	v30 =	vld [tilespmem:s21+$0xC940]  }
0xde: {  	v29 =	vld [tilespmem:s21+$0xC950]  }
0xdf: {  	v28 =	vld [tilespmem:s21+$0xC960]  }
0xe0: {  	v27 =	vld [tilespmem:s21+$0xC970]  }
0xe1: {  	v26 =	vld [tilespmem:s21+$0xCD00]  }
0xe2: {  	v25 =	vld [tilespmem:s21+$0xCD10]  }
0xe3: {  	v24 =	vld [tilespmem:s21+$0xCD20]  }
0xe4: {  	v23 =	vld [tilespmem:s21+$0xCD30]  }
0xe5: {  	v22 =	vld [tilespmem:s21+$0xCD40]  }
0xe6: {  	v21 =	vld [tilespmem:s21+$0xCD50]  }
0xe7: {  	v20 =	vld [tilespmem:s21+$0xCD60]  }
0xe8: {  	v19 =	vld [tilespmem:s21+$0xCD70]  }
0xe9: {  	v18 =	vld [tilespmem:s21+$0xD100]  }
0xea: {  	v17 =	vld [tilespmem:s21+$0xD110]  }
0xeb: {  	v16 =	vld [tilespmem:s21+$0xD120]  }
0xec: {  	v15 =	vld [tilespmem:s21+$0xD130]  }
0xed: {  	v14 =	vld [tilespmem:s21+$0xD140]  }
0xee: {  	v13 =	vld [tilespmem:s21+$0xD150]  }
0xef: {  	v12 =	vld [tilespmem:s21+$0xD160]  }
0xf0: {  	v11 =	vld [tilespmem:s21+$0xD170]  }
0xf1: {  	v10 =	vld [tilespmem:s21+$0xD500]  }
0xf2: {  	v9 =	vld [tilespmem:s21+$0xD510]  }
0xf3: {  	v8 =	vld [tilespmem:s21+$0xD520]  }
0xf4: {  	v7 =	vld [tilespmem:s21+$0xD530]  }
0xf5: {  	v6 =	vld [tilespmem:s21+$0xD540]  }
0xf6: {  	v5 =	vld [tilespmem:s21+$0xD550]  }
0xf7: {  	v4 =	vld [tilespmem:s21+$0xD560]  }
0xf8: {  	v3 =	vld [tilespmem:s21+$0xD570]  }
0xf9: {  	v51 =	vld [tilespmem:s21+$0x100]  }
0xfa: {  	v52 =	vld [tilespmem:s21+$0x110]  }
0xfb: {  	v53 =	vld [tilespmem:s21+$0x120]  }
0xfc: {  	v54 =	vld [tilespmem:s21+$0x130]  }
0xfd: {  	v55 =	vld [tilespmem:s21+$0x140]  }
0xfe: {  	v39 =	vadd.f32 v39, v51;
	v51 =	vld [tilespmem:s21+$0x150]  }
0xff: {  	v40 =	vadd.f32 v40, v52;
	v52 =	vld [tilespmem:s21+$0x160]  }
0x100: {  	[tilespmem:s21+$0x100] =	vst v39;
	v39 =	vadd.f32 v41, v53;
	v41 =	vld [tilespmem:s21+$0x170]  }
0x101: {  	[tilespmem:s21+$0x110] =	vst v40;
	v40 =	vadd.f32 v42, v54;
	v42 =	vld [tilespmem:s21+$0x500]  }
0x102: {  	[tilespmem:s21+$0x120] =	vst v39;
	v39 =	vadd.f32 v43, v55;
	v43 =	vld [tilespmem:s21+$0x510]  }
0x103: {  	[tilespmem:s21+$0x130] =	vst v40;
	v40 =	vadd.f32 v44, v51;
	v44 =	vld [tilespmem:s21+$0x520]  }
0x104: {  	[tilespmem:s21+$0x140] =	vst v39;
	v39 =	vadd.f32 v45, v52;
	v45 =	vld [tilespmem:s21+$0x530]  }
0x105: {  	[tilespmem:s21+$0x150] =	vst v40;
	v40 =	vadd.f32 v46, v41;
	v41 =	vld [tilespmem:s21+$0x540]  }
0x106: {  	[tilespmem:s21+$0x160] =	vst v39;
	v39 =	vadd.f32 v47, v42;
	v42 =	vld [tilespmem:s21+$0x550]  }
0x107: {  	[tilespmem:s21+$0x170] =	vst v40;
	v40 =	vadd.f32 v48, v43;
	v43 =	vld [tilespmem:s21+$0x560]  }
0x108: {  	[tilespmem:s21+$0x500] =	vst v39;
	v39 =	vadd.f32 v49, v44;
	v44 =	vld [tilespmem:s21+$0x570]  }
0x109: {  	[tilespmem:s21+$0x510] =	vst v40;
	v40 =	vadd.f32 v50, v45;
	v45 =	vld [tilespmem:s21+$0x900]  }
0x10a: {  	[tilespmem:s21+$0x520] =	vst v39;
	v38 =	vadd.f32 v38, v41;
	v39 =	vld [tilespmem:s21+$0x910]  }
0x10b: {  	[tilespmem:s21+$0x530] =	vst v40;
	v37 =	vadd.f32 v37, v42;
	v40 =	vld [tilespmem:s21+$0x920]  }
0x10c: {  	[tilespmem:s21+$0x540] =	vst v38;
	v36 =	vadd.f32 v36, v43;
	v38 =	vld [tilespmem:s21+$0x930]  }
0x10d: {  	[tilespmem:s21+$0x550] =	vst v37;
	v35 =	vadd.f32 v35, v44;
	v37 =	vld [tilespmem:s21+$0x940]  }
0x10e: {  	[tilespmem:s21+$0x560] =	vst v36;
	v34 =	vadd.f32 v34, v45;
	v36 =	vld [tilespmem:s21+$0x950]  }
0x10f: {  	[tilespmem:s21+$0x570] =	vst v35;
	v33 =	vadd.f32 v33, v39;
	v35 =	vld [tilespmem:s21+$0x960]  }
0x110: {  	[tilespmem:s21+$0x900] =	vst v34;
	v32 =	vadd.f32 v32, v40;
	v34 =	vld [tilespmem:s21+$0x970]  }
0x111: {  	[tilespmem:s21+$0x910] =	vst v33;
	v31 =	vadd.f32 v31, v38;
	v33 =	vld [tilespmem:s21+$0xD00]  }
0x112: {  	[tilespmem:s21+$0x920] =	vst v32;
	v30 =	vadd.f32 v30, v37;
	v32 =	vld [tilespmem:s21+$0xD10]  }
0x113: {  	[tilespmem:s21+$0x930] =	vst v31;
	v29 =	vadd.f32 v29, v36;
	v31 =	vld [tilespmem:s21+$0xD20]  }
0x114: {  	[tilespmem:s21+$0x940] =	vst v30;
	v28 =	vadd.f32 v28, v35;
	v30 =	vld [tilespmem:s21+$0xD30]  }
0x115: {  	[tilespmem:s21+$0x950] =	vst v29;
	v27 =	vadd.f32 v27, v34;
	v29 =	vld [tilespmem:s21+$0xD40]  }
0x116: {  	[tilespmem:s21+$0x960] =	vst v28;
	v26 =	vadd.f32 v26, v33;
	v28 =	vld [tilespmem:s21+$0xD50]  }
0x117: {  	[tilespmem:s21+$0x970] =	vst v27;
	v25 =	vadd.f32 v25, v32;
	v27 =	vld [tilespmem:s21+$0xD60]  }
0x118: {  	[tilespmem:s21+$0xD00] =	vst v26;
	v24 =	vadd.f32 v24, v31;
	v26 =	vld [tilespmem:s21+$0xD70]  }
0x119: {  	[tilespmem:s21+$0xD10] =	vst v25;
	v23 =	vadd.f32 v23, v30;
	v25 =	vld [tilespmem:s21+$0x1100]  }
0x11a: {  	[tilespmem:s21+$0xD20] =	vst v24;
	v22 =	vadd.f32 v22, v29;
	v24 =	vld [tilespmem:s21+$0x1110]  }
0x11b: {  	[tilespmem:s21+$0xD30] =	vst v23;
	v21 =	vadd.f32 v21, v28;
	v23 =	vld [tilespmem:s21+$0x1120]  }
0x11c: {  	[tilespmem:s21+$0xD40] =	vst v22;
	v20 =	vadd.f32 v20, v27;
	v22 =	vld [tilespmem:s21+$0x1130]  }
0x11d: {  	[tilespmem:s21+$0xD50] =	vst v21;
	v19 =	vadd.f32 v19, v26;
	v21 =	vld [tilespmem:s21+$0x1140]  }
0x11e: {  	[tilespmem:s21+$0xD60] =	vst v20;
	v18 =	vadd.f32 v18, v25;
	v20 =	vld [tilespmem:s21+$0x1150]  }
0x11f: {  	[tilespmem:s21+$0xD70] =	vst v19;
	v17 =	vadd.f32 v17, v24;
	v19 =	vld [tilespmem:s21+$0x1160]  }
.Ltmp0:
0x120: {  	[tilespmem:s21+$0x1100] =	vst v18;
	v18 =	vadd.f32 v16, v23;
	v16 =	vld [tilespmem:s21+$0x1170];
	(pc) =	sbr.rel @p0 .LBB2_2-.Ltmp0, $4  }
0x121: {  	[tilespmem:s21+$0x1110] =	vst v17;
	v17 =	vadd.f32 v15, v22;
	v15 =	vld [tilespmem:s21+$0x1500]  }
0x122: {  	[tilespmem:s21+$0x1120] =	vst v18;
	v21 =	vadd.f32 v14, v21;
	v14 =	vld [tilespmem:s21+$0x1510]  }
0x123: {  	[tilespmem:s21+$0x1130] =	vst v17;
	v18 =	vadd.f32 v13, v20;
	v13 =	vld [tilespmem:s21+$0x1520]  }
0x124: {  	s22 =	sadd.s32 $0x1, s22;
	[tilespmem:s21+$0x1140] =	vst v21;
	v17 =	vadd.f32 v12, v19;
	v12 =	vld [tilespmem:s21+$0x1530]  }
0x125: {  	[tilespmem:s21+$0x1150] =	vst v18;
	v18 =	vld [tilespmem:s21+$0x1540];
	v11 =	vadd.f32 v11, v16  }
0x126: {  	v16 =	vld [tilespmem:s21+$0x1550];
	[tilespmem:s21+$0x1160] =	vst v17;
	v10 =	vadd.f32 v10, v15  }
0x127: {  	[tilespmem:s21+$0x1170] =	vst v11;
	v9 =	vadd.f32 v9, v14;
	v11 =	vld [tilespmem:s21+$0x1560]  }
0x128: {  	[tilespmem:s21+$0x1500] =	vst v10;
	v8 =	vadd.f32 v8, v13;
	v10 =	vld [tilespmem:s21+$0x1570]  }
0x129: {  	[tilespmem:s21+$0x1510] =	vst v9;
	v7 =	vadd.f32 v7, v12  }
0x12a: {  	[tilespmem:s21+$0x1520] =	vst v8;
	v6 =	vadd.f32 v6, v18  }
0x12b: {  	v5 =	vadd.f32 v5, v16;
	[tilespmem:s21+$0x1530] =	vst v7  }
0x12c: {  	[tilespmem:s21+$0x1540] =	vst v6;
	v4 =	vadd.f32 v4, v11  }
0x12d: {  	[tilespmem:s21+$0x1550] =	vst v5;
	v3 =	vadd.f32 v3, v10  }
0x12e: {  	[tilespmem:s21+$0x1560] =	vst v4  }
0x12f: {  	s26 =	simm.s32 $0x4;
	[tilespmem:s21+$0x1570] =	vst v3  }
0x130: {  	[hbm4b:s8+s2] =	stream.linear.scatter [tilespmem:s13], [sflag:$0x2], $0x6000, $0x38;
	[tilespmem:$0x18100] =	vst v63  }
0x131: {  	s22 =	simm.s32 $0x1000;
	s21 =	smul.u32 $0x1800, s26;
	_ =	swait.ge [sflag:s19], $0x6000  }
0x132: {  	s23 =	sand.u32 $0x380, s22;
	[sflag:s19] =	ssyncset.done $0x0  }
0x133: {  	s21 =	sor.u32 s23, s21;
	[sflag:s19] =	ssyncadd.s32 $0xFFFFA000  }
0x134: {  	v12 =	vld [tilespmem:s21+$0xC100]  }
0x135: {  	v13 =	vld [tilespmem:s21+$0xC110]  }
0x136: {  	v14 =	vld [tilespmem:s21+$0xC120]  }
0x137: {  	v15 =	vld [tilespmem:s21+$0xC130]  }
0x138: {  	v16 =	vld [tilespmem:s21+$0xC140]  }
0x139: {  	v17 =	vld [tilespmem:s21+$0xC150]  }
0x13a: {  	v18 =	vld [tilespmem:s21+$0xC160]  }
0x13b: {  	v19 =	vld [tilespmem:s21+$0xC170]  }
0x13c: {  	v20 =	vld [tilespmem:s21+$0xC500]  }
0x13d: {  	v21 =	vld [tilespmem:s21+$0xC510]  }
0x13e: {  	v22 =	vld [tilespmem:s21+$0xC520]  }
0x13f: {  	v23 =	vld [tilespmem:s21+$0xC530]  }
0x140: {  	v24 =	vld [tilespmem:s21+$0xC540]  }
0x141: {  	v25 =	vld [tilespmem:s21+$0xC550]  }
0x142: {  	v26 =	vld [tilespmem:s21+$0xC560]  }
0x143: {  	v27 =	vld [tilespmem:s21+$0xC570]  }
0x144: {  	v28 =	vld [tilespmem:s21+$0xC900]  }
0x145: {  	v29 =	vld [tilespmem:s21+$0xC910]  }
0x146: {  	v30 =	vld [tilespmem:s21+$0xC920]  }
0x147: {  	v31 =	vld [tilespmem:s21+$0xC930]  }
0x148: {  	v32 =	vld [tilespmem:s21+$0xC940]  }
0x149: {  	v33 =	vld [tilespmem:s21+$0xC950]  }
0x14a: {  	v34 =	vld [tilespmem:s21+$0xC960]  }
0x14b: {  	v35 =	vld [tilespmem:s21+$0xC970]  }
0x14c: {  	v36 =	vld [tilespmem:s21+$0xCD00]  }
0x14d: {  	v37 =	vld [tilespmem:s21+$0xCD10]  }
0x14e: {  	v38 =	vld [tilespmem:s21+$0xCD20]  }
0x14f: {  	v39 =	vld [tilespmem:s21+$0xCD30]  }
0x150: {  	v40 =	vld [tilespmem:s21+$0xCD40]  }
0x151: {  	v41 =	vld [tilespmem:s21+$0xCD50]  }
0x152: {  	v42 =	vld [tilespmem:s21+$0xCD60]  }
0x153: {  	v43 =	vld [tilespmem:s21+$0xCD70]  }
0x154: {  	v44 =	vld [tilespmem:s21+$0xD100]  }
0x155: {  	v45 =	vld [tilespmem:s21+$0xD110]  }
0x156: {  	v46 =	vld [tilespmem:s21+$0xD120]  }
0x157: {  	v47 =	vld [tilespmem:s21+$0xD130]  }
0x158: {  	v48 =	vld [tilespmem:s21+$0xD140]  }
0x159: {  	v49 =	vld [tilespmem:s21+$0xD150]  }
0x15a: {  	v50 =	vld [tilespmem:s21+$0xD160]  }
0x15b: {  	v11 =	vld [tilespmem:s21+$0xD170]  }
0x15c: {  	v10 =	vld [tilespmem:s21+$0xD500]  }
0x15d: {  	v9 =	vld [tilespmem:s21+$0xD510]  }
0x15e: {  	v8 =	vld [tilespmem:s21+$0xD520]  }
0x15f: {  	v7 =	vld [tilespmem:s21+$0xD530]  }
0x160: {  	v6 =	vld [tilespmem:s21+$0xD540]  }
0x161: {  	v51 =	vld [tilespmem:s21+$0x100]  }
0x162: {  	v52 =	vld [tilespmem:s21+$0x110]  }
0x163: {  	v53 =	vld [tilespmem:s21+$0x120]  }
0x164: {  	v54 =	vld [tilespmem:s21+$0x130]  }
0x165: {  	v55 =	vld [tilespmem:s21+$0x140]  }
0x166: {  	v62 =	vld [tilespmem:s21+$0x150];
	v12 =	vadd.f32 v12, v51  }
0x167: {  	v63 =	vld [tilespmem:s21+$0x160];
	v13 =	vadd.f32 v13, v52  }
0x168: {  	[tilespmem:s21+$0x100] =	vst v12;
	v12 =	vadd.f32 v14, v53;
	v14 =	vld [tilespmem:s21+$0x170]  }
0x169: {  	[tilespmem:s21+$0x110] =	vst v13;
	v13 =	vadd.f32 v15, v54;
	v15 =	vld [tilespmem:s21+$0x500]  }
0x16a: {  	[tilespmem:s21+$0x120] =	vst v12;
	v12 =	vadd.f32 v16, v55;
	v16 =	vld [tilespmem:s21+$0x510]  }
0x16b: {  	[tilespmem:s21+$0x130] =	vst v13;
	v13 =	vadd.f32 v17, v62;
	v17 =	vld [tilespmem:s21+$0x520]  }
0x16c: {  	v5 =	vld [tilespmem:s21+$0xD550]  }
0x16d: {  	[tilespmem:s21+$0x140] =	vst v12;
	v12 =	vadd.f32 v18, v63;
	v18 =	vld [tilespmem:s21+$0x570]  }
0x16e: {  	[tilespmem:s21+$0x150] =	vst v13;
	v13 =	vadd.f32 v19, v14;
	v14 =	vld [tilespmem:s21+$0x530]  }
0x16f: {  	[tilespmem:s21+$0x160] =	vst v12;
	v12 =	vadd.f32 v20, v15;
	v15 =	vld [tilespmem:s21+$0x540]  }
0x170: {  	[tilespmem:s21+$0x170] =	vst v13;
	v13 =	vadd.f32 v21, v16;
	v16 =	vadd.f32 v22, v17;
	v17 =	vld [tilespmem:s21+$0x560]  }
0x171: {  	[tilespmem:s21+$0x500] =	vst v12;
	v12 =	vld [tilespmem:s21+$0x550]  }
0x172: {  	[tilespmem:s21+$0x510] =	vst v13;
	v13 =	vld [tilespmem:s21+$0x900];
	v18 =	vadd.f32 v27, v18  }
0x173: {  	[tilespmem:s21+$0x520] =	vst v16;
	v16 =	vld [tilespmem:s21+$0x910];
	v14 =	vadd.f32 v23, v14  }
0x174: {  	v4 =	vld [tilespmem:s21+$0xD560];
	v15 =	vadd.f32 v24, v15;
	[tilespmem:s21+$0x570] =	vst v18  }
0x175: {  	[tilespmem:s21+$0x530] =	vst v14;
	v14 =	vld [tilespmem:s21+$0x920];
	v17 =	vadd.f32 v26, v17  }
0x176: {  	v12 =	vadd.f32 v25, v12;
	[tilespmem:s21+$0x540] =	vst v15;
	v15 =	vld [tilespmem:s21+$0x930]  }
0x177: {  	v18 =	vld [tilespmem:s21+$0x970];
	[tilespmem:s21+$0x560] =	vst v17;
	v13 =	vadd.f32 v28, v13  }
0x178: {  	v16 =	vadd.f32 v29, v16;
	[tilespmem:s21+$0x550] =	vst v12;
	v12 =	vld [tilespmem:s21+$0x940]  }
0x179: {  	v17 =	vld [tilespmem:s21+$0x950];
	[tilespmem:s21+$0x900] =	vst v13  }
0x17a: {  	[tilespmem:s21+$0x910] =	vst v16;
	v16 =	vld [tilespmem:s21+$0x960];
	v13 =	vadd.f32 v30, v14  }
0x17b: {  	v14 =	vld [tilespmem:s21+$0xD00];
	v15 =	vadd.f32 v31, v15  }
0x17c: {  	[tilespmem:s21+$0x920] =	vst v13;
	v13 =	vld [tilespmem:s21+$0xD10]  }
0x17d: {  	v12 =	vadd.f32 v32, v12;
	[tilespmem:s21+$0x930] =	vst v15;
	v15 =	vld [tilespmem:s21+$0xD20]  }
0x17e: {  	v3 =	vld [tilespmem:s21+$0xD570];
	v17 =	vadd.f32 v33, v17  }
0x17f: {  	v16 =	vadd.f32 v34, v16;
	[tilespmem:s21+$0x940] =	vst v12;
	v12 =	vld [tilespmem:s21+$0xD30]  }
0x180: {  	[tilespmem:s21+$0x950] =	vst v17;
	v17 =	vld [tilespmem:s21+$0xD40];
	v14 =	vadd.f32 v36, v14  }
0x181: {  	v18 =	vadd.f32 v35, v18;
	[tilespmem:s21+$0x960] =	vst v16;
	v16 =	vld [tilespmem:s21+$0xD50]  }
0x182: {  	v13 =	vadd.f32 v37, v13;
	[tilespmem:s21+$0xD00] =	vst v14;
	v14 =	vadd.f32 v38, v15;
	v15 =	vld [tilespmem:s21+$0xD60]  }
0x183: {  	[tilespmem:s21+$0x970] =	vst v18;
	v18 =	vld [tilespmem:s21+$0xD70]  }
0x184: {  	[tilespmem:s21+$0xD10] =	vst v13;
	v13 =	vld [tilespmem:s21+$0x1100];
	v12 =	vadd.f32 v39, v12  }
0x185: {  	v17 =	vadd.f32 v40, v17;
	[tilespmem:s21+$0xD20] =	vst v14;
	v14 =	vld [tilespmem:s21+$0x1110]  }
0x186: {  	v16 =	vadd.f32 v41, v16;
	[tilespmem:s21+$0xD30] =	vst v12;
	v12 =	vld [tilespmem:s21+$0x1120]  }
0x187: {  	[tilespmem:s21+$0xD40] =	vst v17;
	v17 =	vld [tilespmem:s21+$0x1130];
	v15 =	vadd.f32 v42, v15  }
0x188: {  	v19 =	vld [tilespmem:s21+$0x1140];
	[tilespmem:s21+$0xD50] =	vst v16;
	v16 =	vadd.f32 v43, v18  }
0x189: {  	v18 =	vld [tilespmem:s21+$0x1150];
	v13 =	vadd.f32 v44, v13;
	[tilespmem:s21+$0xD60] =	vst v15  }
0x18a: {  	v20 =	vld [tilespmem:s21+$0x1160];
	[tilespmem:s21+$0xD70] =	vst v16;
	v14 =	vadd.f32 v45, v14  }
0x18b: {  	v16 =	vld [tilespmem:s21+$0x1170];
	[tilespmem:s21+$0x1100] =	vst v13;
	v12 =	vadd.f32 v46, v12  }
0x18c: {  	v15 =	vld [tilespmem:s21+$0x1500];
	v13 =	vadd.f32 v47, v17;
	[tilespmem:s21+$0x1110] =	vst v14  }
0x18d: {  	v14 =	vld [tilespmem:s21+$0x1510];
	[tilespmem:s21+$0x1120] =	vst v12;
	v12 =	vadd.f32 v48, v19  }
0x18e: {  	[tilespmem:s21+$0x1130] =	vst v13;
	v13 =	vld [tilespmem:s21+$0x1520];
	v18 =	vadd.f32 v49, v18  }
0x18f: {  	s23 =	simm.s32 $0x21;
	v17 =	vadd.f32 v50, v20;
	[tilespmem:s21+$0x1140] =	vst v12;
	v12 =	vld [tilespmem:s21+$0x1530]  }
.LBB2_4:
0x190: {  	s24 =	sshrl.u32 s23, $0x3;
	p0 =	sne.s32 s23, $0x3F;
	[tilespmem:s21+$0x1150] =	vst v18;
	v11 =	vadd.f32 v11, v16;
	v16 =	vld [tilespmem:s21+$0x1540]  }
0x191: {  	s22 =	sadd.s32 $0x80, s22;
	s24 =	smul.u32 $0x1800, s24;
	[tilespmem:s21+$0x1160] =	vst v17;
	v10 =	vadd.f32 v10, v15;
	v15 =	vld [tilespmem:s21+$0x1550]  }
0x192: {  	s26 =	sand.u32 $0x380, s22;
	[tilespmem:s21+$0x1170] =	vst v11;
	v9 =	vadd.f32 v9, v14;
	v11 =	vld [tilespmem:s21+$0x1560]  }
0x193: {  	s24 =	sor.u32 s26, s24;
	[tilespmem:s21+$0x1500] =	vst v10;
	v8 =	vadd.f32 v8, v13;
	v10 =	vld [tilespmem:s21+$0x1570]  }
0x194: {  	v39 =	vld [tilespmem:s24+$0xC100];
	[tilespmem:s21+$0x1510] =	vst v9;
	v7 =	vadd.f32 v7, v12  }
0x195: {  	v40 =	vld [tilespmem:s24+$0xC110];
	[tilespmem:s21+$0x1520] =	vst v8;
	v6 =	vadd.f32 v6, v16  }
0x196: {  	v41 =	vld [tilespmem:s24+$0xC120];
	[tilespmem:s21+$0x1530] =	vst v7;
	v5 =	vadd.f32 v5, v15  }
0x197: {  	v42 =	vld [tilespmem:s24+$0xC130];
	[tilespmem:s21+$0x1540] =	vst v6;
	v4 =	vadd.f32 v4, v11  }
0x198: {  	v43 =	vld [tilespmem:s24+$0xC140];
	[tilespmem:s21+$0x1550] =	vst v5;
	v3 =	vadd.f32 v3, v10  }
0x199: {  	v44 =	vld [tilespmem:s24+$0xC150];
	[tilespmem:s21+$0x1560] =	vst v4  }
0x19a: {  	v45 =	vld [tilespmem:s24+$0xC160];
	[tilespmem:s21+$0x1570] =	vst v3;
	s21 =	smov.u32 s24  }
0x19b: {  	v46 =	vld [tilespmem:s21+$0xC170]  }
0x19c: {  	v47 =	vld [tilespmem:s21+$0xC500]  }
0x19d: {  	v48 =	vld [tilespmem:s21+$0xC510]  }
0x19e: {  	v49 =	vld [tilespmem:s21+$0xC520]  }
0x19f: {  	v50 =	vld [tilespmem:s21+$0xC530]  }
0x1a0: {  	v38 =	vld [tilespmem:s21+$0xC540]  }
0x1a1: {  	v37 =	vld [tilespmem:s21+$0xC550]  }
0x1a2: {  	v36 =	vld [tilespmem:s21+$0xC560]  }
0x1a3: {  	v35 =	vld [tilespmem:s21+$0xC570]  }
0x1a4: {  	v34 =	vld [tilespmem:s21+$0xC900]  }
0x1a5: {  	v33 =	vld [tilespmem:s21+$0xC910]  }
0x1a6: {  	v32 =	vld [tilespmem:s21+$0xC920]  }
0x1a7: {  	v31 =	vld [tilespmem:s21+$0xC930]  }
0x1a8: {  	v30 =	vld [tilespmem:s21+$0xC940]  }
0x1a9: {  	v29 =	vld [tilespmem:s21+$0xC950]  }
0x1aa: {  	v28 =	vld [tilespmem:s21+$0xC960]  }
0x1ab: {  	v27 =	vld [tilespmem:s21+$0xC970]  }
0x1ac: {  	v26 =	vld [tilespmem:s21+$0xCD00]  }
0x1ad: {  	v25 =	vld [tilespmem:s21+$0xCD10]  }
0x1ae: {  	v24 =	vld [tilespmem:s21+$0xCD20]  }
0x1af: {  	v23 =	vld [tilespmem:s21+$0xCD30]  }
0x1b0: {  	v22 =	vld [tilespmem:s21+$0xCD40]  }
0x1b1: {  	v21 =	vld [tilespmem:s21+$0xCD50]  }
0x1b2: {  	v20 =	vld [tilespmem:s21+$0xCD60]  }
0x1b3: {  	v19 =	vld [tilespmem:s21+$0xCD70]  }
0x1b4: {  	v18 =	vld [tilespmem:s21+$0xD100]  }
0x1b5: {  	v17 =	vld [tilespmem:s21+$0xD110]  }
0x1b6: {  	v16 =	vld [tilespmem:s21+$0xD120]  }
0x1b7: {  	v15 =	vld [tilespmem:s21+$0xD130]  }
0x1b8: {  	v14 =	vld [tilespmem:s21+$0xD140]  }
0x1b9: {  	v13 =	vld [tilespmem:s21+$0xD150]  }
0x1ba: {  	v12 =	vld [tilespmem:s21+$0xD160]  }
0x1bb: {  	v11 =	vld [tilespmem:s21+$0xD170]  }
0x1bc: {  	v10 =	vld [tilespmem:s21+$0xD500]  }
0x1bd: {  	v9 =	vld [tilespmem:s21+$0xD510]  }
0x1be: {  	v8 =	vld [tilespmem:s21+$0xD520]  }
0x1bf: {  	v7 =	vld [tilespmem:s21+$0xD530]  }
0x1c0: {  	v6 =	vld [tilespmem:s21+$0xD540]  }
0x1c1: {  	v5 =	vld [tilespmem:s21+$0xD550]  }
0x1c2: {  	v4 =	vld [tilespmem:s21+$0xD560]  }
0x1c3: {  	v3 =	vld [tilespmem:s21+$0xD570]  }
0x1c4: {  	v51 =	vld [tilespmem:s21+$0x100]  }
0x1c5: {  	v52 =	vld [tilespmem:s21+$0x110]  }
0x1c6: {  	v53 =	vld [tilespmem:s21+$0x120]  }
0x1c7: {  	v54 =	vld [tilespmem:s21+$0x130]  }
0x1c8: {  	v55 =	vld [tilespmem:s21+$0x140]  }
0x1c9: {  	v39 =	vadd.f32 v39, v51;
	v51 =	vld [tilespmem:s21+$0x150]  }
0x1ca: {  	v40 =	vadd.f32 v40, v52;
	v52 =	vld [tilespmem:s21+$0x160]  }
0x1cb: {  	[tilespmem:s21+$0x100] =	vst v39;
	v39 =	vadd.f32 v41, v53;
	v41 =	vld [tilespmem:s21+$0x170]  }
0x1cc: {  	[tilespmem:s21+$0x110] =	vst v40;
	v40 =	vadd.f32 v42, v54;
	v42 =	vld [tilespmem:s21+$0x500]  }
0x1cd: {  	[tilespmem:s21+$0x120] =	vst v39;
	v39 =	vadd.f32 v43, v55;
	v43 =	vld [tilespmem:s21+$0x510]  }
0x1ce: {  	[tilespmem:s21+$0x130] =	vst v40;
	v40 =	vadd.f32 v44, v51;
	v44 =	vld [tilespmem:s21+$0x520]  }
0x1cf: {  	[tilespmem:s21+$0x140] =	vst v39;
	v39 =	vadd.f32 v45, v52;
	v45 =	vld [tilespmem:s21+$0x530]  }
0x1d0: {  	[tilespmem:s21+$0x150] =	vst v40;
	v40 =	vadd.f32 v46, v41;
	v41 =	vld [tilespmem:s21+$0x540]  }
0x1d1: {  	[tilespmem:s21+$0x160] =	vst v39;
	v39 =	vadd.f32 v47, v42;
	v42 =	vld [tilespmem:s21+$0x550]  }
0x1d2: {  	[tilespmem:s21+$0x170] =	vst v40;
	v40 =	vadd.f32 v48, v43;
	v43 =	vld [tilespmem:s21+$0x560]  }
0x1d3: {  	[tilespmem:s21+$0x500] =	vst v39;
	v39 =	vadd.f32 v49, v44;
	v44 =	vld [tilespmem:s21+$0x570]  }
0x1d4: {  	[tilespmem:s21+$0x510] =	vst v40;
	v40 =	vadd.f32 v50, v45;
	v45 =	vld [tilespmem:s21+$0x900]  }
0x1d5: {  	[tilespmem:s21+$0x520] =	vst v39;
	v38 =	vadd.f32 v38, v41;
	v39 =	vld [tilespmem:s21+$0x910]  }
0x1d6: {  	[tilespmem:s21+$0x530] =	vst v40;
	v37 =	vadd.f32 v37, v42;
	v40 =	vld [tilespmem:s21+$0x920]  }
0x1d7: {  	[tilespmem:s21+$0x540] =	vst v38;
	v36 =	vadd.f32 v36, v43;
	v38 =	vld [tilespmem:s21+$0x930]  }
0x1d8: {  	[tilespmem:s21+$0x550] =	vst v37;
	v35 =	vadd.f32 v35, v44;
	v37 =	vld [tilespmem:s21+$0x940]  }
0x1d9: {  	[tilespmem:s21+$0x560] =	vst v36;
	v34 =	vadd.f32 v34, v45;
	v36 =	vld [tilespmem:s21+$0x950]  }
0x1da: {  	[tilespmem:s21+$0x570] =	vst v35;
	v33 =	vadd.f32 v33, v39;
	v35 =	vld [tilespmem:s21+$0x960]  }
0x1db: {  	[tilespmem:s21+$0x900] =	vst v34;
	v32 =	vadd.f32 v32, v40;
	v34 =	vld [tilespmem:s21+$0x970]  }
0x1dc: {  	[tilespmem:s21+$0x910] =	vst v33;
	v31 =	vadd.f32 v31, v38;
	v33 =	vld [tilespmem:s21+$0xD00]  }
0x1dd: {  	[tilespmem:s21+$0x920] =	vst v32;
	v30 =	vadd.f32 v30, v37;
	v32 =	vld [tilespmem:s21+$0xD10]  }
0x1de: {  	[tilespmem:s21+$0x930] =	vst v31;
	v29 =	vadd.f32 v29, v36;
	v31 =	vld [tilespmem:s21+$0xD20]  }
0x1df: {  	[tilespmem:s21+$0x940] =	vst v30;
	v28 =	vadd.f32 v28, v35;
	v30 =	vld [tilespmem:s21+$0xD30]  }
0x1e0: {  	[tilespmem:s21+$0x950] =	vst v29;
	v27 =	vadd.f32 v27, v34;
	v29 =	vld [tilespmem:s21+$0xD40]  }
0x1e1: {  	[tilespmem:s21+$0x960] =	vst v28;
	v26 =	vadd.f32 v26, v33;
	v28 =	vld [tilespmem:s21+$0xD50]  }
0x1e2: {  	[tilespmem:s21+$0x970] =	vst v27;
	v25 =	vadd.f32 v25, v32;
	v27 =	vld [tilespmem:s21+$0xD60]  }
0x1e3: {  	[tilespmem:s21+$0xD00] =	vst v26;
	v24 =	vadd.f32 v24, v31;
	v26 =	vld [tilespmem:s21+$0xD70]  }
0x1e4: {  	[tilespmem:s21+$0xD10] =	vst v25;
	v23 =	vadd.f32 v23, v30;
	v25 =	vld [tilespmem:s21+$0x1100]  }
0x1e5: {  	[tilespmem:s21+$0xD20] =	vst v24;
	v22 =	vadd.f32 v22, v29;
	v24 =	vld [tilespmem:s21+$0x1110]  }
0x1e6: {  	[tilespmem:s21+$0xD30] =	vst v23;
	v21 =	vadd.f32 v21, v28;
	v23 =	vld [tilespmem:s21+$0x1120]  }
0x1e7: {  	[tilespmem:s21+$0xD40] =	vst v22;
	v20 =	vadd.f32 v20, v27;
	v22 =	vld [tilespmem:s21+$0x1130]  }
0x1e8: {  	[tilespmem:s21+$0xD50] =	vst v21;
	v19 =	vadd.f32 v19, v26;
	v21 =	vld [tilespmem:s21+$0x1140]  }
0x1e9: {  	[tilespmem:s21+$0xD60] =	vst v20;
	v18 =	vadd.f32 v18, v25;
	v20 =	vld [tilespmem:s21+$0x1150]  }
0x1ea: {  	[tilespmem:s21+$0xD70] =	vst v19;
	v17 =	vadd.f32 v17, v24;
	v19 =	vld [tilespmem:s21+$0x1160]  }
.Ltmp1:
0x1eb: {  	[tilespmem:s21+$0x1100] =	vst v18;
	v18 =	vadd.f32 v16, v23;
	v16 =	vld [tilespmem:s21+$0x1170];
	(pc) =	sbr.rel @p0 .LBB2_4-.Ltmp1, $4  }
0x1ec: {  	[tilespmem:s21+$0x1110] =	vst v17;
	v17 =	vadd.f32 v15, v22;
	v15 =	vld [tilespmem:s21+$0x1500]  }
0x1ed: {  	[tilespmem:s21+$0x1120] =	vst v18;
	v21 =	vadd.f32 v14, v21;
	v14 =	vld [tilespmem:s21+$0x1510]  }
0x1ee: {  	[tilespmem:s21+$0x1130] =	vst v17;
	v18 =	vadd.f32 v13, v20;
	v13 =	vld [tilespmem:s21+$0x1520]  }
0x1ef: {  	s23 =	sadd.s32 $0x1, s23;
	[tilespmem:s21+$0x1140] =	vst v21;
	v17 =	vadd.f32 v12, v19;
	v12 =	vld [tilespmem:s21+$0x1530]  }
0x1f0: {  	[tilespmem:s21+$0x1150] =	vst v18;
	v60 =	vld [tilespmem:s21+$0x1540];
	v11 =	vadd.f32 v11, v16  }
0x1f1: {  	v61 =	vld [tilespmem:s21+$0x1550];
	[tilespmem:s21+$0x1160] =	vst v17;
	v10 =	vadd.f32 v10, v15  }
0x1f2: {  	v62 =	vld [tilespmem:s21+$0x1560];
	[tilespmem:s21+$0x1170] =	vst v11;
	v9 =	vadd.f32 v9, v14  }
0x1f3: {  	v63 =	vld [tilespmem:s21+$0x1570];
	[tilespmem:s21+$0x1500] =	vst v10;
	v8 =	vadd.f32 v8, v13  }
0x1f4: {  	[tilespmem:s21+$0x1510] =	vst v9;
	v7 =	vadd.f32 v7, v12  }
0x1f5: {  	[tilespmem:s21+$0x1520] =	vst v8;
	v6 =	vadd.f32 v6, v60  }
0x1f6: {  	v5 =	vadd.f32 v5, v61;
	[tilespmem:s21+$0x1530] =	vst v7  }
0x1f7: {  	v4 =	vadd.f32 v4, v62;
	[tilespmem:s21+$0x1540] =	vst v6  }
0x1f8: {  	v3 =	vadd.f32 v3, v63;
	[tilespmem:s21+$0x1550] =	vst v5  }
0x1f9: {  	[tilespmem:s21+$0x1560] =	vst v4  }
0x1fa: {  	s20 =	sadd.s32 $0x1, s20;
	[tilespmem:s21+$0x1570] =	vst v3  }
0x1fb: {  	[hbm4b:s9+s2] =	stream.linear.scatter [tilespmem:s25], [sflag:$0x3], $0x6000, $0x38;
	[tilespmem:$0x18100] =	vst v63  }
0x1fc: {  	p0 =	sne.s32 s20, s10;
	_ =	swait.ge [sflag:s17], $0x6000  }
.Ltmp2:
0x1fd: {  	[sflag:s17] =	ssyncset.done $0x0;
	(pc) =	sbr.rel @p0 .LBB2_1-.Ltmp2, $4  }
0x1fe: {  	[sflag:s17] =	ssyncadd.s32 $0xFFFFA000  }
0x1ff: {  	_ =	swait.ge [sflag:s19], $0x6000  }
0x200: {  	[sflag:s19] =	ssyncset.done $0x0  }
0x201: {  	[sflag:s19] =	ssyncadd.s32 $0xFFFFA000  }
0x202: {  	_ =	sfence.sel $0x180000  }
0x203: {  	[bflag:$0x0] =	sbarrier.arrive $0xFFFF  }
0x204: {  	_ =	strace $0x9000004A  }
0x205: {  	s0 =	stileid.u32;
	[bflag:$0x2] =	sbarrier.arrive $0xFFFF  }
0x206: {  	p0 =	sne.s32 s0, $0x0;
	s0 =	rddreg [dreg:$0x2]  }
0x207: {  	s0 =	sadd.s32 @!p0 $0x100000, s0  }
0x208: {  	[sflag:s0] =	ssyncadd.tile.s32 @!p0 $0x1;
	_ =	shalt  }
.Lfunc_end2:
_tile_overlayer_lowered:
.L_overlay_start_2:
0x209: {  	(tag) =	ssettag $0x2  }
0x20a: {  	s0 =	rddreg [dreg:$0x0];
	s2 =	stileid.u32  }
0x20b: {  	s1 =	rddreg [dreg:$0x1];
	p0 =	sne.s32 s2, $0x0  }
0x20c: {  	s3 =	rddreg [dreg:$0x2];
	[bflag:$0x3] =	sbarrier.arrive $0xFFFF;
	s2 =	simm.s32 @!p0 $0x1C05  }
0x20d: {  	[timem:s3], [sflag:s2] =	dma.local @!p0 [hbm:s0], s1  }
0x20e: {  	s0 =	simm.s32 @!p0 $0x5  }
0x20f: {  	_ =	swait.ge @!p0 [sflag:s0], s1  }
0x210: {  	s1 =	ssub.s32 @!p0 $0x0, s1;
	[sflag:s0] =	ssyncset.done @!p0 $0x0  }
0x211: {  	[sflag:s0] =	ssyncadd.s32 @!p0 s1  }
0x212: {  	[bflag:$0x3] =	sbarrier.arrive $0xFFFF  }
0x213: {  	_ =	shalt  }

// kernel: kernel.7.cloned.1.call-start
scs
__scs_entry_jumppad:
0x0: {  	(pc) =	sbr.rel $0x88, $3  }
0x1: {  	(tag) =	ssettag $0x0;
	lr =	simm.s32 $0x1  }
0x2: {  	[smem:$0x3F99] =	sst lr;
	_ =	strace $0xD0000000  }
0x3: {  	_ = 	snop  }
0x4: {  	_ = 	snop  }
0x5: {  	_ = 	snop  }
0x6: {  	_ = 	snop  }
0x7: {  	_ = 	snop  }
__scs_overlays_trampoline_lowered:
0x8: {  	[smem:$0x3FA8] =	sst s0  }
0x9: {  	[smem:$0x3FA9] =	sst s1  }
0xa: {  	[smem:$0x3FAA] =	sst s2  }
0xb: {  	[smem:$0x3FAB] =	sst s3  }
0xc: {  	[smem:$0x3FAC] =	sst s4  }
0xd: {  	[smem:$0x3FAD] =	sst s5  }
0xe: {  	[smem:$0x3FAE] =	sst s6  }
0xf: {  	[smem:$0x3FAF] =	sst s7  }
0x10: {  	[smem:$0x3FB0] =	sst s8  }
0x11: {  	[smem:$0x3FB1] =	sst s9;
	s0 =	simm.s32 @!p0 $0x0  }
0x12: {  	s1 =	sld [smem:$0x3F97];
	s0 =	simm.s32 @p0 $0x1  }
0x13: {  	[smem:$0x3FB2] =	sst s0;
	s0 =	simm.s32 @!p1 $0x0  }
0x14: {  	s2 =	sld [smem:$0x3F96];
	s0 =	simm.s32 @p1 $0x1  }
0x15: {  	[smem:$0x3FB3] =	sst s0;
	s0 =	simm.s32 @!p2 $0x0  }
0x16: {  	s3 =	sld [smem:$0x3FDB];
	s0 =	simm.s32 @p2 $0x1  }
0x17: {  	s4 =	simm.s32 $0x1BF5;
	[smem:$0x3FB5] =	sst s0  }
0x18: {  	s0 =	sld [smem:$0x3F98];
	_ =	swait.ge [sflag:s4], $0x0  }
0x19: {  	s7 =	sld [smem:$0x3F99]  }
0x1a: {  	s8 =	sadd.s32 $0xFFFFE003, lr  }
0x1b: {  	s9 =	sadd.s32 $0xFFFFFEF7, lr;
	s5 =	simm.s32 $0xFFFFFFFF;
	p2 =	slt.u32 s8, $0xFFFFF086  }
0x1c: {  	p1 =	slt.u32 s9, $0xF7A;
	s5 =	simm.s32 @!p2 $0x0  }
0x1d: {  	s5 =	simm.s32 @p1 $0x1;
	p0 =	seq.s32 s7, s2  }
0x1e: {  	s7 =	smul.u32 @!p0 $0xF7A, s2;
	p2 =	seq.s32 @!p0 s5, $0x0  }
0x1f: {  	s9 =	smul.u32 $0xF7A, s1;
	s8 =	simm.s32 @!p0 $0x1BF5;
	p2 =	por !p2, p0  }
0x20: {  	[sflag:s8] =	ssyncset.s32 @!p0 $0xFFFFF086;
	s6 =	sadd.s32 @!p0 s3, s7;
	s7 =	simm.s32 @!p0 $0x108  }
0x21: {  	s3 =	sadd.s32 s3, s9;
	s6 =	sadd.s32 @!p0 $0x88, s6;
	s7 =	simm.s32 @p2 $0x1082  }
0x22: {  	[simem:s7], [sflag:s8] =	dma.local @!p0 [hbm:s6], $0xF7A  }
0x23: {  	s9 =	sor.u32 $0xD0000000, s2;
	s6 =	simm.s32 $0x108;
	_ =	swait.ge @!p0 [sflag:s8], $0x0  }
0x24: {  	s3 =	sadd.s32 $0x88, s3;
	s6 =	simm.s32 @!p1 $0x1082;
	[sflag:s4] =	ssyncset.s32 $0xFFFFF086  }
0x25: {  	[simem:s6], [sflag:s4] =	dma.local [hbm:s3], $0xF7A  }
0x26: {  	[smem:$0x3F99] =	sst s1;
	(tag) =	ssettag s2;
	_ =	strace s9  }
0x27: {  	s1 =	sld [smem:$0x3FA9]  }
0x28: {  	s2 =	sld [smem:$0x3FAA]  }
0x29: {  	s4 =	sld [smem:$0x3FAC]  }
0x2a: {  	p0 =	seq.s32 s5, $0x0;
	s5 =	sld [smem:$0x3FAD]  }
0x2b: {  	s6 =	sld [smem:$0x3FAE]  }
0x2c: {  	s7 =	sld [smem:$0x3FAF]  }
0x2d: {  	s3 =	simm.s32 $0x108;
	s8 =	sld [smem:$0x3FB0]  }
0x2e: {  	s3 =	simm.s32 @!p0 $0x1082;
	s9 =	sld [smem:$0x3FB1]  }
0x2f: {  	lr =	sadd.s32 s0, s3;
	s0 =	sld [smem:$0x3FA8]  }
0x30: {  	s3 =	sld [smem:$0x3FAB]  }
0x31: {  	[smem:$0x3FB4] =	sst s10  }
0x32: {  	s10 =	sld [smem:$0x3FB2];
	_ =	sdelay $0x3  }
0x33: {  	p0 =	seq.s32 s10, $0x1;
	s10 =	sld [smem:$0x3FB4];
	_ =	sdelay $0x3  }
0x34: {  	[smem:$0x3FB4] =	sst s10  }
0x35: {  	s10 =	sld [smem:$0x3FB3];
	_ =	sdelay $0x3  }
0x36: {  	p1 =	seq.s32 s10, $0x1;
	s10 =	sld [smem:$0x3FB4];
	_ =	sdelay $0x3  }
0x37: {  	[smem:$0x3FB4] =	sst s10  }
0x38: {  	s10 =	sld [smem:$0x3FB5]  }
0x39: {  	_ = 	snop;
	(pc) =	sbr.ind lr, $3  }
0x3a: {  	_ = 	snop  }
0x3b: {  	_ = 	snop  }
0x3c: {  	p2 =	seq.s32 s10, $0x1;
	s10 =	sld [smem:$0x3FB4]  }
0x3d: {  	_ =	shalt  }
0x3e: {  	_ =	shalt  }
0x3f: {  	_ =	shalt  }
0x40: {  	_ =	shalt  }
0x41: {  	_ =	shalt  }
0x42: {  	_ =	shalt  }
0x43: {  	_ =	shalt  }
0x44: {  	_ =	shalt  }
0x45: {  	_ =	shalt  }
0x46: {  	_ =	shalt  }
0x47: {  	_ =	shalt  }
0x48: {  	_ =	shalt  }
0x49: {  	_ =	shalt  }
0x4a: {  	_ =	shalt  }
0x4b: {  	_ =	shalt  }
0x4c: {  	_ =	shalt  }
0x4d: {  	_ =	shalt  }
0x4e: {  	_ =	shalt  }
0x4f: {  	_ =	shalt  }
0x50: {  	_ =	shalt  }
0x51: {  	_ =	shalt  }
0x52: {  	_ =	shalt  }
0x53: {  	_ =	shalt  }
0x54: {  	_ =	shalt  }
0x55: {  	_ =	shalt  }
0x56: {  	_ =	shalt  }
0x57: {  	_ =	shalt  }
0x58: {  	_ =	shalt  }
0x59: {  	_ =	shalt  }
0x5a: {  	_ =	shalt  }
0x5b: {  	_ =	shalt  }
0x5c: {  	_ =	shalt  }
0x5d: {  	_ =	shalt  }
0x5e: {  	_ =	shalt  }
0x5f: {  	_ =	shalt  }
0x60: {  	_ =	shalt  }
0x61: {  	_ =	shalt  }
0x62: {  	_ =	shalt  }
0x63: {  	_ =	shalt  }
0x64: {  	_ =	shalt  }
0x65: {  	_ =	shalt  }
0x66: {  	_ =	shalt  }
0x67: {  	_ =	shalt  }
0x68: {  	_ =	shalt  }
0x69: {  	_ =	shalt  }
0x6a: {  	_ =	shalt  }
0x6b: {  	_ =	shalt  }
0x6c: {  	_ =	shalt  }
0x6d: {  	_ =	shalt  }
0x6e: {  	_ =	shalt  }
0x6f: {  	_ =	shalt  }
0x70: {  	_ =	shalt  }
0x71: {  	_ =	shalt  }
0x72: {  	_ =	shalt  }
0x73: {  	_ =	shalt  }
0x74: {  	_ =	shalt  }
0x75: {  	_ =	shalt  }
0x76: {  	_ =	shalt  }
0x77: {  	_ =	shalt  }
0x78: {  	_ =	shalt  }
0x79: {  	_ =	shalt  }
0x7a: {  	_ =	shalt  }
0x7b: {  	_ =	shalt  }
0x7c: {  	_ =	shalt  }
0x7d: {  	_ =	shalt  }
0x7e: {  	_ =	shalt  }
0x7f: {  	_ =	shalt  }
0x80: {  	_ =	shalt  }
0x81: {  	_ =	shalt  }
0x82: {  	_ =	shalt  }
0x83: {  	_ =	shalt  }
0x84: {  	_ =	shalt  }
0x85: {  	_ =	shalt  }
0x86: {  	_ =	shalt  }
0x87: {  	_ =	shalt  }
.Lfunc_end0:
.L_simem_size_0:
called_computation_lowered:
.L_overlay_start_0:
0x88: {  	s2 =	sld [smem:$0x3FD9]  }
0x89: {  	s3 =	sld [smem:$0x3FFE];
	_ =	sdelay $0x1  }
0x8a: {  	s1 =	srdreg.scid  }
0x8b: {  	s0 =	sand.u32 $0x1, s1  }
0x8c: {  	s17 =	sshll.u32 s0, $0xA;
	s2 =	sadd.s32 s3, s2  }
0x8d: {  	s2 =	sadd.s32 s2, s17  }
0x8e: {  	[smem:$0x3FC0] =	sst s2  }
0x8f: {  	_ = 	snop  }
0x90: {  	s2 =	sld [smem:$0x3FD0];
	(tm) =	ssettm $0x1  }
0x91: {  	s18 =	sld [smem:$0x3FFB];
	_ =	sdelay $0x3  }
0x92: {  	_ =	strace s18  }
0x93: {  	s3 =	sld [smem:$0x3FFC];
	_ =	sdelay $0x3  }
0x94: {  	_ =	strace s3  }
0x95: {  	s3 =	sld [smem:$0x3FFD];
	_ =	sdelay $0x3  }
0x96: {  	_ =	strace s3  }
0x97: {  	_ =	strace $0x8FFFFFFF  }
0x98: {  	s19 =	sld [smem:$0x3FDB];
	_ =	sdelay $0x1  }
0x99: {  	s4 =	simm.s32 $_scs_section_size  }
0x9a: {  	s5 =	simm.s32 $_size__tile_overlayer_lowered;
	s6 =	simm.s32 $_tile_overlayer_lowered  }
0x9b: {  	s22 =	simm.s32 $0x1BFF;
	s21 =	sshll.u32 s6, $0x1;
	s3 =	sadd.s32 s4, s19  }
0x9c: {  	s7 =	simm.s32 $0x0;
	s20 =	sshll.u32 s5, $0x1;
	s5 =	sadd.s32 s21, s3  }
0x9d: {  	[timem:s7], [sflag:s22] =	dma.local [hbm:s5], s20  }
0x9e: {  	_ =	swait.ge [sflag:s22], s20  }
0x9f: {  	s4 =	ssub.s32 $0x0, s20;
	[sflag:s22] =	ssyncset.done $0x0  }
0xa0: {  	[sflag:s22] =	ssyncadd.s32 s4;
	_ =	sdelay $0x1  }
0xa1: {  	s23 =	simm.s32 $0x1B8B  }
0xa2: {  	_ =	swait.ge [sflag:s23], $0x1  }
0xa3: {  	[sflag:s23] =	ssyncset.done $0x0  }
0xa4: {  	s25 =	simm.s32 $0x1B8E;
	s24 =	sld [smem:$0x3FFE];
	[sflag:s23] =	ssyncadd.s32 $0xFFFFFFFF  }
0xa5: {  	s26 =	simm.s32 $execute0_lowered;
	[smem:$0x3FD2] =	sst s25  }
0xa6: {  	s5 =	sshll.u32 s26, $0x1;
	_ =	strace $0x80000046;
	[dreg:$0x1] =	wrdreg $0xFFFFFFFF  }
0xa7: {  	s28 =	simm.s32 $_size_execute0_lowered;
	s3 =	sadd.s32 s3, s5;
	[dreg:$0x0] =	wrdreg $0x0  }
0xa8: {  	s5 =	sshll.u32 s28, $0x1;
	[dreg:$0x2] =	wrdreg s3  }
0xa9: {  	[dreg:$0x3] =	wrdreg s5  }
0xaa: {  	[dreg:$0x4] =	wrdreg $0xC0  }
0xab: {  	_ =	task [dreg:s7], $0x5FFFF  }
0xac: {  	[dreg:$0x1] =	wrdreg $0xFFFFFFFF  }
0xad: {  	[dreg:$0x0] =	wrdreg $0x60  }
0xae: {  	[dreg:$0x2] =	wrdreg s2  }
0xaf: {  	[dreg:$0x3] =	wrdreg s24  }
0xb0: {  	[dreg:$0x4] =	wrdreg $0x9  }
0xb1: {  	_ =	task.clear_ibuf [dreg:s7], $0x5FFFF;
	_ =	strace $0x90000046  }
0xb2: {  	s29 =	simm.s32 $0x9;
	_ =	strace $0x80000048  }
0xb3: {  	_ =	swait.ge [sflag:s29], $0x1  }
0xb4: {  	[sflag:s29] =	ssyncadd.s32 $0xFFFFFFFF  }
0xb5: {  	_ =	strace $0x90000048  }
0xb6: {  	_ =	sfence  }
0xb7: {  	s30 =	sld [smem:$0x0];
	_ =	sdelay $0x2  }
0xb8: {  	s31 =	sshll.u32 s1, $0xD;
	s1 =	sshrl.u32 s1, $0x2  }
0xb9: {  	s3 =	sand.u32 $0x4000, s31;
	s1 =	sadd.s32 s1, s30  }
0xba: {  	s0 =	sor.u32 s3, s0;
	s1 =	sshll.u32 s1, $0x11  }
0xbb: {  	s0 =	sor.u32 s1, s0  }
0xbc: {  	s0 =	sadd.s32 $0x8F2B, s0  }
0xbd: {  	[sflag:s0] =	ssyncadd.remote.s32 $0x1  }
0xbe: {  	_ =	sfence.sel $0xFFFF  }
0xbf: {  	[dreg:$0x0] =	wrdreg $0xFFFFFFFF;
	(pc) =	sbr.abs _section_cstart, $3  }
0xc0: {  	[dreg:$0x1] =	wrdreg $0xFFFFFFFF  }
0xc1: {  	_ =	task.clear_ibuf [dreg:s7], $0x2FFFF;
	_ =	strace $0x9FFFFFFF  }
0xc2: {  	(tm) =	ssettm $0x7FFFFFFF  }
0xc3: {  	_ =	shalt  }
tec
execute0_lowered:
.L_overlay_start_1:
0x0: {  	(tag) =	ssettag $0x1  }
0x1: {  	s0 =	rddreg [dreg:$0x0]  }
0x2: {  	s5 =	rddreg [dreg:$0x1]  }
0x3: {  	s3 =	srdreg.scid;
	s1 =	stileid.u32;
	s2 =	simm.s32 $0x0  }
0x4: {  	s24 =	simm.s32 $0x900;
	s25 =	simm.s32 $0x1100;
	s26 =	simm.s32 $0x1900  }
0x5: {  	s9 =	simm.s32 $0x1;
	s10 =	simm.s32 $0x2;
	s12 =	simm.s32 $0x2900  }
0x6: {  	s13 =	simm.s32 $0x3100;
	s14 =	simm.s32 $0x3900;
	s15 =	simm.s32 $0x4100  }
0x7: {  	s16 =	simm.s32 $0x4900;
	s17 =	simm.s32 $0x5100;
	s18 =	simm.s32 $0x5900  }
0x8: {  	s19 =	simm.s32 $0x3;
	s20 =	simm.s32 $0x6900;
	s28 =	simm.s32 $0xA100  }
0x9: {  	s29 =	simm.s32 $0xA900;
	s30 =	simm.s32 $0xB100;
	[smem:$0x7FF] =	sst s2  }
0xa: {  	s31 =	simm.s32 $0xB900;
	_ =	strace $0x80000047;
	[dreg:$0x6] =	wrdreg s24  }
0xb: {  	s4 =	sand.u32 $0x1, s3;
	s21 =	sshll.u32 s1, $0x1;
	[dreg:$0x7] =	wrdreg s25  }
0xc: {  	s6 =	sor.u32 s4, s21;
	s4 =	ssub.s32 $0x2, s4;
	[dreg:$0x8] =	wrdreg s26  }
0xd: {  	s21 =	simm.s32 $0x7100;
	s24 =	simm.s32 $0x8900;
	s25 =	simm.s32 $0x9100  }
0xe: {  	s26 =	simm.s32 $0x9900;
	s3 =	sshll.u32 s6, $0x5;
	s7 =	smul.u32 $0xC000, s6  }
0xf: {  	s6 =	smul.u32 $0x1800, s6;
	s22 =	sshrl.u32 s4, $0x1;
	s8 =	sadd.s32 s3, s5  }
0x10: {  	s3 =	sadd.s32 $0xC00, s5;
	s23 =	ssub.s32 s4, s22;
	s4 =	sadd.s32 $0xD00, s5  }
0x11: {  	s5 =	sadd.s32 $0xE00, s5;
	s22 =	simm.s32 $0x7900;
	s8 =	sadd.s32 $0x800, s8  }
0x12: {  	s7 =	sshrl.u32 s7, $0x3;
	s6 =	sadd.s32 s0, s6;
	[dreg:$0x3] =	wrdreg s8  }
0x13: {  	v2 =	vlaneseq.u32;
	s0 =	sadd.s32 s0, s7;
	[dreg:$0x4] =	wrdreg s6;
	s6 =	smax.u32 s23, $0x1  }
0x14: {  	vm0 =	vmmov $0xffff;
	v1 =	vshrl.u32 v2, $0x3;
	s7 =	simm.s32 $0x100;
	s8 =	simm.s32 $0x6100;
	s0 =	sadd.s32 $0xC00, s0  }
0x15: {  	v0 =	vand.u32 $0x7, v2;
	v2 =	vor.u32 $0x8, v2;
	v1 =	vmul.u32 $0x8, v1;
	s23 =	simm.s32 $0x8100;
	[dreg:$0x5] =	wrdreg s0;
	s0 =	simm.s32 $0x4  }
.LBB2_1:
0x16: {  	s1 =	rddreg [dreg:$0x3]  }
0x17: {  	[tilespmem:s2], [sflag:$0x1] =	stream.linear.gather [hbm4b:s1+s2], $0x100, $0x38;
	[tilespmem:$0xC100] =	vst v63  }
0x18: {  	s11 =	rddreg [dreg:$0x4]  }
0x19: {  	[tilespmem:s7], [sflag:$0x2] =	stream.linear.gather [hbm4b:s11+s2], $0x6000, $0x38;
	[tilespmem:$0xC100] =	vst v63  }
0x1a: {  	s1 =	rddreg [dreg:$0x5]  }
0x1b: {  	[tilespmem:s8], [sflag:$0x3] =	stream.linear.gather [hbm4b:s1+s2], $0x6000, $0x38;
	[tilespmem:$0xC100] =	vst v63  }
0x1c: {  	_ =	swait.ge [sflag:s9], $0x100  }
0x1d: {  	[sflag:s9] =	ssyncset.done $0x0  }
0x1e: {  	[sflag:s9] =	ssyncadd.s32 $0xFFFFFF00  }
0x1f: {  	_ =	swait.ge [sflag:s10], $0x6000  }
0x20: {  	[sflag:s10] =	ssyncset.done $0x0  }
0x21: {  	[sflag:s10] =	ssyncadd.s32 $0xFFFFA000  }
0x22: {  	v3 =	vld [tilespmem:$0x0];
	_ =	sdelay $0x4  }
0x23: {  	v4 =	vshrl.u32 v3, $0x3  }
0x24: {  	v4 =	vmul.u32 $0x30, v4  }
0x25: {  	v3 =	vand.u32 $0x7, v3  }
0x26: {  	v3 =	vor.u32 v3, v4  }
0x27: {  	v4 =	vperm.xlane v3, v0;
	_ =	sdelay $0x1  }
0x28: {  	v4 =	vadd.s32 v1, v4;
	_ =	sdelay $0x3  }
0x29: {  	v3 =	vperm.xlane v3, v2  }
0x2a: {  	[hbm4b:s3+s2] =	stream.indirect_vreg.scatter [tilespmem:s7], [sflag:$0x4], $0x80, v4, vm0, $0xb8;
	[tilespmem:$0xC100] =	vst v63  }
0x2b: {  	s1 =	rddreg [dreg:$0x6];
	v3 =	vadd.s32 v1, v3  }
0x2c: {  	[hbm4b:s4+s2] =	stream.indirect_vreg.scatter [tilespmem:s1], [sflag:$0x4], $0x80, v4, vm0, $0xb8;
	[tilespmem:$0xC100] =	vst v63  }
0x2d: {  	s11 =	rddreg [dreg:$0x7]  }
0x2e: {  	[hbm4b:s5+s2] =	stream.indirect_vreg.scatter [tilespmem:s11], [sflag:$0x4], $0x80, v4, vm0, $0xb8;
	[tilespmem:$0xC100] =	vst v63  }
0x2f: {  	s1 =	rddreg [dreg:$0x8]  }
0x30: {  	[hbm4b:s3+s2] =	stream.indirect_vreg.scatter [tilespmem:s1], [sflag:$0x4], $0x80, v3, vm0, $0xb8;
	[tilespmem:$0xC100] =	vst v63  }
0x31: {  	s11 =	simm.s32 $0x2100  }
0x32: {  	[hbm4b:s4+s2] =	stream.indirect_vreg.scatter [tilespmem:s11], [sflag:$0x4], $0x80, v3, vm0, $0xb8;
	[tilespmem:$0xC100] =	vst v63  }
0x33: {  	_ = 	snop  }
0x34: {  	[hbm4b:s5+s2] =	stream.indirect_vreg.scatter [tilespmem:s12], [sflag:$0x4], $0x80, v3, vm0, $0xb8;
	[tilespmem:$0xC100] =	vst v63  }
0x35: {  	v3 =	vld [tilespmem:$0x10];
	_ =	sdelay $0x4  }
0x36: {  	v61 =	vshrl.u32 v3, $0x3  }
0x37: {  	v4 =	vmul.u32 $0x30, v61  }
0x38: {  	v3 =	vand.u32 $0x7, v3  }
0x39: {  	v3 =	vor.u32 v3, v4  }
0x3a: {  	v4 =	vperm.xlane v3, v0;
	_ =	sdelay $0x1  }
0x3b: {  	v4 =	vadd.s32 v1, v4;
	_ =	sdelay $0x3  }
0x3c: {  	v3 =	vperm.xlane v3, v2  }
0x3d: {  	[hbm4b:s3+s2] =	stream.indirect_vreg.scatter [tilespmem:s13], [sflag:$0x4], $0x80, v4, vm0, $0xb8;
	[tilespmem:$0xC100] =	vst v63  }
0x3e: {  	v3 =	vadd.s32 v1, v3  }
0x3f: {  	[hbm4b:s4+s2] =	stream.indirect_vreg.scatter [tilespmem:s14], [sflag:$0x4], $0x80, v4, vm0, $0xb8;
	[tilespmem:$0xC100] =	vst v63  }
0x40: {  	_ = 	snop  }
0x41: {  	[hbm4b:s5+s2] =	stream.indirect_vreg.scatter [tilespmem:s15], [sflag:$0x4], $0x80, v4, vm0, $0xb8;
	[tilespmem:$0xC100] =	vst v63  }
0x42: {  	_ = 	snop  }
0x43: {  	[hbm4b:s3+s2] =	stream.indirect_vreg.scatter [tilespmem:s16], [sflag:$0x4], $0x80, v3, vm0, $0xb8;
	[tilespmem:$0xC100] =	vst v63  }
0x44: {  	_ = 	snop  }
0x45: {  	[hbm4b:s4+s2] =	stream.indirect_vreg.scatter [tilespmem:s17], [sflag:$0x4], $0x80, v3, vm0, $0xb8;
	[tilespmem:$0xC100] =	vst v63  }
0x46: {  	_ = 	snop  }
0x47: {  	[hbm4b:s5+s2] =	stream.indirect_vreg.scatter [tilespmem:s18], [sflag:$0x4], $0x80, v3, vm0, $0xb8;
	[tilespmem:$0xC100] =	vst v63  }
0x48: {  	_ =	swait.ge [sflag:s19], $0x6000  }
0x49: {  	[sflag:s19] =	ssyncset.done $0x0  }
0x4a: {  	[sflag:s19] =	ssyncadd.s32 $0xFFFFA000  }
0x4b: {  	v3 =	vld [tilespmem:$0x80];
	_ =	sdelay $0x4  }
0x4c: {  	v62 =	vshrl.u32 v3, $0x3  }
0x4d: {  	v4 =	vmul.u32 $0x30, v62  }
0x4e: {  	v3 =	vand.u32 $0x7, v3  }
0x4f: {  	v3 =	vor.u32 v3, v4  }
0x50: {  	v4 =	vperm.xlane v3, v0;
	_ =	sdelay $0x1  }
0x51: {  	v4 =	vadd.s32 v1, v4;
	_ =	sdelay $0x3  }
0x52: {  	v3 =	vperm.xlane v3, v2  }
0x53: {  	[hbm4b:s3+s2] =	stream.indirect_vreg.scatter [tilespmem:s8], [sflag:$0x2], $0x80, v4, vm0, $0xb8;
	[tilespmem:$0xC100] =	vst v63  }
0x54: {  	v3 =	vadd.s32 v1, v3  }
0x55: {  	[hbm4b:s4+s2] =	stream.indirect_vreg.scatter [tilespmem:s20], [sflag:$0x2], $0x80, v4, vm0, $0xb8;
	[tilespmem:$0xC100] =	vst v63  }
0x56: {  	_ = 	snop  }
0x57: {  	[hbm4b:s5+s2] =	stream.indirect_vreg.scatter [tilespmem:s21], [sflag:$0x2], $0x80, v4, vm0, $0xb8;
	[tilespmem:$0xC100] =	vst v63  }
0x58: {  	_ = 	snop  }
0x59: {  	[hbm4b:s3+s2] =	stream.indirect_vreg.scatter [tilespmem:s22], [sflag:$0x2], $0x80, v3, vm0, $0xb8;
	[tilespmem:$0xC100] =	vst v63  }
0x5a: {  	_ = 	snop  }
0x5b: {  	[hbm4b:s4+s2] =	stream.indirect_vreg.scatter [tilespmem:s23], [sflag:$0x2], $0x80, v3, vm0, $0xb8;
	[tilespmem:$0xC100] =	vst v63  }
0x5c: {  	_ = 	snop  }
0x5d: {  	[hbm4b:s5+s2] =	stream.indirect_vreg.scatter [tilespmem:s24], [sflag:$0x2], $0x80, v3, vm0, $0xb8;
	[tilespmem:$0xC100] =	vst v63  }
0x5e: {  	v3 =	vld [tilespmem:$0x90];
	_ =	sdelay $0x4  }
0x5f: {  	v63 =	vshrl.u32 v3, $0x3  }
0x60: {  	v4 =	vmul.u32 $0x30, v63  }
0x61: {  	v3 =	vand.u32 $0x7, v3  }
0x62: {  	v3 =	vor.u32 v3, v4  }
0x63: {  	v4 =	vperm.xlane v3, v0;
	_ =	sdelay $0x1  }
0x64: {  	v4 =	vadd.s32 v1, v4;
	_ =	sdelay $0x3  }
0x65: {  	v3 =	vperm.xlane v3, v2  }
0x66: {  	[hbm4b:s3+s2] =	stream.indirect_vreg.scatter [tilespmem:s25], [sflag:$0x2], $0x80, v4, vm0, $0xb8;
	[tilespmem:$0xC100] =	vst v63  }
0x67: {  	v3 =	vadd.s32 v1, v3  }
0x68: {  	[hbm4b:s4+s2] =	stream.indirect_vreg.scatter [tilespmem:s26], [sflag:$0x2], $0x80, v4, vm0, $0xb8;
	[tilespmem:$0xC100] =	vst v63  }
0x69: {  	_ = 	snop  }
0x6a: {  	[hbm4b:s5+s2] =	stream.indirect_vreg.scatter [tilespmem:s28], [sflag:$0x2], $0x80, v4, vm0, $0xb8;
	[tilespmem:$0xC100] =	vst v63  }
0x6b: {  	_ = 	snop  }
0x6c: {  	[hbm4b:s3+s2] =	stream.indirect_vreg.scatter [tilespmem:s29], [sflag:$0x2], $0x80, v3, vm0, $0xb8;
	[tilespmem:$0xC100] =	vst v63  }
0x6d: {  	_ = 	snop  }
0x6e: {  	[hbm4b:s4+s2] =	stream.indirect_vreg.scatter [tilespmem:s30], [sflag:$0x2], $0x80, v3, vm0, $0xb8;
	[tilespmem:$0xC100] =	vst v63  }
0x6f: {  	_ = 	snop  }
0x70: {  	[hbm4b:s5+s2] =	stream.indirect_vreg.scatter [tilespmem:s31], [sflag:$0x2], $0x80, v3, vm0, $0xb8;
	[tilespmem:$0xC100] =	vst v63  }
0x71: {  	p0 =	sne.s32 s6, $0x1;
	_ =	swait.ge [sflag:s0], $0x6000  }
.Ltmp0:
0x72: {  	[sflag:s0] =	ssyncset.done $0x0;
	(pc) =	sbr.rel @p0 .LBB2_1-.Ltmp0, $4  }
0x73: {  	[sflag:s0] =	ssyncadd.s32 $0xFFFFA000  }
0x74: {  	_ =	swait.ge [sflag:s10], $0x6000  }
0x75: {  	[sflag:s10] =	ssyncset.done $0x0  }
0x76: {  	s6 =	sadd.s32 $0xFFFFFFFF, s6;
	[sflag:s10] =	ssyncadd.s32 $0xFFFFA000  }
0x77: {  	_ =	sfence.sel $0x180000  }
0x78: {  	[bflag:$0x0] =	sbarrier.arrive $0xFFFF  }
0x79: {  	_ =	strace $0x90000047  }
0x7a: {  	s0 =	stileid.u32;
	[bflag:$0x2] =	sbarrier.arrive $0xFFFF  }
0x7b: {  	p0 =	sne.s32 s0, $0x0;
	s0 =	rddreg [dreg:$0x2]  }
0x7c: {  	s0 =	sadd.s32 @!p0 $0x100000, s0  }
0x7d: {  	[sflag:s0] =	ssyncadd.tile.s32 @!p0 $0x1;
	_ =	shalt  }
.Lfunc_end2:
_tile_overlayer_lowered:
.L_overlay_start_2:
0x7e: {  	(tag) =	ssettag $0x2  }
0x7f: {  	s0 =	rddreg [dreg:$0x0];
	s2 =	stileid.u32  }
0x80: {  	s1 =	rddreg [dreg:$0x1];
	p0 =	sne.s32 s2, $0x0  }
0x81: {  	s3 =	rddreg [dreg:$0x2];
	[bflag:$0x3] =	sbarrier.arrive $0xFFFF;
	s2 =	simm.s32 @!p0 $0x1C05  }
0x82: {  	[timem:s3], [sflag:s2] =	dma.local @!p0 [hbm:s0], s1  }
0x83: {  	s0 =	simm.s32 @!p0 $0x5  }
0x84: {  	_ =	swait.ge @!p0 [sflag:s0], s1  }
0x85: {  	s1 =	ssub.s32 @!p0 $0x0, s1;
	[sflag:s0] =	ssyncset.done @!p0 $0x0  }
0x86: {  	[sflag:s0] =	ssyncadd.s32 @!p0 s1  }
0x87: {  	[bflag:$0x3] =	sbarrier.arrive $0xFFFF  }
0x88: {  	_ =	shalt  }

</sc_bundles>
